<compile_context>
chip_gen: v7x
topology: tpu7x:2x2x1
jax: 0.10.2.dev20260603
libtpu: 0.0.44.dev20260713+nightly
codegen_flags: <defaults>
</compile_context>

<pallas_src>
import functools

import jax
import jax.numpy as jnp
from jax import lax
from jax.experimental import pallas as pl
from jax.experimental.pallas import tpu as pltpu
from jax.experimental.pallas import tpu_sc as plsc

N_NODES = 10000
N_EDGES = 320000
EBLK = 128
NBLK = N_EDGES // EBLK
NC, NS = 2, 16
NPAIR = (NBLK // NS + 1) // 2 + 1
NPAIR_C = (NBLK // (NC * NS) + 1) // 2 + 1
R_MAIN = (N_NODES // NS) // 8 * 8
R_TAIL = N_NODES - NS * R_MAIN


def _sc_scatter_body(node2_hbm, edge_hbm, eidx_hbm, z64_hbm,
                     z16_hbm, ones_hbm, g_out, es_out, deg_out,
                     g_sh, es_sh, deg_sh,
                     sidx0, sidx1, gidx0, gidx1, didx0, didx1,
                     rows0, rows1, erows_v, ones_v, sem0, sem1):
    c = lax.axis_index("c")
    s = lax.axis_index("s")
    r0 = s * R_MAIN
    t0 = NS * R_MAIN

    pltpu.sync_copy(z64_hbm, g_sh.at[pl.ds(r0, R_MAIN)])
    pltpu.sync_copy(z16_hbm, es_sh.at[pl.ds(r0, R_MAIN)])
    pltpu.sync_copy(z16_hbm, deg_sh.at[pl.ds(r0, R_MAIN)])
    pltpu.sync_copy(ones_hbm, ones_v)

    @pl.when(s == 0)
    def _():
        pltpu.sync_copy(z64_hbm.at[pl.ds(0, R_TAIL)],
                        g_sh.at[pl.ds(t0, R_TAIL)])
        pltpu.sync_copy(z16_hbm.at[pl.ds(0, R_TAIL)],
                        es_sh.at[pl.ds(t0, R_TAIL)])
        pltpu.sync_copy(z16_hbm.at[pl.ds(0, R_TAIL)],
                        deg_sh.at[pl.ds(t0, R_TAIL)])

    plsc.subcore_barrier()

    def issue(tb, sidx, gidx, didx, rows, sem):
        j = tb * NS + s

        @pl.when(j < NBLK)
        def _():
            off = j * EBLK
            pltpu.sync_copy(eidx_hbm.at[0, pl.ds(off, EBLK)], sidx)
            pltpu.sync_copy(eidx_hbm.at[1, pl.ds(off, EBLK)], didx)
            for k in range(EBLK // 16):
                sl = pl.ds(k * 16, 16)
                gidx[sl] = sidx[sl] * 2 + c
            pltpu.make_async_copy(node2_hbm.at[gidx], rows, sem).start()

    def process(tb, gidx, didx, rows, sem):
        j = tb * NS + s

        @pl.when(j < NBLK)
        def _():
            off = j * EBLK
            pltpu.make_async_copy(node2_hbm.at[gidx], rows, sem).wait()
            pltpu.sync_copy(rows, g_sh.at[didx], add=True)

            @pl.when(lax.rem(j, 2) == c)
            def _():
                pltpu.sync_copy(edge_hbm.at[pl.ds(off, EBLK)], erows_v)
                pltpu.sync_copy(erows_v, es_sh.at[didx], add=True)

            @pl.when(lax.rem(j, 2) != c)
            def _():
                pltpu.sync_copy(ones_v, deg_sh.at[didx], add=True)

    issue(0, sidx0, gidx0, didx0, rows0, sem0)

    def body(t, carry):
        tb = t * 2
        issue(tb + 1, sidx1, gidx1, didx1, rows1, sem1)
        process(tb, gidx0, didx0, rows0, sem0)
        issue(tb + 2, sidx0, gidx0, didx0, rows0, sem0)
        process(tb + 1, gidx1, didx1, rows1, sem1)
        return carry

    lax.fori_loop(0, NPAIR, body, 0)
    plsc.subcore_barrier()

    pltpu.sync_copy(g_sh.at[pl.ds(r0, R_MAIN)],
                    g_out.at[c, pl.ds(r0, R_MAIN)])
    pltpu.sync_copy(es_sh.at[pl.ds(r0, R_MAIN)],
                    es_out.at[c, pl.ds(r0, R_MAIN)])
    pltpu.sync_copy(deg_sh.at[pl.ds(r0, R_MAIN)],
                    deg_out.at[c, pl.ds(r0, R_MAIN)])

    @pl.when(s == 0)
    def _():
        pltpu.sync_copy(g_sh.at[pl.ds(t0, R_TAIL)],
                        g_out.at[c, pl.ds(t0, R_TAIL)])
        pltpu.sync_copy(es_sh.at[pl.ds(t0, R_TAIL)],
                        es_out.at[c, pl.ds(t0, R_TAIL)])
        pltpu.sync_copy(deg_sh.at[pl.ds(t0, R_TAIL)],
                        deg_out.at[c, pl.ds(t0, R_TAIL)])


def _sc_scatter(node2, edge_in, eidx, z64, z16, ones16):
    mesh = plsc.VectorSubcoreMesh(core_axis_name="c", subcore_axis_name="s")
    f32 = jnp.float32
    i32 = jnp.int32
    return pl.kernel(
        _sc_scatter_body,
        out_type=(
            jax.ShapeDtypeStruct((NC, N_NODES, 64), f32),
            jax.ShapeDtypeStruct((NC, N_NODES, 16), f32),
            jax.ShapeDtypeStruct((NC, N_NODES, 16), f32),
        ),
        mesh=mesh,
        compiler_params=pltpu.CompilerParams(use_tc_tiling_on_sc=False),
        scratch_types=[
            pltpu.VMEM_SHARED((N_NODES, 64), f32),
            pltpu.VMEM_SHARED((N_NODES, 16), f32),
            pltpu.VMEM_SHARED((N_NODES, 16), f32),
            pltpu.VMEM((EBLK,), i32),
            pltpu.VMEM((EBLK,), i32),
            pltpu.VMEM((EBLK,), i32),
            pltpu.VMEM((EBLK,), i32),
            pltpu.VMEM((EBLK,), i32),
            pltpu.VMEM((EBLK,), i32),
            pltpu.VMEM((EBLK, 64), f32),
            pltpu.VMEM((EBLK, 64), f32),
            pltpu.VMEM((EBLK, 16), f32),
            pltpu.VMEM((EBLK, 16), f32),
            pltpu.SemaphoreType.DMA,
            pltpu.SemaphoreType.DMA,
        ],
    )(node2, edge_in, eidx, z64, z16, ones16)


def _sc_edge_body(hu2_hbm, hv2_hbm, eidx_hbm, eout_hbm,
                  sidx0, sidx1, didx0, didx1, a0, a1, b0, b1, nacc,
                  sema0, sema1, semb0, semb1):
    c = lax.axis_index("c")
    s = lax.axis_index("s")
    w = s * NC + c
    WROWS = EBLK // 8

    def issue(tb, sidx, didx, a_v, b_v, sem_a, sem_b):
        j = tb * (NC * NS) + w

        @pl.when(j < NBLK)
        def _():
            off = j * EBLK
            pltpu.sync_copy(eidx_hbm.at[0, pl.ds(off, EBLK)], sidx)
            pltpu.sync_copy(eidx_hbm.at[1, pl.ds(off, EBLK)], didx)
            pltpu.make_async_copy(hu2_hbm.at[sidx], a_v, sem_a).start()
            pltpu.make_async_copy(hv2_hbm.at[didx], b_v, sem_b).start()

    def process(tb, sidx, didx, a_v, b_v, sem_a, sem_b):
        j = tb * (NC * NS) + w

        @pl.when(j < NBLK)
        def _():
            pltpu.make_async_copy(hu2_hbm.at[sidx], a_v, sem_a).wait()
            pltpu.make_async_copy(hv2_hbm.at[didx], b_v, sem_b).wait()

            def add_rows(q, carry2):
                for u in range(8):
                    r = q * 8 + u
                    nacc[q, pl.ds(u * 16, 16)] = a_v[r] + b_v[r]
                return carry2

            lax.fori_loop(0, WROWS, add_rows, 0)
            pltpu.sync_copy(nacc, eout_hbm.at[pl.ds(j * WROWS, WROWS)])

    issue(0, sidx0, didx0, a0, b0, sema0, semb0)

    def body(t, carry):
        tb = t * 2
        issue(tb + 1, sidx1, didx1, a1, b1, sema1, semb1)
        process(tb, sidx0, didx0, a0, b0, sema0, semb0)
        issue(tb + 2, sidx0, didx0, a0, b0, sema0, semb0)
        process(tb + 1, sidx1, didx1, a1, b1, sema1, semb1)
        return carry

    lax.fori_loop(0, NPAIR_C, body, 0)


def _sc_edge(hu2, hv2, eidx):
    mesh = plsc.VectorSubcoreMesh(core_axis_name="c", subcore_axis_name="s")
    f32 = jnp.float32
    i32 = jnp.int32
    return pl.kernel(
        _sc_edge_body,
        out_type=jax.ShapeDtypeStruct((N_EDGES // 8, 128), f32),
        mesh=mesh,
        compiler_params=pltpu.CompilerParams(use_tc_tiling_on_sc=False),
        scratch_types=[
            pltpu.VMEM((EBLK,), i32),
            pltpu.VMEM((EBLK,), i32),
            pltpu.VMEM((EBLK,), i32),
            pltpu.VMEM((EBLK,), i32),
            pltpu.VMEM((EBLK, 16), f32),
            pltpu.VMEM((EBLK, 16), f32),
            pltpu.VMEM((EBLK, 16), f32),
            pltpu.VMEM((EBLK, 16), f32),
            pltpu.VMEM((EBLK // 8, 128), f32),
            pltpu.SemaphoreType.DMA,
            pltpu.SemaphoreType.DMA,
            pltpu.SemaphoreType.DMA,
            pltpu.SemaphoreType.DMA,
        ],
    )(hu2, hv2, eidx)


def _tc_pre_body(skip_ref, node_ref, wu_ref, wv_ref, we_ref,
                 be_ref, hu2_ref, hv2_ref):
    f32 = jnp.float32
    node = node_ref[...]
    tu = jnp.dot(node, wu_ref[...], preferred_element_type=f32)
    tv = (jnp.dot(skip_ref[...], wv_ref[0:128], preferred_element_type=f32)
          + jnp.dot(node, wv_ref[128:256], preferred_element_type=f32))
    w2 = we_ref[16:32]
    hu2_ref[...] = jnp.dot(tu, w2, preferred_element_type=f32)
    hv2_ref[...] = jnp.dot(tv, w2, preferred_element_type=f32) + be_ref[...]


def _tc_pre(skip, node_in, w_n2e_u, w_n2e_v, w_e2e, bias_e):
    f32 = jnp.float32
    nb = 1000
    grid = N_NODES // nb
    full = lambda a: pl.BlockSpec(a.shape, lambda i: (0,) * a.ndim)
    return pl.pallas_call(
        _tc_pre_body,
        grid=(grid,),
        in_specs=[
            pl.BlockSpec((nb, 128), lambda i: (i, 0)),
            pl.BlockSpec((nb, 128), lambda i: (i, 0)),
            full(w_n2e_u),
            full(w_n2e_v),
            full(w_e2e),
            pl.BlockSpec((1, 16), lambda i: (0, 0)),
        ],
        out_specs=[
            pl.BlockSpec((nb, 16), lambda i: (i, 0)),
            pl.BlockSpec((nb, 16), lambda i: (i, 0)),
        ],
        out_shape=[
            jax.ShapeDtypeStruct((N_NODES, 16), f32),
            jax.ShapeDtypeStruct((N_NODES, 16), f32),
        ],
    )(skip, node_in, w_n2e_u, w_n2e_v, w_e2e, bias_e.reshape(1, 16))


def _tc_edge_body(edge_ref, gsum_ref, wbig_ref, out_ref):
    out_ref[...] = (jnp.dot(edge_ref[...], wbig_ref[...],
                            preferred_element_type=jnp.float32)
                    + gsum_ref[...])


def _tc_edge(edge_wide, gsum_wide, w_big):
    f32 = jnp.float32
    grid = 10
    ewb = edge_wide.shape[0] // grid
    return pl.pallas_call(
        _tc_edge_body,
        grid=(grid,),
        in_specs=[
            pl.BlockSpec((ewb, 128), lambda i: (i, 0)),
            pl.BlockSpec((ewb, 128), lambda i: (i, 0)),
            pl.BlockSpec(w_big.shape, lambda i: (0, 0)),
        ],
        out_specs=pl.BlockSpec((ewb, 128), lambda i: (i, 0)),
        out_shape=jax.ShapeDtypeStruct((N_EDGES // 8, 128), f32),
    )(edge_wide, gsum_wide, w_big)


def _tc_post_body(skip_ref, node_ref, g_ref, es_ref, deg_ref,
                  wu_ref, wen_ref, wv_ref, bn_ref, out_ref):
    f32 = jnp.float32
    msg = (jnp.dot(g_ref[0], wu_ref[0:64], preferred_element_type=f32)
           + jnp.dot(g_ref[1], wu_ref[64:128], preferred_element_type=f32)
           + jnp.dot(es_ref[0] + es_ref[1], wen_ref[...],
                     preferred_element_type=f32))
    deg = deg_ref[0, :, 0:1] + deg_ref[1, :, 0:1]
    hn = msg / jnp.maximum(deg, 1.0)
    out_ref[...] = (
        jnp.dot(skip_ref[...], wv_ref[0:128], preferred_element_type=f32)
        + jnp.dot(node_ref[...], wv_ref[128:256], preferred_element_type=f32)
        + jnp.dot(hn, wv_ref[256:384], preferred_element_type=f32)
        + bn_ref[...])


def _tc_post(skip, node_in, g_p, es_p, deg_p, w_n2n_u, w_e2n, w_n2n_v,
             bias_n):
    f32 = jnp.float32
    nb = 1000
    grid = N_NODES // nb
    full = lambda a: pl.BlockSpec(a.shape, lambda i: (0,) * a.ndim)
    return pl.pallas_call(
        _tc_post_body,
        grid=(grid,),
        in_specs=[
            pl.BlockSpec((nb, 128), lambda i: (i, 0)),
            pl.BlockSpec((nb, 128), lambda i: (i, 0)),
            pl.BlockSpec((NC, nb, 64), lambda i: (0, i, 0)),
            pl.BlockSpec((NC, nb, 16), lambda i: (0, i, 0)),
            pl.BlockSpec((NC, nb, 16), lambda i: (0, i, 0)),
            full(w_n2n_u),
            full(w_e2n),
            full(w_n2n_v),
            pl.BlockSpec((1, 128), lambda i: (0, 0)),
        ],
        out_specs=pl.BlockSpec((nb, 128), lambda i: (i, 0)),
        out_shape=jax.ShapeDtypeStruct((N_NODES, 128), f32),
    )(skip, node_in, g_p, es_p, deg_p, w_n2n_u, w_e2n, w_n2n_v,
      bias_n.reshape(1, 128))


@jax.jit
def _run(Skipnode_in_feats, node_in_feats, edge_in_feats, edge_index,
         weight_n2n_u, weight_n2n_v, weight_e2n, bias_n,
         weight_n2e_u, weight_n2e_v, weight_e2e, bias_e):
    f32 = jnp.float32
    eidx = edge_index.astype(jnp.int32)
    z64 = jnp.zeros((R_MAIN, 64), f32)
    z16 = jnp.zeros((R_MAIN, 16), f32)
    ones16 = jnp.ones((EBLK, 16), f32)
    node2 = node_in_feats.reshape(2 * N_NODES, 64)

    edge_wide = edge_in_feats.reshape(N_EDGES // 8, 128)
    w_big = jnp.kron(jnp.eye(8, dtype=f32), weight_e2e[:16])
    hu2, hv2 = _tc_pre(Skipnode_in_feats, node_in_feats,
                       weight_n2e_u, weight_n2e_v, weight_e2e, bias_e)
    g_p, es_p, deg_p = _sc_scatter(node2, edge_in_feats, eidx,
                                   z64, z16, ones16)
    gsum_wide = _sc_edge(hu2, hv2, eidx)
    eout_wide = _tc_edge(edge_wide, gsum_wide, w_big)
    e_out = eout_wide.reshape(N_EDGES, 16)
    h_out = _tc_post(Skipnode_in_feats, node_in_feats, g_p, es_p, deg_p,
                     weight_n2n_u, weight_e2n, weight_n2n_v, bias_n)
    return h_out, e_out


def kernel(Skipnode_in_feats, node_in_feats, edge_in_feats, edge_index,
           weight_n2n_u, weight_n2n_v, weight_e2n, bias_n,
           weight_n2e_u, weight_n2e_v, weight_e2e, bias_e):
    return _run(Skipnode_in_feats, node_in_feats, edge_in_feats, edge_index,
                weight_n2n_u, weight_n2n_v, weight_e2n, bias_n,
                weight_n2e_u, weight_n2e_v, weight_e2e, bias_e)

# --- scband reference (transcript-rebuilt; emitter-appended) ---
"""Pipeline reference for scband-hsconv-90924457656405 (READ-ONLY COPY).

The authoritative reference and input builder live on the scoring server;
editing this copy changes nothing except your own understanding.
"""

import jax, jax.numpy as jnp
import numpy as np

N_NODES = 10000
N_EDGES = 320000
D_SKIP = 128
D_NODE_IN = 128
D_EDGE_IN = 16
D_NODE_OUT = 128
D_EDGE_OUT = 16


def _uniform(key, shape, fan_out):
    stdv = 0.2 / np.sqrt(fan_out)
    return jax.random.uniform(key, shape, minval=-stdv, maxval=stdv, dtype=jnp.float32)


def setup_inputs(seed: int = 0) -> dict:
    key = jax.random.key(seed)
    ks = jax.random.split(key, 16)
    Skipnode_in_feats = jax.random.normal(ks[0], (N_NODES, D_SKIP), dtype=jnp.float32)
    node_in_feats = jax.random.normal(ks[1], (N_NODES, D_NODE_IN), dtype=jnp.float32)
    edge_in_feats = jax.random.normal(ks[2], (N_EDGES, D_EDGE_IN), dtype=jnp.float32)
    edge_index = jax.random.randint(ks[3], (2, N_EDGES), 0, N_NODES, dtype=jnp.int64 if jax.config.jax_enable_x64 else jnp.int32)
    weight_n2n_u = _uniform(ks[4], (D_NODE_IN, D_NODE_OUT), D_NODE_OUT)
    weight_n2n_v = _uniform(ks[5], (D_SKIP + D_NODE_IN + D_NODE_OUT, D_NODE_OUT), D_NODE_OUT)
    weight_e2n = _uniform(ks[6], (D_EDGE_IN, D_NODE_OUT), D_NODE_OUT)
    bias_n = _uniform(ks[7], (D_NODE_OUT,), D_NODE_OUT)
    weight_n2e_u = _uniform(ks[8], (D_NODE_IN, D_EDGE_OUT), D_EDGE_OUT)
    weight_n2e_v = _uniform(ks[9], (D_SKIP + D_NODE_IN, D_EDGE_OUT), D_EDGE_OUT)
    weight_e2e = _uniform(ks[10], (D_EDGE_IN + D_EDGE_OUT, D_EDGE_OUT), D_EDGE_OUT)
    bias_e = _uniform(ks[11], (D_EDGE_OUT,), D_EDGE_OUT)
    return {
        "Skipnode_in_feats": Skipnode_in_feats,
        "node_in_feats": node_in_feats,
        "edge_in_feats": edge_in_feats,
        "edge_index": edge_index,
        "weight_n2n_u": weight_n2n_u,
        "weight_n2n_v": weight_n2n_v,
        "weight_e2n": weight_e2n,
        "bias_n": bias_n,
        "weight_n2e_u": weight_n2e_u,
        "weight_n2e_v": weight_n2e_v,
        "weight_e2e": weight_e2e,
        "bias_e": bias_e,
    }


def reference(Skipnode_in_feats, node_in_feats, edge_in_feats, edge_index,
              weight_n2n_u, weight_n2n_v, weight_e2n, bias_n,
              weight_n2e_u, weight_n2e_v, weight_e2e, bias_e):
    src = edge_index[0]
    dst = edge_index[1]
    n = node_in_feats.shape[0]
    # node-to-node: message = h1[src] + e1, mean-aggregated at dst
    h1 = node_in_feats @ weight_n2n_u
    e1 = edge_in_feats @ weight_e2n
    m = jnp.take(h1, src, axis=0) + e1
    msg_sum = jax.ops.segment_sum(m, dst, num_segments=n)
    deg = jax.ops.segment_sum(jnp.ones((m.shape[0],), dtype=m.dtype), dst, num_segments=n)
    h_neigh = msg_sum / jnp.maximum(deg, 1.0)[:, None]
    h_total = jnp.concatenate([Skipnode_in_feats, node_in_feats, h_neigh], axis=1)
    h_out = h_total @ weight_n2n_v + bias_n
    # node-to-edge: e2 = hu[src] + hv[dst]
    hu = node_in_feats @ weight_n2e_u
    hc = jnp.concatenate([Skipnode_in_feats, node_in_feats], axis=1)
    hv = hc @ weight_n2e_v
    e2 = jnp.take(hu, src, axis=0) + jnp.take(hv, dst, axis=0)
    e_total = jnp.concatenate([edge_in_feats, e2], axis=1)
    e_out = e_total @ weight_e2e + bias_e
    return (h_out, e_out)

if __name__ == "__main__":
    import jax
    _d = setup_inputs()
    print(jax.jit(kernel)(*tuple(_d.values())))

</pallas_src>

<mosaic_0001>
#map = affine_map<(d0, d1) -> (0, 0)>
module attributes {stable_mosaic.version = 14 : i64} {
  func.func @_sc_edge_body(%arg0: i32, %arg1: i32, %arg2: memref<10000x16xf32, #tpu.memory_space<hbm>>, %arg3: memref<10000x16xf32, #tpu.memory_space<hbm>>, %arg4: memref<2x320000xi32, #tpu.memory_space<hbm>>, %arg5: memref<40000x128xf32, #tpu.memory_space<hbm>>, %arg6: memref<128xi32, #tpu.memory_space<vmem>>, %arg7: memref<128xi32, #tpu.memory_space<vmem>>, %arg8: memref<128xi32, #tpu.memory_space<vmem>>, %arg9: memref<128xi32, #tpu.memory_space<vmem>>, %arg10: memref<128x16xf32, #tpu.memory_space<vmem>>, %arg11: memref<128x16xf32, #tpu.memory_space<vmem>>, %arg12: memref<128x16xf32, #tpu.memory_space<vmem>>, %arg13: memref<128x16xf32, #tpu.memory_space<vmem>>, %arg14: memref<16x128xf32, #tpu.memory_space<vmem>>, %arg15: memref<!tpu.dma_semaphore, #tpu.memory_space<semaphore_mem>>, %arg16: memref<!tpu.dma_semaphore, #tpu.memory_space<semaphore_mem>>, %arg17: memref<!tpu.dma_semaphore, #tpu.memory_space<semaphore_mem>>, %arg18: memref<!tpu.dma_semaphore, #tpu.memory_space<semaphore_mem>>) attributes {dimension_semantics = [#tpu.dimension_semantics<core_parallel>, #tpu.dimension_semantics<subcore_parallel>], iteration_bounds = array<i64: 2, 16>, scalar_prefetch = 0 : i64, scratch_operands = 13 : i64, tpu.core_type = #tpu.core_type<sc_vector_subcore>, window_params = [{transform_indices = #map}, {transform_indices = #map}, {transform_indices = #map}, {transform_indices = #map}]} {
    %mul3A = arith.constant 2 : i32
    %mul3A_0 = arith.muli %arg1, %mul3A : i32
    %add3A = arith.addi %mul3A_0, %arg0 : i32
    %add3A_1 = arith.constant 0 : i32
    %add3A_2 = arith.addi %add3A_1, %add3A : i32
    %lt3A = arith.constant 2500 : i32
    %lt3A_3 = arith.cmpi slt, %add3A_2, %lt3A : i32
    %convert_element_type3A = arith.extui %lt3A_3 : i1 to i32
    %cond3A = arith.constant 0 : i32
    %cond3A_4 = arith.cmpi ne, %convert_element_type3A, %cond3A : i32
    scf.if %cond3A_4 {
      %mul3A_10 = arith.constant 128 : i32
      %mul3A_11 = arith.muli %add3A_2, %mul3A_10 : i32
      %run_scoped3A = arith.constant 0 : i32
      "tpu.region"() ({
        %run_scoped3A_18 = tpu.sem_alloc : memref<!tpu.dma_semaphore, #tpu.memory_space<semaphore_mem>>
        %dma_start3A_19 = tpu.memref_slice %arg4[%run_scoped3A, %mul3A_11] : memref<2x320000xi32, #tpu.memory_space<hbm>> -> memref<1x128xi32, #tpu.memory_space<hbm>>
        %dma_start3A_20 = tpu.memref_squeeze %dma_start3A_19 : memref<1x128xi32, #tpu.memory_space<hbm>> -> memref<128xi32, #tpu.memory_space<hbm>>
        %dma_start3A_21 = tpu.memref_slice %arg4[%run_scoped3A, %mul3A_11] : memref<2x320000xi32, #tpu.memory_space<hbm>> -> memref<1x128xi32, #tpu.memory_space<hbm>>
        %dma_start3A_22 = tpu.memref_squeeze %dma_start3A_21 : memref<1x128xi32, #tpu.memory_space<hbm>> -> memref<128xi32, #tpu.memory_space<hbm>>
        tpu.enqueue_dma source(%dma_start3A_22 : memref<128xi32, #tpu.memory_space<hbm>>) target(%arg6 : memref<128xi32, #tpu.memory_space<vmem>>) target_semaphore(%run_scoped3A_18 : memref<!tpu.dma_semaphore, #tpu.memory_space<semaphore_mem>>)
        %dma_wait3A = tpu.memref_slice %arg4[%run_scoped3A, %mul3A_11] : memref<2x320000xi32, #tpu.memory_space<hbm>> -> memref<1x128xi32, #tpu.memory_space<hbm>>
        %dma_wait3A_23 = tpu.memref_squeeze %dma_wait3A : memref<1x128xi32, #tpu.memory_space<hbm>> -> memref<128xi32, #tpu.memory_space<hbm>>
        %dma_wait3A_24 = tpu.memref_slice %arg4[%run_scoped3A, %mul3A_11] : memref<2x320000xi32, #tpu.memory_space<hbm>> -> memref<1x128xi32, #tpu.memory_space<hbm>>
        %dma_wait3A_25 = tpu.memref_squeeze %dma_wait3A_24 : memref<1x128xi32, #tpu.memory_space<hbm>> -> memref<128xi32, #tpu.memory_space<hbm>>
        tpu.wait_dma2 semaphore(%run_scoped3A_18 : memref<!tpu.dma_semaphore, #tpu.memory_space<semaphore_mem>>) src(%dma_wait3A_25 : memref<128xi32, #tpu.memory_space<hbm>>) dst(%arg6 : memref<128xi32, #tpu.memory_space<vmem>>)
        tpu.yield
      }) : () -> ()
      %run_scoped3A_12 = arith.constant 1 : i32
      "tpu.region"() ({
        %run_scoped3A_18 = tpu.sem_alloc : memref<!tpu.dma_semaphore, #tpu.memory_space<semaphore_mem>>
        %dma_start3A_19 = tpu.memref_slice %arg4[%run_scoped3A_12, %mul3A_11] : memref<2x320000xi32, #tpu.memory_space<hbm>> -> memref<1x128xi32, #tpu.memory_space<hbm>>
        %dma_start3A_20 = tpu.memref_squeeze %dma_start3A_19 : memref<1x128xi32, #tpu.memory_space<hbm>> -> memref<128xi32, #tpu.memory_space<hbm>>
        %dma_start3A_21 = tpu.memref_slice %arg4[%run_scoped3A_12, %mul3A_11] : memref<2x320000xi32, #tpu.memory_space<hbm>> -> memref<1x128xi32, #tpu.memory_space<hbm>>
        %dma_start3A_22 = tpu.memref_squeeze %dma_start3A_21 : memref<1x128xi32, #tpu.memory_space<hbm>> -> memref<128xi32, #tpu.memory_space<hbm>>
        tpu.enqueue_dma source(%dma_start3A_22 : memref<128xi32, #tpu.memory_space<hbm>>) target(%arg8 : memref<128xi32, #tpu.memory_space<vmem>>) target_semaphore(%run_scoped3A_18 : memref<!tpu.dma_semaphore, #tpu.memory_space<semaphore_mem>>)
        %dma_wait3A = tpu.memref_slice %arg4[%run_scoped3A_12, %mul3A_11] : memref<2x320000xi32, #tpu.memory_space<hbm>> -> memref<1x128xi32, #tpu.memory_space<hbm>>
        %dma_wait3A_23 = tpu.memref_squeeze %dma_wait3A : memref<1x128xi32, #tpu.memory_space<hbm>> -> memref<128xi32, #tpu.memory_space<hbm>>
        %dma_wait3A_24 = tpu.memref_slice %arg4[%run_scoped3A_12, %mul3A_11] : memref<2x320000xi32, #tpu.memory_space<hbm>> -> memref<1x128xi32, #tpu.memory_space<hbm>>
        %dma_wait3A_25 = tpu.memref_squeeze %dma_wait3A_24 : memref<1x128xi32, #tpu.memory_space<hbm>> -> memref<128xi32, #tpu.memory_space<hbm>>
        tpu.wait_dma2 semaphore(%run_scoped3A_18 : memref<!tpu.dma_semaphore, #tpu.memory_space<semaphore_mem>>) src(%dma_wait3A_25 : memref<128xi32, #tpu.memory_space<hbm>>) dst(%arg8 : memref<128xi32, #tpu.memory_space<vmem>>)
        tpu.yield
      }) : () -> ()
      %dma_start3A = arith.constant 0 : i32
      %dma_start3A_13 = arith.constant 0 : i32
      %dma_start3A_14 = tpu.memref_slice %arg2[%dma_start3A, %dma_start3A_13] : memref<10000x16xf32, #tpu.memory_space<hbm>> -> memref<10000x16xf32, #tpu.memory_space<hbm>>
      tpu.enqueue_indirect_dma source(%dma_start3A_14 : memref<10000x16xf32, #tpu.memory_space<hbm>>) target(%arg10 : memref<128x16xf32, #tpu.memory_space<vmem>>) offsets(%arg6 : memref<128xi32, #tpu.memory_space<vmem>>) semaphore(%arg15 : memref<!tpu.dma_semaphore, #tpu.memory_space<semaphore_mem>>)
      %dma_start3A_15 = arith.constant 0 : i32
      %dma_start3A_16 = arith.constant 0 : i32
      %dma_start3A_17 = tpu.memref_slice %arg3[%dma_start3A_15, %dma_start3A_16] : memref<10000x16xf32, #tpu.memory_space<hbm>> -> memref<10000x16xf32, #tpu.memory_space<hbm>>
      tpu.enqueue_indirect_dma source(%dma_start3A_17 : memref<10000x16xf32, #tpu.memory_space<hbm>>) target(%arg12 : memref<128x16xf32, #tpu.memory_space<vmem>>) offsets(%arg8 : memref<128xi32, #tpu.memory_space<vmem>>) semaphore(%arg17 : memref<!tpu.dma_semaphore, #tpu.memory_space<semaphore_mem>>)
    } else {
    }
    %scan3A = arith.constant 0 : i32
    %scan3A_5 = arith.constant 0 : i32
    %scan3A_6 = arith.constant 40 : i32
    %scan3A_7 = arith.addi %scan3A_5, %scan3A_6 : i32
    %scan3A_8 = arith.constant 1 : i32
    scf.for %scan3A_10 = %scan3A_5 to %scan3A_7 step %scan3A_8  : i32 {
      %mul3A_11 = arith.constant 2 : i32
      %mul3A_12 = arith.muli %scan3A_10, %mul3A_11 : i32
      %add3A_13 = arith.constant 1 : i32
      %add3A_14 = arith.addi %mul3A_12, %add3A_13 : i32
      %mul3A_15 = arith.constant 32 : i32
      %mul3A_16 = arith.muli %add3A_14, %mul3A_15 : i32
      %add3A_17 = arith.addi %mul3A_16, %add3A : i32
      %lt3A_18 = arith.constant 2500 : i32
      %lt3A_19 = arith.cmpi slt, %add3A_17, %lt3A_18 : i32
      %convert_element_type3A_20 = arith.extui %lt3A_19 : i1 to i32
      %cond3A_21 = arith.constant 0 : i32
      %cond3A_22 = arith.cmpi ne, %convert_element_type3A_20, %cond3A_21 : i32
      scf.if %cond3A_22 {
        %mul3A_51 = arith.constant 128 : i32
        %mul3A_52 = arith.muli %add3A_17, %mul3A_51 : i32
        %run_scoped3A = arith.constant 0 : i32
        "tpu.region"() ({
          %run_scoped3A_59 = tpu.sem_alloc : memref<!tpu.dma_semaphore, #tpu.memory_space<semaphore_mem>>
          %dma_start3A_60 = tpu.memref_slice %arg4[%run_scoped3A, %mul3A_52] : memref<2x320000xi32, #tpu.memory_space<hbm>> -> memref<1x128xi32, #tpu.memory_space<hbm>>
          %dma_start3A_61 = tpu.memref_squeeze %dma_start3A_60 : memref<1x128xi32, #tpu.memory_space<hbm>> -> memref<128xi32, #tpu.memory_space<hbm>>
          %dma_start3A_62 = tpu.memref_slice %arg4[%run_scoped3A, %mul3A_52] : memref<2x320000xi32, #tpu.memory_space<hbm>> -> memref<1x128xi32, #tpu.memory_space<hbm>>
          %dma_start3A_63 = tpu.memref_squeeze %dma_start3A_62 : memref<1x128xi32, #tpu.memory_space<hbm>> -> memref<128xi32, #tpu.memory_space<hbm>>
          tpu.enqueue_dma source(%dma_start3A_63 : memref<128xi32, #tpu.memory_space<hbm>>) target(%arg7 : memref<128xi32, #tpu.memory_space<vmem>>) target_semaphore(%run_scoped3A_59 : memref<!tpu.dma_semaphore, #tpu.memory_space<semaphore_mem>>)
          %dma_wait3A = tpu.memref_slice %arg4[%run_scoped3A, %mul3A_52] : memref<2x320000xi32, #tpu.memory_space<hbm>> -> memref<1x128xi32, #tpu.memory_space<hbm>>
          %dma_wait3A_64 = tpu.memref_squeeze %dma_wait3A : memref<1x128xi32, #tpu.memory_space<hbm>> -> memref<128xi32, #tpu.memory_space<hbm>>
          %dma_wait3A_65 = tpu.memref_slice %arg4[%run_scoped3A, %mul3A_52] : memref<2x320000xi32, #tpu.memory_space<hbm>> -> memref<1x128xi32, #tpu.memory_space<hbm>>
          %dma_wait3A_66 = tpu.memref_squeeze %dma_wait3A_65 : memref<1x128xi32, #tpu.memory_space<hbm>> -> memref<128xi32, #tpu.memory_space<hbm>>
          tpu.wait_dma2 semaphore(%run_scoped3A_59 : memref<!tpu.dma_semaphore, #tpu.memory_space<semaphore_mem>>) src(%dma_wait3A_66 : memref<128xi32, #tpu.memory_space<hbm>>) dst(%arg7 : memref<128xi32, #tpu.memory_space<vmem>>)
          tpu.yield
        }) : () -> ()
        %run_scoped3A_53 = arith.constant 1 : i32
        "tpu.region"() ({
          %run_scoped3A_59 = tpu.sem_alloc : memref<!tpu.dma_semaphore, #tpu.memory_space<semaphore_mem>>
          %dma_start3A_60 = tpu.memref_slice %arg4[%run_scoped3A_53, %mul3A_52] : memref<2x320000xi32, #tpu.memory_space<hbm>> -> memref<1x128xi32, #tpu.memory_space<hbm>>
          %dma_start3A_61 = tpu.memref_squeeze %dma_start3A_60 : memref<1x128xi32, #tpu.memory_space<hbm>> -> memref<128xi32, #tpu.memory_space<hbm>>
          %dma_start3A_62 = tpu.memref_slice %arg4[%run_scoped3A_53, %mul3A_52] : memref<2x320000xi32, #tpu.memory_space<hbm>> -> memref<1x128xi32, #tpu.memory_space<hbm>>
          %dma_start3A_63 = tpu.memref_squeeze %dma_start3A_62 : memref<1x128xi32, #tpu.memory_space<hbm>> -> memref<128xi32, #tpu.memory_space<hbm>>
          tpu.enqueue_dma source(%dma_start3A_63 : memref<128xi32, #tpu.memory_space<hbm>>) target(%arg9 : memref<128xi32, #tpu.memory_space<vmem>>) target_semaphore(%run_scoped3A_59 : memref<!tpu.dma_semaphore, #tpu.memory_space<semaphore_mem>>)
          %dma_wait3A = tpu.memref_slice %arg4[%run_scoped3A_53, %mul3A_52] : memref<2x320000xi32, #tpu.memory_space<hbm>> -> memref<1x128xi32, #tpu.memory_space<hbm>>
          %dma_wait3A_64 = tpu.memref_squeeze %dma_wait3A : memref<1x128xi32, #tpu.memory_space<hbm>> -> memref<128xi32, #tpu.memory_space<hbm>>
          %dma_wait3A_65 = tpu.memref_slice %arg4[%run_scoped3A_53, %mul3A_52] : memref<2x320000xi32, #tpu.memory_space<hbm>> -> memref<1x128xi32, #tpu.memory_space<hbm>>
          %dma_wait3A_66 = tpu.memref_squeeze %dma_wait3A_65 : memref<1x128xi32, #tpu.memory_space<hbm>> -> memref<128xi32, #tpu.memory_space<hbm>>
          tpu.wait_dma2 semaphore(%run_scoped3A_59 : memref<!tpu.dma_semaphore, #tpu.memory_space<semaphore_mem>>) src(%dma_wait3A_66 : memref<128xi32, #tpu.memory_space<hbm>>) dst(%arg9 : memref<128xi32, #tpu.memory_space<vmem>>)
          tpu.yield
        }) : () -> ()
        %dma_start3A = arith.constant 0 : i32
        %dma_start3A_54 = arith.constant 0 : i32
        %dma_start3A_55 = tpu.memref_slice %arg2[%dma_start3A, %dma_start3A_54] : memref<10000x16xf32, #tpu.memory_space<hbm>> -> memref<10000x16xf32, #tpu.memory_space<hbm>>
        tpu.enqueue_indirect_dma source(%dma_start3A_55 : memref<10000x16xf32, #tpu.memory_space<hbm>>) target(%arg11 : memref<128x16xf32, #tpu.memory_space<vmem>>) offsets(%arg7 : memref<128xi32, #tpu.memory_space<vmem>>) semaphore(%arg16 : memref<!tpu.dma_semaphore, #tpu.memory_space<semaphore_mem>>)
        %dma_start3A_56 = arith.constant 0 : i32
        %dma_start3A_57 = arith.constant 0 : i32
        %dma_start3A_58 = tpu.memref_slice %arg3[%dma_start3A_56, %dma_start3A_57] : memref<10000x16xf32, #tpu.memory_space<hbm>> -> memref<10000x16xf32, #tpu.memory_space<hbm>>
        tpu.enqueue_indirect_dma source(%dma_start3A_58 : memref<10000x16xf32, #tpu.memory_space<hbm>>) target(%arg13 : memref<128x16xf32, #tpu.memory_space<vmem>>) offsets(%arg9 : memref<128xi32, #tpu.memory_space<vmem>>) semaphore(%arg18 : memref<!tpu.dma_semaphore, #tpu.memory_space<semaphore_mem>>)
      } else {
      }
      %mul3A_23 = arith.constant 32 : i32
      %mul3A_24 = arith.muli %mul3A_12, %mul3A_23 : i32
      %add3A_25 = arith.addi %mul3A_24, %add3A : i32
      %lt3A_26 = arith.constant 2500 : i32
      %lt3A_27 = arith.cmpi slt, %add3A_25, %lt3A_26 : i32
      %convert_element_type3A_28 = arith.extui %lt3A_27 : i1 to i32
      %cond3A_29 = arith.constant 0 : i32
      %cond3A_30 = arith.cmpi ne, %convert_element_type3A_28, %cond3A_29 : i32
      scf.if %cond3A_30 {
        %dma_wait3A = arith.constant 0 : i32
        %dma_wait3A_51 = arith.constant 0 : i32
        %dma_wait3A_52 = tpu.memref_slice %arg2[%dma_wait3A, %dma_wait3A_51] : memref<10000x16xf32, #tpu.memory_space<hbm>> -> memref<10000x16xf32, #tpu.memory_space<hbm>>
        tpu.wait_indirect_dma semaphore(%arg15 : memref<!tpu.dma_semaphore, #tpu.memory_space<semaphore_mem>>) src(%dma_wait3A_52 : memref<10000x16xf32, #tpu.memory_space<hbm>>) dst(%arg10 : memref<128x16xf32, #tpu.memory_space<vmem>>)
        %dma_wait3A_53 = arith.constant 0 : i32
        %dma_wait3A_54 = arith.constant 0 : i32
        %dma_wait3A_55 = tpu.memref_slice %arg3[%dma_wait3A_53, %dma_wait3A_54] : memref<10000x16xf32, #tpu.memory_space<hbm>> -> memref<10000x16xf32, #tpu.memory_space<hbm>>
        tpu.wait_indirect_dma semaphore(%arg17 : memref<!tpu.dma_semaphore, #tpu.memory_space<semaphore_mem>>) src(%dma_wait3A_55 : memref<10000x16xf32, #tpu.memory_space<hbm>>) dst(%arg12 : memref<128x16xf32, #tpu.memory_space<vmem>>)
        %scan3A_56 = arith.constant 0 : i32
        %scan3A_57 = arith.constant 0 : i32
        %scan3A_58 = arith.constant 16 : i32
        %scan3A_59 = arith.addi %scan3A_57, %scan3A_58 : i32
        %scan3A_60 = arith.constant 1 : i32
        scf.for %scan3A_64 = %scan3A_57 to %scan3A_59 step %scan3A_60  : i32 {
          %mul3A_65 = arith.constant 8 : i32
          %mul3A_66 = arith.muli %scan3A_64, %mul3A_65 : i32
          %add3A_67 = arith.constant 0 : i32
          %add3A_68 = arith.addi %mul3A_66, %add3A_67 : i32
          %get3A = arith.index_cast %add3A_68 : i32 to index
          %get3A_69 = arith.constant 0 : index
          %get3A_70 = tpu.vector_load %arg10[%get3A, %get3A_69] {strides = array<i32>} : memref<128x16xf32, #tpu.memory_space<vmem>>, vector<1x16xf32>,
          %get3A_71 = vector.shape_cast %get3A_70 : vector<1x16xf32> to vector<16xf32>
          %get3A_72 = arith.index_cast %add3A_68 : i32 to index
          %get3A_73 = arith.constant 0 : index
          %get3A_74 = tpu.vector_load %arg12[%get3A_72, %get3A_73] {strides = array<i32>} : memref<128x16xf32, #tpu.memory_space<vmem>>, vector<1x16xf32>,
          %get3A_75 = vector.shape_cast %get3A_74 : vector<1x16xf32> to vector<16xf32>
          %add3A_76 = arith.addf %get3A_71, %get3A_75 : vector<16xf32>
          %swap3A = arith.index_cast %scan3A_64 : i32 to index
          %swap3A_77 = arith.constant 0 : index
          %swap3A_78 = tpu.vector_load %arg14[%swap3A, %swap3A_77] {strides = array<i32>} : memref<16x128xf32, #tpu.memory_space<vmem>>, vector<1x16xf32>,
          %swap3A_79 = vector.shape_cast %swap3A_78 : vector<1x16xf32> to vector<16xf32>
          %swap3A_80 = vector.shape_cast %add3A_76 : vector<16xf32> to vector<1x16xf32>
          tpu.vector_store %arg14[%swap3A, %swap3A_77], %swap3A_80 {strides = array<i32>} : memref<16x128xf32, #tpu.memory_space<vmem>>, vector<1x16xf32>,
          %mul3A_81 = arith.constant 8 : i32
          %mul3A_82 = arith.muli %scan3A_64, %mul3A_81 : i32
          %add3A_83 = arith.constant 1 : i32
          %add3A_84 = arith.addi %mul3A_82, %add3A_83 : i32
          %get3A_85 = arith.index_cast %add3A_84 : i32 to index
          %get3A_86 = arith.constant 0 : index
          %get3A_87 = tpu.vector_load %arg10[%get3A_85, %get3A_86] {strides = array<i32>} : memref<128x16xf32, #tpu.memory_space<vmem>>, vector<1x16xf32>,
          %get3A_88 = vector.shape_cast %get3A_87 : vector<1x16xf32> to vector<16xf32>
          %get3A_89 = arith.index_cast %add3A_84 : i32 to index
          %get3A_90 = arith.constant 0 : index
          %get3A_91 = tpu.vector_load %arg12[%get3A_89, %get3A_90] {strides = array<i32>} : memref<128x16xf32, #tpu.memory_space<vmem>>, vector<1x16xf32>,
          %get3A_92 = vector.shape_cast %get3A_91 : vector<1x16xf32> to vector<16xf32>
          %add3A_93 = arith.addf %get3A_88, %get3A_92 : vector<16xf32>
          %swap3A_94 = arith.index_cast %scan3A_64 : i32 to index
          %swap3A_95 = arith.constant 16 : index
          %swap3A_96 = tpu.vector_load %arg14[%swap3A_94, %swap3A_95] {strides = array<i32>} : memref<16x128xf32, #tpu.memory_space<vmem>>, vector<1x16xf32>,
          %swap3A_97 = vector.shape_cast %swap3A_96 : vector<1x16xf32> to vector<16xf32>
          %swap3A_98 = vector.shape_cast %add3A_93 : vector<16xf32> to vector<1x16xf32>
          tpu.vector_store %arg14[%swap3A_94, %swap3A_95], %swap3A_98 {strides = array<i32>} : memref<16x128xf32, #tpu.memory_space<vmem>>, vector<1x16xf32>,
          %mul3A_99 = arith.constant 8 : i32
          %mul3A_100 = arith.muli %scan3A_64, %mul3A_99 : i32
          %add3A_101 = arith.constant 2 : i32
          %add3A_102 = arith.addi %mul3A_100, %add3A_101 : i32
          %get3A_103 = arith.index_cast %add3A_102 : i32 to index
          %get3A_104 = arith.constant 0 : index
          %get3A_105 = tpu.vector_load %arg10[%get3A_103, %get3A_104] {strides = array<i32>} : memref<128x16xf32, #tpu.memory_space<vmem>>, vector<1x16xf32>,
          %get3A_106 = vector.shape_cast %get3A_105 : vector<1x16xf32> to vector<16xf32>
          %get3A_107 = arith.index_cast %add3A_102 : i32 to index
          %get3A_108 = arith.constant 0 : index
          %get3A_109 = tpu.vector_load %arg12[%get3A_107, %get3A_108] {strides = array<i32>} : memref<128x16xf32, #tpu.memory_space<vmem>>, vector<1x16xf32>,
          %get3A_110 = vector.shape_cast %get3A_109 : vector<1x16xf32> to vector<16xf32>
          %add3A_111 = arith.addf %get3A_106, %get3A_110 : vector<16xf32>
          %swap3A_112 = arith.index_cast %scan3A_64 : i32 to index
          %swap3A_113 = arith.constant 32 : index
          %swap3A_114 = tpu.vector_load %arg14[%swap3A_112, %swap3A_113] {strides = array<i32>} : memref<16x128xf32, #tpu.memory_space<vmem>>, vector<1x16xf32>,
          %swap3A_115 = vector.shape_cast %swap3A_114 : vector<1x16xf32> to vector<16xf32>
          %swap3A_116 = vector.shape_cast %add3A_111 : vector<16xf32> to vector<1x16xf32>
          tpu.vector_store %arg14[%swap3A_112, %swap3A_113], %swap3A_116 {strides = array<i32>} : memref<16x128xf32, #tpu.memory_space<vmem>>, vector<1x16xf32>,
          %mul3A_117 = arith.constant 8 : i32
          %mul3A_118 = arith.muli %scan3A_64, %mul3A_117 : i32
          %add3A_119 = arith.constant 3 : i32
          %add3A_120 = arith.addi %mul3A_118, %add3A_119 : i32
          %get3A_121 = arith.index_cast %add3A_120 : i32 to index
          %get3A_122 = arith.constant 0 : index
          %get3A_123 = tpu.vector_load %arg10[%get3A_121, %get3A_122] {strides = array<i32>} : memref<128x16xf32, #tpu.memory_space<vmem>>, vector<1x16xf32>,
          %get3A_124 = vector.shape_cast %get3A_123 : vector<1x16xf32> to vector<16xf32>
          %get3A_125 = arith.index_cast %add3A_120 : i32 to index
          %get3A_126 = arith.constant 0 : index
          %get3A_127 = tpu.vector_load %arg12[%get3A_125, %get3A_126] {strides = array<i32>} : memref<128x16xf32, #tpu.memory_space<vmem>>, vector<1x16xf32>,
          %get3A_128 = vector.shape_cast %get3A_127 : vector<1x16xf32> to vector<16xf32>
          %add3A_129 = arith.addf %get3A_124, %get3A_128 : vector<16xf32>
          %swap3A_130 = arith.index_cast %scan3A_64 : i32 to index
          %swap3A_131 = arith.constant 48 : index
          %swap3A_132 = tpu.vector_load %arg14[%swap3A_130, %swap3A_131] {strides = array<i32>} : memref<16x128xf32, #tpu.memory_space<vmem>>, vector<1x16xf32>,
          %swap3A_133 = vector.shape_cast %swap3A_132 : vector<1x16xf32> to vector<16xf32>
          %swap3A_134 = vector.shape_cast %add3A_129 : vector<16xf32> to vector<1x16xf32>
          tpu.vector_store %arg14[%swap3A_130, %swap3A_131], %swap3A_134 {strides = array<i32>} : memref<16x128xf32, #tpu.memory_space<vmem>>, vector<1x16xf32>,
          %mul3A_135 = arith.constant 8 : i32
          %mul3A_136 = arith.muli %scan3A_64, %mul3A_135 : i32
          %add3A_137 = arith.constant 4 : i32
          %add3A_138 = arith.addi %mul3A_136, %add3A_137 : i32
          %get3A_139 = arith.index_cast %add3A_138 : i32 to index
          %get3A_140 = arith.constant 0 : index
          %get3A_141 = tpu.vector_load %arg10[%get3A_139, %get3A_140] {strides = array<i32>} : memref<128x16xf32, #tpu.memory_space<vmem>>, vector<1x16xf32>,
          %get3A_142 = vector.shape_cast %get3A_141 : vector<1x16xf32> to vector<16xf32>
          %get3A_143 = arith.index_cast %add3A_138 : i32 to index
          %get3A_144 = arith.constant 0 : index
          %get3A_145 = tpu.vector_load %arg12[%get3A_143, %get3A_144] {strides = array<i32>} : memref<128x16xf32, #tpu.memory_space<vmem>>, vector<1x16xf32>,
          %get3A_146 = vector.shape_cast %get3A_145 : vector<1x16xf32> to vector<16xf32>
          %add3A_147 = arith.addf %get3A_142, %get3A_146 : vector<16xf32>
          %swap3A_148 = arith.index_cast %scan3A_64 : i32 to index
          %swap3A_149 = arith.constant 64 : index
          %swap3A_150 = tpu.vector_load %arg14[%swap3A_148, %swap3A_149] {strides = array<i32>} : memref<16x128xf32, #tpu.memory_space<vmem>>, vector<1x16xf32>,
          %swap3A_151 = vector.shape_cast %swap3A_150 : vector<1x16xf32> to vector<16xf32>
          %swap3A_152 = vector.shape_cast %add3A_147 : vector<16xf32> to vector<1x16xf32>
          tpu.vector_store %arg14[%swap3A_148, %swap3A_149], %swap3A_152 {strides = array<i32>} : memref<16x128xf32, #tpu.memory_space<vmem>>, vector<1x16xf32>,
          %mul3A_153 = arith.constant 8 : i32
          %mul3A_154 = arith.muli %scan3A_64, %mul3A_153 : i32
          %add3A_155 = arith.constant 5 : i32
          %add3A_156 = arith.addi %mul3A_154, %add3A_155 : i32
          %get3A_157 = arith.index_cast %add3A_156 : i32 to index
          %get3A_158 = arith.constant 0 : index
          %get3A_159 = tpu.vector_load %arg10[%get3A_157, %get3A_158] {strides = array<i32>} : memref<128x16xf32, #tpu.memory_space<vmem>>, vector<1x16xf32>,
          %get3A_160 = vector.shape_cast %get3A_159 : vector<1x16xf32> to vector<16xf32>
          %get3A_161 = arith.index_cast %add3A_156 : i32 to index
          %get3A_162 = arith.constant 0 : index
          %get3A_163 = tpu.vector_load %arg12[%get3A_161, %get3A_162] {strides = array<i32>} : memref<128x16xf32, #tpu.memory_space<vmem>>, vector<1x16xf32>,
          %get3A_164 = vector.shape_cast %get3A_163 : vector<1x16xf32> to vector<16xf32>
          %add3A_165 = arith.addf %get3A_160, %get3A_164 : vector<16xf32>
          %swap3A_166 = arith.index_cast %scan3A_64 : i32 to index
          %swap3A_167 = arith.constant 80 : index
          %swap3A_168 = tpu.vector_load %arg14[%swap3A_166, %swap3A_167] {strides = array<i32>} : memref<16x128xf32, #tpu.memory_space<vmem>>, vector<1x16xf32>,
          %swap3A_169 = vector.shape_cast %swap3A_168 : vector<1x16xf32> to vector<16xf32>
          %swap3A_170 = vector.shape_cast %add3A_165 : vector<16xf32> to vector<1x16xf32>
          tpu.vector_store %arg14[%swap3A_166, %swap3A_167], %swap3A_170 {strides = array<i32>} : memref<16x128xf32, #tpu.memory_space<vmem>>, vector<1x16xf32>,
          %mul3A_171 = arith.constant 8 : i32
          %mul3A_172 = arith.muli %scan3A_64, %mul3A_171 : i32
          %add3A_173 = arith.constant 6 : i32
          %add3A_174 = arith.addi %mul3A_172, %add3A_173 : i32
          %get3A_175 = arith.index_cast %add3A_174 : i32 to index
          %get3A_176 = arith.constant 0 : index
          %get3A_177 = tpu.vector_load %arg10[%get3A_175, %get3A_176] {strides = array<i32>} : memref<128x16xf32, #tpu.memory_space<vmem>>, vector<1x16xf32>,
          %get3A_178 = vector.shape_cast %get3A_177 : vector<1x16xf32> to vector<16xf32>
          %get3A_179 = arith.index_cast %add3A_174 : i32 to index
          %get3A_180 = arith.constant 0 : index
          %get3A_181 = tpu.vector_load %arg12[%get3A_179, %get3A_180] {strides = array<i32>} : memref<128x16xf32, #tpu.memory_space<vmem>>, vector<1x16xf32>,
          %get3A_182 = vector.shape_cast %get3A_181 : vector<1x16xf32> to vector<16xf32>
          %add3A_183 = arith.addf %get3A_178, %get3A_182 : vector<16xf32>
          %swap3A_184 = arith.index_cast %scan3A_64 : i32 to index
          %swap3A_185 = arith.constant 96 : index
          %swap3A_186 = tpu.vector_load %arg14[%swap3A_184, %swap3A_185] {strides = array<i32>} : memref<16x128xf32, #tpu.memory_space<vmem>>, vector<1x16xf32>,
          %swap3A_187 = vector.shape_cast %swap3A_186 : vector<1x16xf32> to vector<16xf32>
          %swap3A_188 = vector.shape_cast %add3A_183 : vector<16xf32> to vector<1x16xf32>
          tpu.vector_store %arg14[%swap3A_184, %swap3A_185], %swap3A_188 {strides = array<i32>} : memref<16x128xf32, #tpu.memory_space<vmem>>, vector<1x16xf32>,
          %mul3A_189 = arith.constant 8 : i32
          %mul3A_190 = arith.muli %scan3A_64, %mul3A_189 : i32
          %add3A_191 = arith.constant 7 : i32
          %add3A_192 = arith.addi %mul3A_190, %add3A_191 : i32
          %get3A_193 = arith.index_cast %add3A_192 : i32 to index
          %get3A_194 = arith.constant 0 : index
          %get3A_195 = tpu.vector_load %arg10[%get3A_193, %get3A_194] {strides = array<i32>} : memref<128x16xf32, #tpu.memory_space<vmem>>, vector<1x16xf32>,
          %get3A_196 = vector.shape_cast %get3A_195 : vector<1x16xf32> to vector<16xf32>
          %get3A_197 = arith.index_cast %add3A_192 : i32 to index
          %get3A_198 = arith.constant 0 : index
          %get3A_199 = tpu.vector_load %arg12[%get3A_197, %get3A_198] {strides = array<i32>} : memref<128x16xf32, #tpu.memory_space<vmem>>, vector<1x16xf32>,
          %get3A_200 = vector.shape_cast %get3A_199 : vector<1x16xf32> to vector<16xf32>
          %add3A_201 = arith.addf %get3A_196, %get3A_200 : vector<16xf32>
          %swap3A_202 = arith.index_cast %scan3A_64 : i32 to index
          %swap3A_203 = arith.constant 112 : index
          %swap3A_204 = tpu.vector_load %arg14[%swap3A_202, %swap3A_203] {strides = array<i32>} : memref<16x128xf32, #tpu.memory_space<vmem>>, vector<1x16xf32>,
          %swap3A_205 = vector.shape_cast %swap3A_204 : vector<1x16xf32> to vector<16xf32>
          %swap3A_206 = vector.shape_cast %add3A_201 : vector<16xf32> to vector<1x16xf32>
          tpu.vector_store %arg14[%swap3A_202, %swap3A_203], %swap3A_206 {strides = array<i32>} : memref<16x128xf32, #tpu.memory_space<vmem>>, vector<1x16xf32>,
        }
        %scan3A_61 = arith.constant 16 : i32
        %mul3A_62 = arith.constant 16 : i32
        %mul3A_63 = arith.muli %add3A_25, %mul3A_62 : i32
        "tpu.region"() ({
          %run_scoped3A = tpu.sem_alloc : memref<!tpu.dma_semaphore, #tpu.memory_space<semaphore_mem>>
          %dma_start3A = arith.constant 0 : i32
          %dma_start3A_64 = tpu.memref_slice %arg5[%mul3A_63, %dma_start3A] : memref<40000x128xf32, #tpu.memory_space<hbm>> -> memref<16x128xf32, #tpu.memory_space<hbm>>
          %dma_start3A_65 = arith.constant 0 : i32
          %dma_start3A_66 = tpu.memref_slice %arg5[%mul3A_63, %dma_start3A_65] : memref<40000x128xf32, #tpu.memory_space<hbm>> -> memref<16x128xf32, #tpu.memory_space<hbm>>
          tpu.enqueue_dma source(%arg14 : memref<16x128xf32, #tpu.memory_space<vmem>>) target(%dma_start3A_66 : memref<16x128xf32, #tpu.memory_space<hbm>>) target_semaphore(%run_scoped3A : memref<!tpu.dma_semaphore, #tpu.memory_space<semaphore_mem>>)
          %dma_wait3A_67 = arith.constant 0 : i32
          %dma_wait3A_68 = tpu.memref_slice %arg5[%mul3A_63, %dma_wait3A_67] : memref<40000x128xf32, #tpu.memory_space<hbm>> -> memref<16x128xf32, #tpu.memory_space<hbm>>
          %dma_wait3A_69 = arith.constant 0 : i32
          %dma_wait3A_70 = tpu.memref_slice %arg5[%mul3A_63, %dma_wait3A_69] : memref<40000x128xf32, #tpu.memory_space<hbm>> -> memref<16x128xf32, #tpu.memory_space<hbm>>
          tpu.wait_dma2 semaphore(%run_scoped3A : memref<!tpu.dma_semaphore, #tpu.memory_space<semaphore_mem>>) src(%arg14 : memref<16x128xf32, #tpu.memory_space<vmem>>) dst(%dma_wait3A_70 : memref<16x128xf32, #tpu.memory_space<hbm>>)
          tpu.yield
        }) : () -> ()
      } else {
      }
      %add3A_31 = arith.constant 2 : i32
      %add3A_32 = arith.addi %mul3A_12, %add3A_31 : i32
      %mul3A_33 = arith.constant 32 : i32
      %mul3A_34 = arith.muli %add3A_32, %mul3A_33 : i32
      %add3A_35 = arith.addi %mul3A_34, %add3A : i32
      %lt3A_36 = arith.constant 2500 : i32
      %lt3A_37 = arith.cmpi slt, %add3A_35, %lt3A_36 : i32
      %convert_element_type3A_38 = arith.extui %lt3A_37 : i1 to i32
      %cond3A_39 = arith.constant 0 : i32
      %cond3A_40 = arith.cmpi ne, %convert_element_type3A_38, %cond3A_39 : i32
      scf.if %cond3A_40 {
        %mul3A_51 = arith.constant 128 : i32
        %mul3A_52 = arith.muli %add3A_35, %mul3A_51 : i32
        %run_scoped3A = arith.constant 0 : i32
        "tpu.region"() ({
          %run_scoped3A_59 = tpu.sem_alloc : memref<!tpu.dma_semaphore, #tpu.memory_space<semaphore_mem>>
          %dma_start3A_60 = tpu.memref_slice %arg4[%run_scoped3A, %mul3A_52] : memref<2x320000xi32, #tpu.memory_space<hbm>> -> memref<1x128xi32, #tpu.memory_space<hbm>>
          %dma_start3A_61 = tpu.memref_squeeze %dma_start3A_60 : memref<1x128xi32, #tpu.memory_space<hbm>> -> memref<128xi32, #tpu.memory_space<hbm>>
          %dma_start3A_62 = tpu.memref_slice %arg4[%run_scoped3A, %mul3A_52] : memref<2x320000xi32, #tpu.memory_space<hbm>> -> memref<1x128xi32, #tpu.memory_space<hbm>>
          %dma_start3A_63 = tpu.memref_squeeze %dma_start3A_62 : memref<1x128xi32, #tpu.memory_space<hbm>> -> memref<128xi32, #tpu.memory_space<hbm>>
          tpu.enqueue_dma source(%dma_start3A_63 : memref<128xi32, #tpu.memory_space<hbm>>) target(%arg6 : memref<128xi32, #tpu.memory_space<vmem>>) target_semaphore(%run_scoped3A_59 : memref<!tpu.dma_semaphore, #tpu.memory_space<semaphore_mem>>)
          %dma_wait3A = tpu.memref_slice %arg4[%run_scoped3A, %mul3A_52] : memref<2x320000xi32, #tpu.memory_space<hbm>> -> memref<1x128xi32, #tpu.memory_space<hbm>>
          %dma_wait3A_64 = tpu.memref_squeeze %dma_wait3A : memref<1x128xi32, #tpu.memory_space<hbm>> -> memref<128xi32, #tpu.memory_space<hbm>>
          %dma_wait3A_65 = tpu.memref_slice %arg4[%run_scoped3A, %mul3A_52] : memref<2x320000xi32, #tpu.memory_space<hbm>> -> memref<1x128xi32, #tpu.memory_space<hbm>>
          %dma_wait3A_66 = tpu.memref_squeeze %dma_wait3A_65 : memref<1x128xi32, #tpu.memory_space<hbm>> -> memref<128xi32, #tpu.memory_space<hbm>>
          tpu.wait_dma2 semaphore(%run_scoped3A_59 : memref<!tpu.dma_semaphore, #tpu.memory_space<semaphore_mem>>) src(%dma_wait3A_66 : memref<128xi32, #tpu.memory_space<hbm>>) dst(%arg6 : memref<128xi32, #tpu.memory_space<vmem>>)
          tpu.yield
        }) : () -> ()
        %run_scoped3A_53 = arith.constant 1 : i32
        "tpu.region"() ({
          %run_scoped3A_59 = tpu.sem_alloc : memref<!tpu.dma_semaphore, #tpu.memory_space<semaphore_mem>>
          %dma_start3A_60 = tpu.memref_slice %arg4[%run_scoped3A_53, %mul3A_52] : memref<2x320000xi32, #tpu.memory_space<hbm>> -> memref<1x128xi32, #tpu.memory_space<hbm>>
          %dma_start3A_61 = tpu.memref_squeeze %dma_start3A_60 : memref<1x128xi32, #tpu.memory_space<hbm>> -> memref<128xi32, #tpu.memory_space<hbm>>
          %dma_start3A_62 = tpu.memref_slice %arg4[%run_scoped3A_53, %mul3A_52] : memref<2x320000xi32, #tpu.memory_space<hbm>> -> memref<1x128xi32, #tpu.memory_space<hbm>>
          %dma_start3A_63 = tpu.memref_squeeze %dma_start3A_62 : memref<1x128xi32, #tpu.memory_space<hbm>> -> memref<128xi32, #tpu.memory_space<hbm>>
          tpu.enqueue_dma source(%dma_start3A_63 : memref<128xi32, #tpu.memory_space<hbm>>) target(%arg8 : memref<128xi32, #tpu.memory_space<vmem>>) target_semaphore(%run_scoped3A_59 : memref<!tpu.dma_semaphore, #tpu.memory_space<semaphore_mem>>)
          %dma_wait3A = tpu.memref_slice %arg4[%run_scoped3A_53, %mul3A_52] : memref<2x320000xi32, #tpu.memory_space<hbm>> -> memref<1x128xi32, #tpu.memory_space<hbm>>
          %dma_wait3A_64 = tpu.memref_squeeze %dma_wait3A : memref<1x128xi32, #tpu.memory_space<hbm>> -> memref<128xi32, #tpu.memory_space<hbm>>
          %dma_wait3A_65 = tpu.memref_slice %arg4[%run_scoped3A_53, %mul3A_52] : memref<2x320000xi32, #tpu.memory_space<hbm>> -> memref<1x128xi32, #tpu.memory_space<hbm>>
          %dma_wait3A_66 = tpu.memref_squeeze %dma_wait3A_65 : memref<1x128xi32, #tpu.memory_space<hbm>> -> memref<128xi32, #tpu.memory_space<hbm>>
          tpu.wait_dma2 semaphore(%run_scoped3A_59 : memref<!tpu.dma_semaphore, #tpu.memory_space<semaphore_mem>>) src(%dma_wait3A_66 : memref<128xi32, #tpu.memory_space<hbm>>) dst(%arg8 : memref<128xi32, #tpu.memory_space<vmem>>)
          tpu.yield
        }) : () -> ()
        %dma_start3A = arith.constant 0 : i32
        %dma_start3A_54 = arith.constant 0 : i32
        %dma_start3A_55 = tpu.memref_slice %arg2[%dma_start3A, %dma_start3A_54] : memref<10000x16xf32, #tpu.memory_space<hbm>> -> memref<10000x16xf32, #tpu.memory_space<hbm>>
        tpu.enqueue_indirect_dma source(%dma_start3A_55 : memref<10000x16xf32, #tpu.memory_space<hbm>>) target(%arg10 : memref<128x16xf32, #tpu.memory_space<vmem>>) offsets(%arg6 : memref<128xi32, #tpu.memory_space<vmem>>) semaphore(%arg15 : memref<!tpu.dma_semaphore, #tpu.memory_space<semaphore_mem>>)
        %dma_start3A_56 = arith.constant 0 : i32
        %dma_start3A_57 = arith.constant 0 : i32
        %dma_start3A_58 = tpu.memref_slice %arg3[%dma_start3A_56, %dma_start3A_57] : memref<10000x16xf32, #tpu.memory_space<hbm>> -> memref<10000x16xf32, #tpu.memory_space<hbm>>
        tpu.enqueue_indirect_dma source(%dma_start3A_58 : memref<10000x16xf32, #tpu.memory_space<hbm>>) target(%arg12 : memref<128x16xf32, #tpu.memory_space<vmem>>) offsets(%arg8 : memref<128xi32, #tpu.memory_space<vmem>>) semaphore(%arg17 : memref<!tpu.dma_semaphore, #tpu.memory_space<semaphore_mem>>)
      } else {
      }
      %add3A_41 = arith.constant 1 : i32
      %add3A_42 = arith.addi %mul3A_12, %add3A_41 : i32
      %mul3A_43 = arith.constant 32 : i32
      %mul3A_44 = arith.muli %add3A_42, %mul3A_43 : i32
      %add3A_45 = arith.addi %mul3A_44, %add3A : i32
      %lt3A_46 = arith.constant 2500 : i32
      %lt3A_47 = arith.cmpi slt, %add3A_45, %lt3A_46 : i32
      %convert_element_type3A_48 = arith.extui %lt3A_47 : i1 to i32
      %cond3A_49 = arith.constant 0 : i32
      %cond3A_50 = arith.cmpi ne, %convert_element_type3A_48, %cond3A_49 : i32
      scf.if %cond3A_50 {
        %dma_wait3A = arith.constant 0 : i32
        %dma_wait3A_51 = arith.constant 0 : i32
        %dma_wait3A_52 = tpu.memref_slice %arg2[%dma_wait3A, %dma_wait3A_51] : memref<10000x16xf32, #tpu.memory_space<hbm>> -> memref<10000x16xf32, #tpu.memory_space<hbm>>
        tpu.wait_indirect_dma semaphore(%arg16 : memref<!tpu.dma_semaphore, #tpu.memory_space<semaphore_mem>>) src(%dma_wait3A_52 : memref<10000x16xf32, #tpu.memory_space<hbm>>) dst(%arg11 : memref<128x16xf32, #tpu.memory_space<vmem>>)
        %dma_wait3A_53 = arith.constant 0 : i32
        %dma_wait3A_54 = arith.constant 0 : i32
        %dma_wait3A_55 = tpu.memref_slice %arg3[%dma_wait3A_53, %dma_wait3A_54] : memref<10000x16xf32, #tpu.memory_space<hbm>> -> memref<10000x16xf32, #tpu.memory_space<hbm>>
        tpu.wait_indirect_dma semaphore(%arg18 : memref<!tpu.dma_semaphore, #tpu.memory_space<semaphore_mem>>) src(%dma_wait3A_55 : memref<10000x16xf32, #tpu.memory_space<hbm>>) dst(%arg13 : memref<128x16xf32, #tpu.memory_space<vmem>>)
        %scan3A_56 = arith.constant 0 : i32
        %scan3A_57 = arith.constant 0 : i32
        %scan3A_58 = arith.constant 16 : i32
        %scan3A_59 = arith.addi %scan3A_57, %scan3A_58 : i32
        %scan3A_60 = arith.constant 1 : i32
        scf.for %scan3A_64 = %scan3A_57 to %scan3A_59 step %scan3A_60  : i32 {
          %mul3A_65 = arith.constant 8 : i32
          %mul3A_66 = arith.muli %scan3A_64, %mul3A_65 : i32
          %add3A_67 = arith.constant 0 : i32
          %add3A_68 = arith.addi %mul3A_66, %add3A_67 : i32
          %get3A = arith.index_cast %add3A_68 : i32 to index
          %get3A_69 = arith.constant 0 : index
          %get3A_70 = tpu.vector_load %arg11[%get3A, %get3A_69] {strides = array<i32>} : memref<128x16xf32, #tpu.memory_space<vmem>>, vector<1x16xf32>,
          %get3A_71 = vector.shape_cast %get3A_70 : vector<1x16xf32> to vector<16xf32>
          %get3A_72 = arith.index_cast %add3A_68 : i32 to index
          %get3A_73 = arith.constant 0 : index
          %get3A_74 = tpu.vector_load %arg13[%get3A_72, %get3A_73] {strides = array<i32>} : memref<128x16xf32, #tpu.memory_space<vmem>>, vector<1x16xf32>,
          %get3A_75 = vector.shape_cast %get3A_74 : vector<1x16xf32> to vector<16xf32>
          %add3A_76 = arith.addf %get3A_71, %get3A_75 : vector<16xf32>
          %swap3A = arith.index_cast %scan3A_64 : i32 to index
          %swap3A_77 = arith.constant 0 : index
          %swap3A_78 = tpu.vector_load %arg14[%swap3A, %swap3A_77] {strides = array<i32>} : memref<16x128xf32, #tpu.memory_space<vmem>>, vector<1x16xf32>,
          %swap3A_79 = vector.shape_cast %swap3A_78 : vector<1x16xf32> to vector<16xf32>
          %swap3A_80 = vector.shape_cast %add3A_76 : vector<16xf32> to vector<1x16xf32>
          tpu.vector_store %arg14[%swap3A, %swap3A_77], %swap3A_80 {strides = array<i32>} : memref<16x128xf32, #tpu.memory_space<vmem>>, vector<1x16xf32>,
          %mul3A_81 = arith.constant 8 : i32
          %mul3A_82 = arith.muli %scan3A_64, %mul3A_81 : i32
          %add3A_83 = arith.constant 1 : i32
          %add3A_84 = arith.addi %mul3A_82, %add3A_83 : i32
          %get3A_85 = arith.index_cast %add3A_84 : i32 to index
          %get3A_86 = arith.constant 0 : index
          %get3A_87 = tpu.vector_load %arg11[%get3A_85, %get3A_86] {strides = array<i32>} : memref<128x16xf32, #tpu.memory_space<vmem>>, vector<1x16xf32>,
          %get3A_88 = vector.shape_cast %get3A_87 : vector<1x16xf32> to vector<16xf32>
          %get3A_89 = arith.index_cast %add3A_84 : i32 to index
          %get3A_90 = arith.constant 0 : index
          %get3A_91 = tpu.vector_load %arg13[%get3A_89, %get3A_90] {strides = array<i32>} : memref<128x16xf32, #tpu.memory_space<vmem>>, vector<1x16xf32>,
          %get3A_92 = vector.shape_cast %get3A_91 : vector<1x16xf32> to vector<16xf32>
          %add3A_93 = arith.addf %get3A_88, %get3A_92 : vector<16xf32>
          %swap3A_94 = arith.index_cast %scan3A_64 : i32 to index
          %swap3A_95 = arith.constant 16 : index
          %swap3A_96 = tpu.vector_load %arg14[%swap3A_94, %swap3A_95] {strides = array<i32>} : memref<16x128xf32, #tpu.memory_space<vmem>>, vector<1x16xf32>,
          %swap3A_97 = vector.shape_cast %swap3A_96 : vector<1x16xf32> to vector<16xf32>
          %swap3A_98 = vector.shape_cast %add3A_93 : vector<16xf32> to vector<1x16xf32>
          tpu.vector_store %arg14[%swap3A_94, %swap3A_95], %swap3A_98 {strides = array<i32>} : memref<16x128xf32, #tpu.memory_space<vmem>>, vector<1x16xf32>,
          %mul3A_99 = arith.constant 8 : i32
          %mul3A_100 = arith.muli %scan3A_64, %mul3A_99 : i32
          %add3A_101 = arith.constant 2 : i32
          %add3A_102 = arith.addi %mul3A_100, %add3A_101 : i32
          %get3A_103 = arith.index_cast %add3A_102 : i32 to index
          %get3A_104 = arith.constant 0 : index
          %get3A_105 = tpu.vector_load %arg11[%get3A_103, %get3A_104] {strides = array<i32>} : memref<128x16xf32, #tpu.memory_space<vmem>>, vector<1x16xf32>,
          %get3A_106 = vector.shape_cast %get3A_105 : vector<1x16xf32> to vector<16xf32>
          %get3A_107 = arith.index_cast %add3A_102 : i32 to index
          %get3A_108 = arith.constant 0 : index
          %get3A_109 = tpu.vector_load %arg13[%get3A_107, %get3A_108] {strides = array<i32>} : memref<128x16xf32, #tpu.memory_space<vmem>>, vector<1x16xf32>,
          %get3A_110 = vector.shape_cast %get3A_109 : vector<1x16xf32> to vector<16xf32>
          %add3A_111 = arith.addf %get3A_106, %get3A_110 : vector<16xf32>
          %swap3A_112 = arith.index_cast %scan3A_64 : i32 to index
          %swap3A_113 = arith.constant 32 : index
          %swap3A_114 = tpu.vector_load %arg14[%swap3A_112, %swap3A_113] {strides = array<i32>} : memref<16x128xf32, #tpu.memory_space<vmem>>, vector<1x16xf32>,
          %swap3A_115 = vector.shape_cast %swap3A_114 : vector<1x16xf32> to vector<16xf32>
          %swap3A_116 = vector.shape_cast %add3A_111 : vector<16xf32> to vector<1x16xf32>
          tpu.vector_store %arg14[%swap3A_112, %swap3A_113], %swap3A_116 {strides = array<i32>} : memref<16x128xf32, #tpu.memory_space<vmem>>, vector<1x16xf32>,
          %mul3A_117 = arith.constant 8 : i32
          %mul3A_118 = arith.muli %scan3A_64, %mul3A_117 : i32
          %add3A_119 = arith.constant 3 : i32
          %add3A_120 = arith.addi %mul3A_118, %add3A_119 : i32
          %get3A_121 = arith.index_cast %add3A_120 : i32 to index
          %get3A_122 = arith.constant 0 : index
          %get3A_123 = tpu.vector_load %arg11[%get3A_121, %get3A_122] {strides = array<i32>} : memref<128x16xf32, #tpu.memory_space<vmem>>, vector<1x16xf32>,
          %get3A_124 = vector.shape_cast %get3A_123 : vector<1x16xf32> to vector<16xf32>
          %get3A_125 = arith.index_cast %add3A_120 : i32 to index
          %get3A_126 = arith.constant 0 : index
          %get3A_127 = tpu.vector_load %arg13[%get3A_125, %get3A_126] {strides = array<i32>} : memref<128x16xf32, #tpu.memory_space<vmem>>, vector<1x16xf32>,
          %get3A_128 = vector.shape_cast %get3A_127 : vector<1x16xf32> to vector<16xf32>
          %add3A_129 = arith.addf %get3A_124, %get3A_128 : vector<16xf32>
          %swap3A_130 = arith.index_cast %scan3A_64 : i32 to index
          %swap3A_131 = arith.constant 48 : index
          %swap3A_132 = tpu.vector_load %arg14[%swap3A_130, %swap3A_131] {strides = array<i32>} : memref<16x128xf32, #tpu.memory_space<vmem>>, vector<1x16xf32>,
          %swap3A_133 = vector.shape_cast %swap3A_132 : vector<1x16xf32> to vector<16xf32>
          %swap3A_134 = vector.shape_cast %add3A_129 : vector<16xf32> to vector<1x16xf32>
          tpu.vector_store %arg14[%swap3A_130, %swap3A_131], %swap3A_134 {strides = array<i32>} : memref<16x128xf32, #tpu.memory_space<vmem>>, vector<1x16xf32>,
          %mul3A_135 = arith.constant 8 : i32
          %mul3A_136 = arith.muli %scan3A_64, %mul3A_135 : i32
          %add3A_137 = arith.constant 4 : i32
          %add3A_138 = arith.addi %mul3A_136, %add3A_137 : i32
          %get3A_139 = arith.index_cast %add3A_138 : i32 to index
          %get3A_140 = arith.constant 0 : index
          %get3A_141 = tpu.vector_load %arg11[%get3A_139, %get3A_140] {strides = array<i32>} : memref<128x16xf32, #tpu.memory_space<vmem>>, vector<1x16xf32>,
          %get3A_142 = vector.shape_cast %get3A_141 : vector<1x16xf32> to vector<16xf32>
          %get3A_143 = arith.index_cast %add3A_138 : i32 to index
          %get3A_144 = arith.constant 0 : index
          %get3A_145 = tpu.vector_load %arg13[%get3A_143, %get3A_144] {strides = array<i32>} : memref<128x16xf32, #tpu.memory_space<vmem>>, vector<1x16xf32>,
          %get3A_146 = vector.shape_cast %get3A_145 : vector<1x16xf32> to vector<16xf32>
          %add3A_147 = arith.addf %get3A_142, %get3A_146 : vector<16xf32>
          %swap3A_148 = arith.index_cast %scan3A_64 : i32 to index
          %swap3A_149 = arith.constant 64 : index
          %swap3A_150 = tpu.vector_load %arg14[%swap3A_148, %swap3A_149] {strides = array<i32>} : memref<16x128xf32, #tpu.memory_space<vmem>>, vector<1x16xf32>,
          %swap3A_151 = vector.shape_cast %swap3A_150 : vector<1x16xf32> to vector<16xf32>
          %swap3A_152 = vector.shape_cast %add3A_147 : vector<16xf32> to vector<1x16xf32>
          tpu.vector_store %arg14[%swap3A_148, %swap3A_149], %swap3A_152 {strides = array<i32>} : memref<16x128xf32, #tpu.memory_space<vmem>>, vector<1x16xf32>,
          %mul3A_153 = arith.constant 8 : i32
          %mul3A_154 = arith.muli %scan3A_64, %mul3A_153 : i32
          %add3A_155 = arith.constant 5 : i32
          %add3A_156 = arith.addi %mul3A_154, %add3A_155 : i32
          %get3A_157 = arith.index_cast %add3A_156 : i32 to index
          %get3A_158 = arith.constant 0 : index
          %get3A_159 = tpu.vector_load %arg11[%get3A_157, %get3A_158] {strides = array<i32>} : memref<128x16xf32, #tpu.memory_space<vmem>>, vector<1x16xf32>,
          %get3A_160 = vector.shape_cast %get3A_159 : vector<1x16xf32> to vector<16xf32>
          %get3A_161 = arith.index_cast %add3A_156 : i32 to index
          %get3A_162 = arith.constant 0 : index
          %get3A_163 = tpu.vector_load %arg13[%get3A_161, %get3A_162] {strides = array<i32>} : memref<128x16xf32, #tpu.memory_space<vmem>>, vector<1x16xf32>,
          %get3A_164 = vector.shape_cast %get3A_163 : vector<1x16xf32> to vector<16xf32>
          %add3A_165 = arith.addf %get3A_160, %get3A_164 : vector<16xf32>
          %swap3A_166 = arith.index_cast %scan3A_64 : i32 to index
          %swap3A_167 = arith.constant 80 : index
          %swap3A_168 = tpu.vector_load %arg14[%swap3A_166, %swap3A_167] {strides = array<i32>} : memref<16x128xf32, #tpu.memory_space<vmem>>, vector<1x16xf32>,
          %swap3A_169 = vector.shape_cast %swap3A_168 : vector<1x16xf32> to vector<16xf32>
          %swap3A_170 = vector.shape_cast %add3A_165 : vector<16xf32> to vector<1x16xf32>
          tpu.vector_store %arg14[%swap3A_166, %swap3A_167], %swap3A_170 {strides = array<i32>} : memref<16x128xf32, #tpu.memory_space<vmem>>, vector<1x16xf32>,
          %mul3A_171 = arith.constant 8 : i32
          %mul3A_172 = arith.muli %scan3A_64, %mul3A_171 : i32
          %add3A_173 = arith.constant 6 : i32
          %add3A_174 = arith.addi %mul3A_172, %add3A_173 : i32
          %get3A_175 = arith.index_cast %add3A_174 : i32 to index
          %get3A_176 = arith.constant 0 : index
          %get3A_177 = tpu.vector_load %arg11[%get3A_175, %get3A_176] {strides = array<i32>} : memref<128x16xf32, #tpu.memory_space<vmem>>, vector<1x16xf32>,
          %get3A_178 = vector.shape_cast %get3A_177 : vector<1x16xf32> to vector<16xf32>
          %get3A_179 = arith.index_cast %add3A_174 : i32 to index
          %get3A_180 = arith.constant 0 : index
          %get3A_181 = tpu.vector_load %arg13[%get3A_179, %get3A_180] {strides = array<i32>} : memref<128x16xf32, #tpu.memory_space<vmem>>, vector<1x16xf32>,
          %get3A_182 = vector.shape_cast %get3A_181 : vector<1x16xf32> to vector<16xf32>
          %add3A_183 = arith.addf %get3A_178, %get3A_182 : vector<16xf32>
          %swap3A_184 = arith.index_cast %scan3A_64 : i32 to index
          %swap3A_185 = arith.constant 96 : index
          %swap3A_186 = tpu.vector_load %arg14[%swap3A_184, %swap3A_185] {strides = array<i32>} : memref<16x128xf32, #tpu.memory_space<vmem>>, vector<1x16xf32>,
          %swap3A_187 = vector.shape_cast %swap3A_186 : vector<1x16xf32> to vector<16xf32>
          %swap3A_188 = vector.shape_cast %add3A_183 : vector<16xf32> to vector<1x16xf32>
          tpu.vector_store %arg14[%swap3A_184, %swap3A_185], %swap3A_188 {strides = array<i32>} : memref<16x128xf32, #tpu.memory_space<vmem>>, vector<1x16xf32>,
          %mul3A_189 = arith.constant 8 : i32
          %mul3A_190 = arith.muli %scan3A_64, %mul3A_189 : i32
          %add3A_191 = arith.constant 7 : i32
          %add3A_192 = arith.addi %mul3A_190, %add3A_191 : i32
          %get3A_193 = arith.index_cast %add3A_192 : i32 to index
          %get3A_194 = arith.constant 0 : index
          %get3A_195 = tpu.vector_load %arg11[%get3A_193, %get3A_194] {strides = array<i32>} : memref<128x16xf32, #tpu.memory_space<vmem>>, vector<1x16xf32>,
          %get3A_196 = vector.shape_cast %get3A_195 : vector<1x16xf32> to vector<16xf32>
          %get3A_197 = arith.index_cast %add3A_192 : i32 to index
          %get3A_198 = arith.constant 0 : index
          %get3A_199 = tpu.vector_load %arg13[%get3A_197, %get3A_198] {strides = array<i32>} : memref<128x16xf32, #tpu.memory_space<vmem>>, vector<1x16xf32>,
          %get3A_200 = vector.shape_cast %get3A_199 : vector<1x16xf32> to vector<16xf32>
          %add3A_201 = arith.addf %get3A_196, %get3A_200 : vector<16xf32>
          %swap3A_202 = arith.index_cast %scan3A_64 : i32 to index
          %swap3A_203 = arith.constant 112 : index
          %swap3A_204 = tpu.vector_load %arg14[%swap3A_202, %swap3A_203] {strides = array<i32>} : memref<16x128xf32, #tpu.memory_space<vmem>>, vector<1x16xf32>,
          %swap3A_205 = vector.shape_cast %swap3A_204 : vector<1x16xf32> to vector<16xf32>
          %swap3A_206 = vector.shape_cast %add3A_201 : vector<16xf32> to vector<1x16xf32>
          tpu.vector_store %arg14[%swap3A_202, %swap3A_203], %swap3A_206 {strides = array<i32>} : memref<16x128xf32, #tpu.memory_space<vmem>>, vector<1x16xf32>,
        }
        %scan3A_61 = arith.constant 16 : i32
        %mul3A_62 = arith.constant 16 : i32
        %mul3A_63 = arith.muli %add3A_45, %mul3A_62 : i32
        "tpu.region"() ({
          %run_scoped3A = tpu.sem_alloc : memref<!tpu.dma_semaphore, #tpu.memory_space<semaphore_mem>>
          %dma_start3A = arith.constant 0 : i32
          %dma_start3A_64 = tpu.memref_slice %arg5[%mul3A_63, %dma_start3A] : memref<40000x128xf32, #tpu.memory_space<hbm>> -> memref<16x128xf32, #tpu.memory_space<hbm>>
          %dma_start3A_65 = arith.constant 0 : i32
          %dma_start3A_66 = tpu.memref_slice %arg5[%mul3A_63, %dma_start3A_65] : memref<40000x128xf32, #tpu.memory_space<hbm>> -> memref<16x128xf32, #tpu.memory_space<hbm>>
          tpu.enqueue_dma source(%arg14 : memref<16x128xf32, #tpu.memory_space<vmem>>) target(%dma_start3A_66 : memref<16x128xf32, #tpu.memory_space<hbm>>) target_semaphore(%run_scoped3A : memref<!tpu.dma_semaphore, #tpu.memory_space<semaphore_mem>>)
          %dma_wait3A_67 = arith.constant 0 : i32
          %dma_wait3A_68 = tpu.memref_slice %arg5[%mul3A_63, %dma_wait3A_67] : memref<40000x128xf32, #tpu.memory_space<hbm>> -> memref<16x128xf32, #tpu.memory_space<hbm>>
          %dma_wait3A_69 = arith.constant 0 : i32
          %dma_wait3A_70 = tpu.memref_slice %arg5[%mul3A_63, %dma_wait3A_69] : memref<40000x128xf32, #tpu.memory_space<hbm>> -> memref<16x128xf32, #tpu.memory_space<hbm>>
          tpu.wait_dma2 semaphore(%run_scoped3A : memref<!tpu.dma_semaphore, #tpu.memory_space<semaphore_mem>>) src(%arg14 : memref<16x128xf32, #tpu.memory_space<vmem>>) dst(%dma_wait3A_70 : memref<16x128xf32, #tpu.memory_space<hbm>>)
          tpu.yield
        }) : () -> ()
      } else {
      }
    }
    %scan3A_9 = arith.constant 40 : i32
    return
  }
}

#map = affine_map<(d0, d1) -> (0, 0)>
#map1 = affine_map<(d0, d1) -> (0, 0, 0)>
module attributes {stable_mosaic.version = 14 : i64} {
  func.func @_sc_scatter_body(%arg0: i32, %arg1: i32, %arg2: memref<20000x64xf32, #tpu.memory_space<hbm>>, %arg3: memref<320000x16xf32, #tpu.memory_space<hbm>>, %arg4: memref<2x320000xi32, #tpu.memory_space<hbm>>, %arg5: memref<624x64xf32, #tpu.memory_space<hbm>>, %arg6: memref<624x16xf32, #tpu.memory_space<hbm>>, %arg7: memref<128x16xf32, #tpu.memory_space<hbm>>, %arg8: memref<2x10000x64xf32, #tpu.memory_space<hbm>>, %arg9: memref<2x10000x16xf32, #tpu.memory_space<hbm>>, %arg10: memref<2x10000x16xf32, #tpu.memory_space<hbm>>, %arg11: memref<10000x64xf32, #tpu.memory_space<vmem_shared>>, %arg12: memref<10000x16xf32, #tpu.memory_space<vmem_shared>>, %arg13: memref<10000x16xf32, #tpu.memory_space<vmem_shared>>, %arg14: memref<128xi32, #tpu.memory_space<vmem>>, %arg15: memref<128xi32, #tpu.memory_space<vmem>>, %arg16: memref<128xi32, #tpu.memory_space<vmem>>, %arg17: memref<128xi32, #tpu.memory_space<vmem>>, %arg18: memref<128xi32, #tpu.memory_space<vmem>>, %arg19: memref<128xi32, #tpu.memory_space<vmem>>, %arg20: memref<128x64xf32, #tpu.memory_space<vmem>>, %arg21: memref<128x64xf32, #tpu.memory_space<vmem>>, %arg22: memref<128x16xf32, #tpu.memory_space<vmem>>, %arg23: memref<128x16xf32, #tpu.memory_space<vmem>>, %arg24: memref<!tpu.dma_semaphore, #tpu.memory_space<semaphore_mem>>, %arg25: memref<!tpu.dma_semaphore, #tpu.memory_space<semaphore_mem>>) attributes {dimension_semantics = [#tpu.dimension_semantics<core_parallel>, #tpu.dimension_semantics<subcore_parallel>], iteration_bounds = array<i64: 2, 16>, scalar_prefetch = 0 : i64, scratch_operands = 15 : i64, tpu.core_type = #tpu.core_type<sc_vector_subcore>, window_params = [{transform_indices = #map}, {transform_indices = #map}, {transform_indices = #map}, {transform_indices = #map}, {transform_indices = #map}, {transform_indices = #map}, {transform_indices = #map1}, {transform_indices = #map1}, {transform_indices = #map1}]} {
    %mul3A = arith.constant 624 : i32
    %mul3A_0 = arith.muli %arg1, %mul3A : i32
    "tpu.region"() ({
      %run_scoped3A = tpu.sem_alloc : memref<!tpu.dma_semaphore, #tpu.memory_space<semaphore_mem>>
      %dma_start3A = arith.constant 0 : i32
      %dma_start3A_19 = tpu.memref_slice %arg11[%mul3A_0, %dma_start3A] : memref<10000x64xf32, #tpu.memory_space<vmem_shared>> -> memref<624x64xf32, #tpu.memory_space<vmem_shared>>
      tpu.enqueue_dma source(%arg5 : memref<624x64xf32, #tpu.memory_space<hbm>>) target(%dma_start3A_19 : memref<624x64xf32, #tpu.memory_space<vmem_shared>>) target_semaphore(%run_scoped3A : memref<!tpu.dma_semaphore, #tpu.memory_space<semaphore_mem>>)
      %dma_wait3A = arith.constant 0 : i32
      %dma_wait3A_20 = tpu.memref_slice %arg11[%mul3A_0, %dma_wait3A] : memref<10000x64xf32, #tpu.memory_space<vmem_shared>> -> memref<624x64xf32, #tpu.memory_space<vmem_shared>>
      tpu.wait_dma2 semaphore(%run_scoped3A : memref<!tpu.dma_semaphore, #tpu.memory_space<semaphore_mem>>) src(%arg5 : memref<624x64xf32, #tpu.memory_space<hbm>>) dst(%dma_wait3A_20 : memref<624x64xf32, #tpu.memory_space<vmem_shared>>)
      tpu.yield
    }) : () -> ()
    "tpu.region"() ({
      %run_scoped3A = tpu.sem_alloc : memref<!tpu.dma_semaphore, #tpu.memory_space<semaphore_mem>>
      %dma_start3A = arith.constant 0 : i32
      %dma_start3A_19 = tpu.memref_slice %arg12[%mul3A_0, %dma_start3A] : memref<10000x16xf32, #tpu.memory_space<vmem_shared>> -> memref<624x16xf32, #tpu.memory_space<vmem_shared>>
      tpu.enqueue_dma source(%arg6 : memref<624x16xf32, #tpu.memory_space<hbm>>) target(%dma_start3A_19 : memref<624x16xf32, #tpu.memory_space<vmem_shared>>) target_semaphore(%run_scoped3A : memref<!tpu.dma_semaphore, #tpu.memory_space<semaphore_mem>>)
      %dma_wait3A = arith.constant 0 : i32
      %dma_wait3A_20 = tpu.memref_slice %arg12[%mul3A_0, %dma_wait3A] : memref<10000x16xf32, #tpu.memory_space<vmem_shared>> -> memref<624x16xf32, #tpu.memory_space<vmem_shared>>
      tpu.wait_dma2 semaphore(%run_scoped3A : memref<!tpu.dma_semaphore, #tpu.memory_space<semaphore_mem>>) src(%arg6 : memref<624x16xf32, #tpu.memory_space<hbm>>) dst(%dma_wait3A_20 : memref<624x16xf32, #tpu.memory_space<vmem_shared>>)
      tpu.yield
    }) : () -> ()
    "tpu.region"() ({
      %run_scoped3A = tpu.sem_alloc : memref<!tpu.dma_semaphore, #tpu.memory_space<semaphore_mem>>
      %dma_start3A = arith.constant 0 : i32
      %dma_start3A_19 = tpu.memref_slice %arg13[%mul3A_0, %dma_start3A] : memref<10000x16xf32, #tpu.memory_space<vmem_shared>> -> memref<624x16xf32, #tpu.memory_space<vmem_shared>>
      tpu.enqueue_dma source(%arg6 : memref<624x16xf32, #tpu.memory_space<hbm>>) target(%dma_start3A_19 : memref<624x16xf32, #tpu.memory_space<vmem_shared>>) target_semaphore(%run_scoped3A : memref<!tpu.dma_semaphore, #tpu.memory_space<semaphore_mem>>)
      %dma_wait3A = arith.constant 0 : i32
      %dma_wait3A_20 = tpu.memref_slice %arg13[%mul3A_0, %dma_wait3A] : memref<10000x16xf32, #tpu.memory_space<vmem_shared>> -> memref<624x16xf32, #tpu.memory_space<vmem_shared>>
      tpu.wait_dma2 semaphore(%run_scoped3A : memref<!tpu.dma_semaphore, #tpu.memory_space<semaphore_mem>>) src(%arg6 : memref<624x16xf32, #tpu.memory_space<hbm>>) dst(%dma_wait3A_20 : memref<624x16xf32, #tpu.memory_space<vmem_shared>>)
      tpu.yield
    }) : () -> ()
    "tpu.region"() ({
      %run_scoped3A = tpu.sem_alloc : memref<!tpu.dma_semaphore, #tpu.memory_space<semaphore_mem>>
      tpu.enqueue_dma source(%arg7 : memref<128x16xf32, #tpu.memory_space<hbm>>) target(%arg23 : memref<128x16xf32, #tpu.memory_space<vmem>>) target_semaphore(%run_scoped3A : memref<!tpu.dma_semaphore, #tpu.memory_space<semaphore_mem>>)
      tpu.wait_dma2 semaphore(%run_scoped3A : memref<!tpu.dma_semaphore, #tpu.memory_space<semaphore_mem>>) src(%arg7 : memref<128x16xf32, #tpu.memory_space<hbm>>) dst(%arg23 : memref<128x16xf32, #tpu.memory_space<vmem>>)
      tpu.yield
    }) : () -> ()
    %eq3A = arith.constant 0 : i32
    %eq3A_1 = arith.cmpi eq, %arg1, %eq3A : i32
    %convert_element_type3A = arith.extui %eq3A_1 : i1 to i32
    %cond3A = arith.constant 0 : i32
    %cond3A_2 = arith.cmpi ne, %convert_element_type3A, %cond3A : i32
    scf.if %cond3A_2 {
      "tpu.region"() ({
        %run_scoped3A = tpu.sem_alloc : memref<!tpu.dma_semaphore, #tpu.memory_space<semaphore_mem>>
        %dma_start3A = arith.constant 9984 : i32
        %dma_start3A_19 = arith.constant 0 : i32
        %dma_start3A_20 = tpu.memref_slice %arg11[%dma_start3A, %dma_start3A_19] : memref<10000x64xf32, #tpu.memory_space<vmem_shared>> -> memref<16x64xf32, #tpu.memory_space<vmem_shared>>
        %dma_start3A_21 = arith.constant 0 : i32
        %dma_start3A_22 = arith.constant 0 : i32
        %dma_start3A_23 = tpu.memref_slice %arg5[%dma_start3A_21, %dma_start3A_22] : memref<624x64xf32, #tpu.memory_space<hbm>> -> memref<16x64xf32, #tpu.memory_space<hbm>>
        tpu.enqueue_dma source(%dma_start3A_23 : memref<16x64xf32, #tpu.memory_space<hbm>>) target(%dma_start3A_20 : memref<16x64xf32, #tpu.memory_space<vmem_shared>>) target_semaphore(%run_scoped3A : memref<!tpu.dma_semaphore, #tpu.memory_space<semaphore_mem>>)
        %dma_wait3A = arith.constant 9984 : i32
        %dma_wait3A_24 = arith.constant 0 : i32
        %dma_wait3A_25 = tpu.memref_slice %arg11[%dma_wait3A, %dma_wait3A_24] : memref<10000x64xf32, #tpu.memory_space<vmem_shared>> -> memref<16x64xf32, #tpu.memory_space<vmem_shared>>
        %dma_wait3A_26 = arith.constant 0 : i32
        %dma_wait3A_27 = arith.constant 0 : i32
        %dma_wait3A_28 = tpu.memref_slice %arg5[%dma_wait3A_26, %dma_wait3A_27] : memref<624x64xf32, #tpu.memory_space<hbm>> -> memref<16x64xf32, #tpu.memory_space<hbm>>
        tpu.wait_dma2 semaphore(%run_scoped3A : memref<!tpu.dma_semaphore, #tpu.memory_space<semaphore_mem>>) src(%dma_wait3A_28 : memref<16x64xf32, #tpu.memory_space<hbm>>) dst(%dma_wait3A_25 : memref<16x64xf32, #tpu.memory_space<vmem_shared>>)
        tpu.yield
      }) : () -> ()
      "tpu.region"() ({
        %run_scoped3A = tpu.sem_alloc : memref<!tpu.dma_semaphore, #tpu.memory_space<semaphore_mem>>
        %dma_start3A = arith.constant 9984 : i32
        %dma_start3A_19 = arith.constant 0 : i32
        %dma_start3A_20 = tpu.memref_slice %arg12[%dma_start3A, %dma_start3A_19] : memref<10000x16xf32, #tpu.memory_space<vmem_shared>> -> memref<16x16xf32, #tpu.memory_space<vmem_shared>>
        %dma_start3A_21 = arith.constant 0 : i32
        %dma_start3A_22 = arith.constant 0 : i32
        %dma_start3A_23 = tpu.memref_slice %arg6[%dma_start3A_21, %dma_start3A_22] : memref<624x16xf32, #tpu.memory_space<hbm>> -> memref<16x16xf32, #tpu.memory_space<hbm>>
        tpu.enqueue_dma source(%dma_start3A_23 : memref<16x16xf32, #tpu.memory_space<hbm>>) target(%dma_start3A_20 : memref<16x16xf32, #tpu.memory_space<vmem_shared>>) target_semaphore(%run_scoped3A : memref<!tpu.dma_semaphore, #tpu.memory_space<semaphore_mem>>)
        %dma_wait3A = arith.constant 9984 : i32
        %dma_wait3A_24 = arith.constant 0 : i32
        %dma_wait3A_25 = tpu.memref_slice %arg12[%dma_wait3A, %dma_wait3A_24] : memref<10000x16xf32, #tpu.memory_space<vmem_shared>> -> memref<16x16xf32, #tpu.memory_space<vmem_shared>>
        %dma_wait3A_26 = arith.constant 0 : i32
        %dma_wait3A_27 = arith.constant 0 : i32
        %dma_wait3A_28 = tpu.memref_slice %arg6[%dma_wait3A_26, %dma_wait3A_27] : memref<624x16xf32, #tpu.memory_space<hbm>> -> memref<16x16xf32, #tpu.memory_space<hbm>>
        tpu.wait_dma2 semaphore(%run_scoped3A : memref<!tpu.dma_semaphore, #tpu.memory_space<semaphore_mem>>) src(%dma_wait3A_28 : memref<16x16xf32, #tpu.memory_space<hbm>>) dst(%dma_wait3A_25 : memref<16x16xf32, #tpu.memory_space<vmem_shared>>)
        tpu.yield
      }) : () -> ()
      "tpu.region"() ({
        %run_scoped3A = tpu.sem_alloc : memref<!tpu.dma_semaphore, #tpu.memory_space<semaphore_mem>>
        %dma_start3A = arith.constant 9984 : i32
        %dma_start3A_19 = arith.constant 0 : i32
        %dma_start3A_20 = tpu.memref_slice %arg13[%dma_start3A, %dma_start3A_19] : memref<10000x16xf32, #tpu.memory_space<vmem_shared>> -> memref<16x16xf32, #tpu.memory_space<vmem_shared>>
        %dma_start3A_21 = arith.constant 0 : i32
        %dma_start3A_22 = arith.constant 0 : i32
        %dma_start3A_23 = tpu.memref_slice %arg6[%dma_start3A_21, %dma_start3A_22] : memref<624x16xf32, #tpu.memory_space<hbm>> -> memref<16x16xf32, #tpu.memory_space<hbm>>
        tpu.enqueue_dma source(%dma_start3A_23 : memref<16x16xf32, #tpu.memory_space<hbm>>) target(%dma_start3A_20 : memref<16x16xf32, #tpu.memory_space<vmem_shared>>) target_semaphore(%run_scoped3A : memref<!tpu.dma_semaphore, #tpu.memory_space<semaphore_mem>>)
        %dma_wait3A = arith.constant 9984 : i32
        %dma_wait3A_24 = arith.constant 0 : i32
        %dma_wait3A_25 = tpu.memref_slice %arg13[%dma_wait3A, %dma_wait3A_24] : memref<10000x16xf32, #tpu.memory_space<vmem_shared>> -> memref<16x16xf32, #tpu.memory_space<vmem_shared>>
        %dma_wait3A_26 = arith.constant 0 : i32
        %dma_wait3A_27 = arith.constant 0 : i32
        %dma_wait3A_28 = tpu.memref_slice %arg6[%dma_wait3A_26, %dma_wait3A_27] : memref<624x16xf32, #tpu.memory_space<hbm>> -> memref<16x16xf32, #tpu.memory_space<hbm>>
        tpu.wait_dma2 semaphore(%run_scoped3A : memref<!tpu.dma_semaphore, #tpu.memory_space<semaphore_mem>>) src(%dma_wait3A_28 : memref<16x16xf32, #tpu.memory_space<hbm>>) dst(%dma_wait3A_25 : memref<16x16xf32, #tpu.memory_space<vmem_shared>>)
        tpu.yield
      }) : () -> ()
    } else {
    }
    %barrier3A = arith.constant 0 : index
    tpu.barrier barrier_id(%barrier3A)
    %add3A = arith.constant 0 : i32
    %add3A_3 = arith.addi %add3A, %arg1 : i32
    %lt3A = arith.constant 2500 : i32
    %lt3A_4 = arith.cmpi slt, %add3A_3, %lt3A : i32
    %convert_element_type3A_5 = arith.extui %lt3A_4 : i1 to i32
    %cond3A_6 = arith.constant 0 : i32
    %cond3A_7 = arith.cmpi ne, %convert_element_type3A_5, %cond3A_6 : i32
    scf.if %cond3A_7 {
      %mul3A_19 = arith.constant 128 : i32
      %mul3A_20 = arith.muli %add3A_3, %mul3A_19 : i32
      %run_scoped3A = arith.constant 0 : i32
      "tpu.region"() ({
        %run_scoped3A_118 = tpu.sem_alloc : memref<!tpu.dma_semaphore, #tpu.memory_space<semaphore_mem>>
        %dma_start3A_119 = tpu.memref_slice %arg4[%run_scoped3A, %mul3A_20] : memref<2x320000xi32, #tpu.memory_space<hbm>> -> memref<1x128xi32, #tpu.memory_space<hbm>>
        %dma_start3A_120 = tpu.memref_squeeze %dma_start3A_119 : memref<1x128xi32, #tpu.memory_space<hbm>> -> memref<128xi32, #tpu.memory_space<hbm>>
        %dma_start3A_121 = tpu.memref_slice %arg4[%run_scoped3A, %mul3A_20] : memref<2x320000xi32, #tpu.memory_space<hbm>> -> memref<1x128xi32, #tpu.memory_space<hbm>>
        %dma_start3A_122 = tpu.memref_squeeze %dma_start3A_121 : memref<1x128xi32, #tpu.memory_space<hbm>> -> memref<128xi32, #tpu.memory_space<hbm>>
        tpu.enqueue_dma source(%dma_start3A_122 : memref<128xi32, #tpu.memory_space<hbm>>) target(%arg14 : memref<128xi32, #tpu.memory_space<vmem>>) target_semaphore(%run_scoped3A_118 : memref<!tpu.dma_semaphore, #tpu.memory_space<semaphore_mem>>)
        %dma_wait3A = tpu.memref_slice %arg4[%run_scoped3A, %mul3A_20] : memref<2x320000xi32, #tpu.memory_space<hbm>> -> memref<1x128xi32, #tpu.memory_space<hbm>>
        %dma_wait3A_123 = tpu.memref_squeeze %dma_wait3A : memref<1x128xi32, #tpu.memory_space<hbm>> -> memref<128xi32, #tpu.memory_space<hbm>>
        %dma_wait3A_124 = tpu.memref_slice %arg4[%run_scoped3A, %mul3A_20] : memref<2x320000xi32, #tpu.memory_space<hbm>> -> memref<1x128xi32, #tpu.memory_space<hbm>>
        %dma_wait3A_125 = tpu.memref_squeeze %dma_wait3A_124 : memref<1x128xi32, #tpu.memory_space<hbm>> -> memref<128xi32, #tpu.memory_space<hbm>>
        tpu.wait_dma2 semaphore(%run_scoped3A_118 : memref<!tpu.dma_semaphore, #tpu.memory_space<semaphore_mem>>) src(%dma_wait3A_125 : memref<128xi32, #tpu.memory_space<hbm>>) dst(%arg14 : memref<128xi32, #tpu.memory_space<vmem>>)
        tpu.yield
      }) : () -> ()
      %run_scoped3A_21 = arith.constant 1 : i32
      "tpu.region"() ({
        %run_scoped3A_118 = tpu.sem_alloc : memref<!tpu.dma_semaphore, #tpu.memory_space<semaphore_mem>>
        %dma_start3A_119 = tpu.memref_slice %arg4[%run_scoped3A_21, %mul3A_20] : memref<2x320000xi32, #tpu.memory_space<hbm>> -> memref<1x128xi32, #tpu.memory_space<hbm>>
        %dma_start3A_120 = tpu.memref_squeeze %dma_start3A_119 : memref<1x128xi32, #tpu.memory_space<hbm>> -> memref<128xi32, #tpu.memory_space<hbm>>
        %dma_start3A_121 = tpu.memref_slice %arg4[%run_scoped3A_21, %mul3A_20] : memref<2x320000xi32, #tpu.memory_space<hbm>> -> memref<1x128xi32, #tpu.memory_space<hbm>>
        %dma_start3A_122 = tpu.memref_squeeze %dma_start3A_121 : memref<1x128xi32, #tpu.memory_space<hbm>> -> memref<128xi32, #tpu.memory_space<hbm>>
        tpu.enqueue_dma source(%dma_start3A_122 : memref<128xi32, #tpu.memory_space<hbm>>) target(%arg18 : memref<128xi32, #tpu.memory_space<vmem>>) target_semaphore(%run_scoped3A_118 : memref<!tpu.dma_semaphore, #tpu.memory_space<semaphore_mem>>)
        %dma_wait3A = tpu.memref_slice %arg4[%run_scoped3A_21, %mul3A_20] : memref<2x320000xi32, #tpu.memory_space<hbm>> -> memref<1x128xi32, #tpu.memory_space<hbm>>
        %dma_wait3A_123 = tpu.memref_squeeze %dma_wait3A : memref<1x128xi32, #tpu.memory_space<hbm>> -> memref<128xi32, #tpu.memory_space<hbm>>
        %dma_wait3A_124 = tpu.memref_slice %arg4[%run_scoped3A_21, %mul3A_20] : memref<2x320000xi32, #tpu.memory_space<hbm>> -> memref<1x128xi32, #tpu.memory_space<hbm>>
        %dma_wait3A_125 = tpu.memref_squeeze %dma_wait3A_124 : memref<1x128xi32, #tpu.memory_space<hbm>> -> memref<128xi32, #tpu.memory_space<hbm>>
        tpu.wait_dma2 semaphore(%run_scoped3A_118 : memref<!tpu.dma_semaphore, #tpu.memory_space<semaphore_mem>>) src(%dma_wait3A_125 : memref<128xi32, #tpu.memory_space<hbm>>) dst(%arg18 : memref<128xi32, #tpu.memory_space<vmem>>)
        tpu.yield
      }) : () -> ()
      %get3A = arith.constant 0 : index
      %get3A_22 = tpu.vector_load %arg14[%get3A] {strides = array<i32>} : memref<128xi32, #tpu.memory_space<vmem>>, vector<16xi32>,
      %get3A_23 = vector.shape_cast %get3A_22 : vector<16xi32> to vector<16xi32>
      %mul3A_24 = arith.constant 2 : i32
      %mul3A_25 = vector.broadcast %mul3A_24 : i32 to vector<16xi32>
      %mul3A_26 = arith.muli %get3A_23, %mul3A_25 : vector<16xi32>
      %add3A_27 = vector.broadcast %arg0 : i32 to vector<16xi32>
      %add3A_28 = arith.addi %mul3A_26, %add3A_27 : vector<16xi32>
      %swap3A = arith.constant 0 : index
      %swap3A_29 = tpu.vector_load %arg16[%swap3A] {strides = array<i32>} : memref<128xi32, #tpu.memory_space<vmem>>, vector<16xi32>,
      %swap3A_30 = vector.shape_cast %swap3A_29 : vector<16xi32> to vector<16xi32>
      %swap3A_31 = vector.shape_cast %add3A_28 : vector<16xi32> to vector<16xi32>
      tpu.vector_store %arg16[%swap3A], %swap3A_31 {strides = array<i32>} : memref<128xi32, #tpu.memory_space<vmem>>, vector<16xi32>,
      %get3A_32 = arith.constant 16 : index
      %get3A_33 = tpu.vector_load %arg14[%get3A_32] {strides = array<i32>} : memref<128xi32, #tpu.memory_space<vmem>>, vector<16xi32>,
      %get3A_34 = vector.shape_cast %get3A_33 : vector<16xi32> to vector<16xi32>
      %mul3A_35 = arith.constant 2 : i32
      %mul3A_36 = vector.broadcast %mul3A_35 : i32 to vector<16xi32>
      %mul3A_37 = arith.muli %get3A_34, %mul3A_36 : vector<16xi32>
      %add3A_38 = vector.broadcast %arg0 : i32 to vector<16xi32>
      %add3A_39 = arith.addi %mul3A_37, %add3A_38 : vector<16xi32>
      %swap3A_40 = arith.constant 16 : index
      %swap3A_41 = tpu.vector_load %arg16[%swap3A_40] {strides = array<i32>} : memref<128xi32, #tpu.memory_space<vmem>>, vector<16xi32>,
      %swap3A_42 = vector.shape_cast %swap3A_41 : vector<16xi32> to vector<16xi32>
      %swap3A_43 = vector.shape_cast %add3A_39 : vector<16xi32> to vector<16xi32>
      tpu.vector_store %arg16[%swap3A_40], %swap3A_43 {strides = array<i32>} : memref<128xi32, #tpu.memory_space<vmem>>, vector<16xi32>,
      %get3A_44 = arith.constant 32 : index
      %get3A_45 = tpu.vector_load %arg14[%get3A_44] {strides = array<i32>} : memref<128xi32, #tpu.memory_space<vmem>>, vector<16xi32>,
      %get3A_46 = vector.shape_cast %get3A_45 : vector<16xi32> to vector<16xi32>
      %mul3A_47 = arith.constant 2 : i32
      %mul3A_48 = vector.broadcast %mul3A_47 : i32 to vector<16xi32>
      %mul3A_49 = arith.muli %get3A_46, %mul3A_48 : vector<16xi32>
      %add3A_50 = vector.broadcast %arg0 : i32 to vector<16xi32>
      %add3A_51 = arith.addi %mul3A_49, %add3A_50 : vector<16xi32>
      %swap3A_52 = arith.constant 32 : index
      %swap3A_53 = tpu.vector_load %arg16[%swap3A_52] {strides = array<i32>} : memref<128xi32, #tpu.memory_space<vmem>>, vector<16xi32>,
      %swap3A_54 = vector.shape_cast %swap3A_53 : vector<16xi32> to vector<16xi32>
      %swap3A_55 = vector.shape_cast %add3A_51 : vector<16xi32> to vector<16xi32>
      tpu.vector_store %arg16[%swap3A_52], %swap3A_55 {strides = array<i32>} : memref<128xi32, #tpu.memory_space<vmem>>, vector<16xi32>,
      %get3A_56 = arith.constant 48 : index
      %get3A_57 = tpu.vector_load %arg14[%get3A_56] {strides = array<i32>} : memref<128xi32, #tpu.memory_space<vmem>>, vector<16xi32>,
      %get3A_58 = vector.shape_cast %get3A_57 : vector<16xi32> to vector<16xi32>
      %mul3A_59 = arith.constant 2 : i32
      %mul3A_60 = vector.broadcast %mul3A_59 : i32 to vector<16xi32>
      %mul3A_61 = arith.muli %get3A_58, %mul3A_60 : vector<16xi32>
      %add3A_62 = vector.broadcast %arg0 : i32 to vector<16xi32>
      %add3A_63 = arith.addi %mul3A_61, %add3A_62 : vector<16xi32>
      %swap3A_64 = arith.constant 48 : index
      %swap3A_65 = tpu.vector_load %arg16[%swap3A_64] {strides = array<i32>} : memref<128xi32, #tpu.memory_space<vmem>>, vector<16xi32>,
      %swap3A_66 = vector.shape_cast %swap3A_65 : vector<16xi32> to vector<16xi32>
      %swap3A_67 = vector.shape_cast %add3A_63 : vector<16xi32> to vector<16xi32>
      tpu.vector_store %arg16[%swap3A_64], %swap3A_67 {strides = array<i32>} : memref<128xi32, #tpu.memory_space<vmem>>, vector<16xi32>,
      %get3A_68 = arith.constant 64 : index
      %get3A_69 = tpu.vector_load %arg14[%get3A_68] {strides = array<i32>} : memref<128xi32, #tpu.memory_space<vmem>>, vector<16xi32>,
      %get3A_70 = vector.shape_cast %get3A_69 : vector<16xi32> to vector<16xi32>
      %mul3A_71 = arith.constant 2 : i32
      %mul3A_72 = vector.broadcast %mul3A_71 : i32 to vector<16xi32>
      %mul3A_73 = arith.muli %get3A_70, %mul3A_72 : vector<16xi32>
      %add3A_74 = vector.broadcast %arg0 : i32 to vector<16xi32>
      %add3A_75 = arith.addi %mul3A_73, %add3A_74 : vector<16xi32>
      %swap3A_76 = arith.constant 64 : index
      %swap3A_77 = tpu.vector_load %arg16[%swap3A_76] {strides = array<i32>} : memref<128xi32, #tpu.memory_space<vmem>>, vector<16xi32>,
      %swap3A_78 = vector.shape_cast %swap3A_77 : vector<16xi32> to vector<16xi32>
      %swap3A_79 = vector.shape_cast %add3A_75 : vector<16xi32> to vector<16xi32>
      tpu.vector_store %arg16[%swap3A_76], %swap3A_79 {strides = array<i32>} : memref<128xi32, #tpu.memory_space<vmem>>, vector<16xi32>,
      %get3A_80 = arith.constant 80 : index
      %get3A_81 = tpu.vector_load %arg14[%get3A_80] {strides = array<i32>} : memref<128xi32, #tpu.memory_space<vmem>>, vector<16xi32>,
      %get3A_82 = vector.shape_cast %get3A_81 : vector<16xi32> to vector<16xi32>
      %mul3A_83 = arith.constant 2 : i32
      %mul3A_84 = vector.broadcast %mul3A_83 : i32 to vector<16xi32>
      %mul3A_85 = arith.muli %get3A_82, %mul3A_84 : vector<16xi32>
      %add3A_86 = vector.broadcast %arg0 : i32 to vector<16xi32>
      %add3A_87 = arith.addi %mul3A_85, %add3A_86 : vector<16xi32>
      %swap3A_88 = arith.constant 80 : index
      %swap3A_89 = tpu.vector_load %arg16[%swap3A_88] {strides = array<i32>} : memref<128xi32, #tpu.memory_space<vmem>>, vector<16xi32>,
      %swap3A_90 = vector.shape_cast %swap3A_89 : vector<16xi32> to vector<16xi32>
      %swap3A_91 = vector.shape_cast %add3A_87 : vector<16xi32> to vector<16xi32>
      tpu.vector_store %arg16[%swap3A_88], %swap3A_91 {strides = array<i32>} : memref<128xi32, #tpu.memory_space<vmem>>, vector<16xi32>,
      %get3A_92 = arith.constant 96 : index
      %get3A_93 = tpu.vector_load %arg14[%get3A_92] {strides = array<i32>} : memref<128xi32, #tpu.memory_space<vmem>>, vector<16xi32>,
      %get3A_94 = vector.shape_cast %get3A_93 : vector<16xi32> to vector<16xi32>
      %mul3A_95 = arith.constant 2 : i32
      %mul3A_96 = vector.broadcast %mul3A_95 : i32 to vector<16xi32>
      %mul3A_97 = arith.muli %get3A_94, %mul3A_96 : vector<16xi32>
      %add3A_98 = vector.broadcast %arg0 : i32 to vector<16xi32>
      %add3A_99 = arith.addi %mul3A_97, %add3A_98 : vector<16xi32>
      %swap3A_100 = arith.constant 96 : index
      %swap3A_101 = tpu.vector_load %arg16[%swap3A_100] {strides = array<i32>} : memref<128xi32, #tpu.memory_space<vmem>>, vector<16xi32>,
      %swap3A_102 = vector.shape_cast %swap3A_101 : vector<16xi32> to vector<16xi32>
      %swap3A_103 = vector.shape_cast %add3A_99 : vector<16xi32> to vector<16xi32>
      tpu.vector_store %arg16[%swap3A_100], %swap3A_103 {strides = array<i32>} : memref<128xi32, #tpu.memory_space<vmem>>, vector<16xi32>,
      %get3A_104 = arith.constant 112 : index
      %get3A_105 = tpu.vector_load %arg14[%get3A_104] {strides = array<i32>} : memref<128xi32, #tpu.memory_space<vmem>>, vector<16xi32>,
      %get3A_106 = vector.shape_cast %get3A_105 : vector<16xi32> to vector<16xi32>
      %mul3A_107 = arith.constant 2 : i32
      %mul3A_108 = vector.broadcast %mul3A_107 : i32 to vector<16xi32>
      %mul3A_109 = arith.muli %get3A_106, %mul3A_108 : vector<16xi32>
      %add3A_110 = vector.broadcast %arg0 : i32 to vector<16xi32>
      %add3A_111 = arith.addi %mul3A_109, %add3A_110 : vector<16xi32>
      %swap3A_112 = arith.constant 112 : index
      %swap3A_113 = tpu.vector_load %arg16[%swap3A_112] {strides = array<i32>} : memref<128xi32, #tpu.memory_space<vmem>>, vector<16xi32>,
      %swap3A_114 = vector.shape_cast %swap3A_113 : vector<16xi32> to vector<16xi32>
      %swap3A_115 = vector.shape_cast %add3A_111 : vector<16xi32> to vector<16xi32>
      tpu.vector_store %arg16[%swap3A_112], %swap3A_115 {strides = array<i32>} : memref<128xi32, #tpu.memory_space<vmem>>, vector<16xi32>,
      %dma_start3A = arith.constant 0 : i32
      %dma_start3A_116 = arith.constant 0 : i32
      %dma_start3A_117 = tpu.memref_slice %arg2[%dma_start3A, %dma_start3A_116] : memref<20000x64xf32, #tpu.memory_space<hbm>> -> memref<20000x64xf32, #tpu.memory_space<hbm>>
      tpu.enqueue_indirect_dma source(%dma_start3A_117 : memref<20000x64xf32, #tpu.memory_space<hbm>>) target(%arg20 : memref<128x64xf32, #tpu.memory_space<vmem>>) offsets(%arg16 : memref<128xi32, #tpu.memory_space<vmem>>) semaphore(%arg24 : memref<!tpu.dma_semaphore, #tpu.memory_space<semaphore_mem>>)
    } else {
    }
    %scan3A = arith.constant 0 : i32
    %scan3A_8 = arith.constant 0 : i32
    %scan3A_9 = arith.constant 79 : i32
    %scan3A_10 = arith.addi %scan3A_8, %scan3A_9 : i32
    %scan3A_11 = arith.constant 1 : i32
    scf.for %scan3A_19 = %scan3A_8 to %scan3A_10 step %scan3A_11  : i32 {
      %mul3A_20 = arith.constant 2 : i32
      %mul3A_21 = arith.muli %scan3A_19, %mul3A_20 : i32
      %add3A_22 = arith.constant 1 : i32
      %add3A_23 = arith.addi %mul3A_21, %add3A_22 : i32
      %mul3A_24 = arith.constant 16 : i32
      %mul3A_25 = arith.muli %add3A_23, %mul3A_24 : i32
      %add3A_26 = arith.addi %mul3A_25, %arg1 : i32
      %lt3A_27 = arith.constant 2500 : i32
      %lt3A_28 = arith.cmpi slt, %add3A_26, %lt3A_27 : i32
      %convert_element_type3A_29 = arith.extui %lt3A_28 : i1 to i32
      %cond3A_30 = arith.constant 0 : i32
      %cond3A_31 = arith.cmpi ne, %convert_element_type3A_29, %cond3A_30 : i32
      scf.if %cond3A_31 {
        %mul3A_60 = arith.constant 128 : i32
        %mul3A_61 = arith.muli %add3A_26, %mul3A_60 : i32
        %run_scoped3A = arith.constant 0 : i32
        "tpu.region"() ({
          %run_scoped3A_159 = tpu.sem_alloc : memref<!tpu.dma_semaphore, #tpu.memory_space<semaphore_mem>>
          %dma_start3A_160 = tpu.memref_slice %arg4[%run_scoped3A, %mul3A_61] : memref<2x320000xi32, #tpu.memory_space<hbm>> -> memref<1x128xi32, #tpu.memory_space<hbm>>
          %dma_start3A_161 = tpu.memref_squeeze %dma_start3A_160 : memref<1x128xi32, #tpu.memory_space<hbm>> -> memref<128xi32, #tpu.memory_space<hbm>>
          %dma_start3A_162 = tpu.memref_slice %arg4[%run_scoped3A, %mul3A_61] : memref<2x320000xi32, #tpu.memory_space<hbm>> -> memref<1x128xi32, #tpu.memory_space<hbm>>
          %dma_start3A_163 = tpu.memref_squeeze %dma_start3A_162 : memref<1x128xi32, #tpu.memory_space<hbm>> -> memref<128xi32, #tpu.memory_space<hbm>>
          tpu.enqueue_dma source(%dma_start3A_163 : memref<128xi32, #tpu.memory_space<hbm>>) target(%arg15 : memref<128xi32, #tpu.memory_space<vmem>>) target_semaphore(%run_scoped3A_159 : memref<!tpu.dma_semaphore, #tpu.memory_space<semaphore_mem>>)
          %dma_wait3A = tpu.memref_slice %arg4[%run_scoped3A, %mul3A_61] : memref<2x320000xi32, #tpu.memory_space<hbm>> -> memref<1x128xi32, #tpu.memory_space<hbm>>
          %dma_wait3A_164 = tpu.memref_squeeze %dma_wait3A : memref<1x128xi32, #tpu.memory_space<hbm>> -> memref<128xi32, #tpu.memory_space<hbm>>
          %dma_wait3A_165 = tpu.memref_slice %arg4[%run_scoped3A, %mul3A_61] : memref<2x320000xi32, #tpu.memory_space<hbm>> -> memref<1x128xi32, #tpu.memory_space<hbm>>
          %dma_wait3A_166 = tpu.memref_squeeze %dma_wait3A_165 : memref<1x128xi32, #tpu.memory_space<hbm>> -> memref<128xi32, #tpu.memory_space<hbm>>
          tpu.wait_dma2 semaphore(%run_scoped3A_159 : memref<!tpu.dma_semaphore, #tpu.memory_space<semaphore_mem>>) src(%dma_wait3A_166 : memref<128xi32, #tpu.memory_space<hbm>>) dst(%arg15 : memref<128xi32, #tpu.memory_space<vmem>>)
          tpu.yield
        }) : () -> ()
        %run_scoped3A_62 = arith.constant 1 : i32
        "tpu.region"() ({
          %run_scoped3A_159 = tpu.sem_alloc : memref<!tpu.dma_semaphore, #tpu.memory_space<semaphore_mem>>
          %dma_start3A_160 = tpu.memref_slice %arg4[%run_scoped3A_62, %mul3A_61] : memref<2x320000xi32, #tpu.memory_space<hbm>> -> memref<1x128xi32, #tpu.memory_space<hbm>>
          %dma_start3A_161 = tpu.memref_squeeze %dma_start3A_160 : memref<1x128xi32, #tpu.memory_space<hbm>> -> memref<128xi32, #tpu.memory_space<hbm>>
          %dma_start3A_162 = tpu.memref_slice %arg4[%run_scoped3A_62, %mul3A_61] : memref<2x320000xi32, #tpu.memory_space<hbm>> -> memref<1x128xi32, #tpu.memory_space<hbm>>
          %dma_start3A_163 = tpu.memref_squeeze %dma_start3A_162 : memref<1x128xi32, #tpu.memory_space<hbm>> -> memref<128xi32, #tpu.memory_space<hbm>>
          tpu.enqueue_dma source(%dma_start3A_163 : memref<128xi32, #tpu.memory_space<hbm>>) target(%arg19 : memref<128xi32, #tpu.memory_space<vmem>>) target_semaphore(%run_scoped3A_159 : memref<!tpu.dma_semaphore, #tpu.memory_space<semaphore_mem>>)
          %dma_wait3A = tpu.memref_slice %arg4[%run_scoped3A_62, %mul3A_61] : memref<2x320000xi32, #tpu.memory_space<hbm>> -> memref<1x128xi32, #tpu.memory_space<hbm>>
          %dma_wait3A_164 = tpu.memref_squeeze %dma_wait3A : memref<1x128xi32, #tpu.memory_space<hbm>> -> memref<128xi32, #tpu.memory_space<hbm>>
          %dma_wait3A_165 = tpu.memref_slice %arg4[%run_scoped3A_62, %mul3A_61] : memref<2x320000xi32, #tpu.memory_space<hbm>> -> memref<1x128xi32, #tpu.memory_space<hbm>>
          %dma_wait3A_166 = tpu.memref_squeeze %dma_wait3A_165 : memref<1x128xi32, #tpu.memory_space<hbm>> -> memref<128xi32, #tpu.memory_space<hbm>>
          tpu.wait_dma2 semaphore(%run_scoped3A_159 : memref<!tpu.dma_semaphore, #tpu.memory_space<semaphore_mem>>) src(%dma_wait3A_166 : memref<128xi32, #tpu.memory_space<hbm>>) dst(%arg19 : memref<128xi32, #tpu.memory_space<vmem>>)
          tpu.yield
        }) : () -> ()
        %get3A = arith.constant 0 : index
        %get3A_63 = tpu.vector_load %arg15[%get3A] {strides = array<i32>} : memref<128xi32, #tpu.memory_space<vmem>>, vector<16xi32>,
        %get3A_64 = vector.shape_cast %get3A_63 : vector<16xi32> to vector<16xi32>
        %mul3A_65 = arith.constant 2 : i32
        %mul3A_66 = vector.broadcast %mul3A_65 : i32 to vector<16xi32>
        %mul3A_67 = arith.muli %get3A_64, %mul3A_66 : vector<16xi32>
        %add3A_68 = vector.broadcast %arg0 : i32 to vector<16xi32>
        %add3A_69 = arith.addi %mul3A_67, %add3A_68 : vector<16xi32>
        %swap3A = arith.constant 0 : index
        %swap3A_70 = tpu.vector_load %arg17[%swap3A] {strides = array<i32>} : memref<128xi32, #tpu.memory_space<vmem>>, vector<16xi32>,
        %swap3A_71 = vector.shape_cast %swap3A_70 : vector<16xi32> to vector<16xi32>
        %swap3A_72 = vector.shape_cast %add3A_69 : vector<16xi32> to vector<16xi32>
        tpu.vector_store %arg17[%swap3A], %swap3A_72 {strides = array<i32>} : memref<128xi32, #tpu.memory_space<vmem>>, vector<16xi32>,
        %get3A_73 = arith.constant 16 : index
        %get3A_74 = tpu.vector_load %arg15[%get3A_73] {strides = array<i32>} : memref<128xi32, #tpu.memory_space<vmem>>, vector<16xi32>,
        %get3A_75 = vector.shape_cast %get3A_74 : vector<16xi32> to vector<16xi32>
        %mul3A_76 = arith.constant 2 : i32
        %mul3A_77 = vector.broadcast %mul3A_76 : i32 to vector<16xi32>
        %mul3A_78 = arith.muli %get3A_75, %mul3A_77 : vector<16xi32>
        %add3A_79 = vector.broadcast %arg0 : i32 to vector<16xi32>
        %add3A_80 = arith.addi %mul3A_78, %add3A_79 : vector<16xi32>
        %swap3A_81 = arith.constant 16 : index
        %swap3A_82 = tpu.vector_load %arg17[%swap3A_81] {strides = array<i32>} : memref<128xi32, #tpu.memory_space<vmem>>, vector<16xi32>,
        %swap3A_83 = vector.shape_cast %swap3A_82 : vector<16xi32> to vector<16xi32>
        %swap3A_84 = vector.shape_cast %add3A_80 : vector<16xi32> to vector<16xi32>
        tpu.vector_store %arg17[%swap3A_81], %swap3A_84 {strides = array<i32>} : memref<128xi32, #tpu.memory_space<vmem>>, vector<16xi32>,
        %get3A_85 = arith.constant 32 : index
        %get3A_86 = tpu.vector_load %arg15[%get3A_85] {strides = array<i32>} : memref<128xi32, #tpu.memory_space<vmem>>, vector<16xi32>,
        %get3A_87 = vector.shape_cast %get3A_86 : vector<16xi32> to vector<16xi32>
        %mul3A_88 = arith.constant 2 : i32
        %mul3A_89 = vector.broadcast %mul3A_88 : i32 to vector<16xi32>
        %mul3A_90 = arith.muli %get3A_87, %mul3A_89 : vector<16xi32>
        %add3A_91 = vector.broadcast %arg0 : i32 to vector<16xi32>
        %add3A_92 = arith.addi %mul3A_90, %add3A_91 : vector<16xi32>
        %swap3A_93 = arith.constant 32 : index
        %swap3A_94 = tpu.vector_load %arg17[%swap3A_93] {strides = array<i32>} : memref<128xi32, #tpu.memory_space<vmem>>, vector<16xi32>,
        %swap3A_95 = vector.shape_cast %swap3A_94 : vector<16xi32> to vector<16xi32>
        %swap3A_96 = vector.shape_cast %add3A_92 : vector<16xi32> to vector<16xi32>
        tpu.vector_store %arg17[%swap3A_93], %swap3A_96 {strides = array<i32>} : memref<128xi32, #tpu.memory_space<vmem>>, vector<16xi32>,
        %get3A_97 = arith.constant 48 : index
        %get3A_98 = tpu.vector_load %arg15[%get3A_97] {strides = array<i32>} : memref<128xi32, #tpu.memory_space<vmem>>, vector<16xi32>,
        %get3A_99 = vector.shape_cast %get3A_98 : vector<16xi32> to vector<16xi32>
        %mul3A_100 = arith.constant 2 : i32
        %mul3A_101 = vector.broadcast %mul3A_100 : i32 to vector<16xi32>
        %mul3A_102 = arith.muli %get3A_99, %mul3A_101 : vector<16xi32>
        %add3A_103 = vector.broadcast %arg0 : i32 to vector<16xi32>
        %add3A_104 = arith.addi %mul3A_102, %add3A_103 : vector<16xi32>
        %swap3A_105 = arith.constant 48 : index
        %swap3A_106 = tpu.vector_load %arg17[%swap3A_105] {strides = array<i32>} : memref<128xi32, #tpu.memory_space<vmem>>, vector<16xi32>,
        %swap3A_107 = vector.shape_cast %swap3A_106 : vector<16xi32> to vector<16xi32>
        %swap3A_108 = vector.shape_cast %add3A_104 : vector<16xi32> to vector<16xi32>
        tpu.vector_store %arg17[%swap3A_105], %swap3A_108 {strides = array<i32>} : memref<128xi32, #tpu.memory_space<vmem>>, vector<16xi32>,
        %get3A_109 = arith.constant 64 : index
        %get3A_110 = tpu.vector_load %arg15[%get3A_109] {strides = array<i32>} : memref<128xi32, #tpu.memory_space<vmem>>, vector<16xi32>,
        %get3A_111 = vector.shape_cast %get3A_110 : vector<16xi32> to vector<16xi32>
        %mul3A_112 = arith.constant 2 : i32
        %mul3A_113 = vector.broadcast %mul3A_112 : i32 to vector<16xi32>
        %mul3A_114 = arith.muli %get3A_111, %mul3A_113 : vector<16xi32>
        %add3A_115 = vector.broadcast %arg0 : i32 to vector<16xi32>
        %add3A_116 = arith.addi %mul3A_114, %add3A_115 : vector<16xi32>
        %swap3A_117 = arith.constant 64 : index
        %swap3A_118 = tpu.vector_load %arg17[%swap3A_117] {strides = array<i32>} : memref<128xi32, #tpu.memory_space<vmem>>, vector<16xi32>,
        %swap3A_119 = vector.shape_cast %swap3A_118 : vector<16xi32> to vector<16xi32>
        %swap3A_120 = vector.shape_cast %add3A_116 : vector<16xi32> to vector<16xi32>
        tpu.vector_store %arg17[%swap3A_117], %swap3A_120 {strides = array<i32>} : memref<128xi32, #tpu.memory_space<vmem>>, vector<16xi32>,
        %get3A_121 = arith.constant 80 : index
        %get3A_122 = tpu.vector_load %arg15[%get3A_121] {strides = array<i32>} : memref<128xi32, #tpu.memory_space<vmem>>, vector<16xi32>,
        %get3A_123 = vector.shape_cast %get3A_122 : vector<16xi32> to vector<16xi32>
        %mul3A_124 = arith.constant 2 : i32
        %mul3A_125 = vector.broadcast %mul3A_124 : i32 to vector<16xi32>
        %mul3A_126 = arith.muli %get3A_123, %mul3A_125 : vector<16xi32>
        %add3A_127 = vector.broadcast %arg0 : i32 to vector<16xi32>
        %add3A_128 = arith.addi %mul3A_126, %add3A_127 : vector<16xi32>
        %swap3A_129 = arith.constant 80 : index
        %swap3A_130 = tpu.vector_load %arg17[%swap3A_129] {strides = array<i32>} : memref<128xi32, #tpu.memory_space<vmem>>, vector<16xi32>,
        %swap3A_131 = vector.shape_cast %swap3A_130 : vector<16xi32> to vector<16xi32>
        %swap3A_132 = vector.shape_cast %add3A_128 : vector<16xi32> to vector<16xi32>
        tpu.vector_store %arg17[%swap3A_129], %swap3A_132 {strides = array<i32>} : memref<128xi32, #tpu.memory_space<vmem>>, vector<16xi32>,
        %get3A_133 = arith.constant 96 : index
        %get3A_134 = tpu.vector_load %arg15[%get3A_133] {strides = array<i32>} : memref<128xi32, #tpu.memory_space<vmem>>, vector<16xi32>,
        %get3A_135 = vector.shape_cast %get3A_134 : vector<16xi32> to vector<16xi32>
        %mul3A_136 = arith.constant 2 : i32
        %mul3A_137 = vector.broadcast %mul3A_136 : i32 to vector<16xi32>
        %mul3A_138 = arith.muli %get3A_135, %mul3A_137 : vector<16xi32>
        %add3A_139 = vector.broadcast %arg0 : i32 to vector<16xi32>
        %add3A_140 = arith.addi %mul3A_138, %add3A_139 : vector<16xi32>
        %swap3A_141 = arith.constant 96 : index
        %swap3A_142 = tpu.vector_load %arg17[%swap3A_141] {strides = array<i32>} : memref<128xi32, #tpu.memory_space<vmem>>, vector<16xi32>,
        %swap3A_143 = vector.shape_cast %swap3A_142 : vector<16xi32> to vector<16xi32>
        %swap3A_144 = vector.shape_cast %add3A_140 : vector<16xi32> to vector<16xi32>
        tpu.vector_store %arg17[%swap3A_141], %swap3A_144 {strides = array<i32>} : memref<128xi32, #tpu.memory_space<vmem>>, vector<16xi32>,
        %get3A_145 = arith.constant 112 : index
        %get3A_146 = tpu.vector_load %arg15[%get3A_145] {strides = array<i32>} : memref<128xi32, #tpu.memory_space<vmem>>, vector<16xi32>,
        %get3A_147 = vector.shape_cast %get3A_146 : vector<16xi32> to vector<16xi32>
        %mul3A_148 = arith.constant 2 : i32
        %mul3A_149 = vector.broadcast %mul3A_148 : i32 to vector<16xi32>
        %mul3A_150 = arith.muli %get3A_147, %mul3A_149 : vector<16xi32>
        %add3A_151 = vector.broadcast %arg0 : i32 to vector<16xi32>
        %add3A_152 = arith.addi %mul3A_150, %add3A_151 : vector<16xi32>
        %swap3A_153 = arith.constant 112 : index
        %swap3A_154 = tpu.vector_load %arg17[%swap3A_153] {strides = array<i32>} : memref<128xi32, #tpu.memory_space<vmem>>, vector<16xi32>,
        %swap3A_155 = vector.shape_cast %swap3A_154 : vector<16xi32> to vector<16xi32>
        %swap3A_156 = vector.shape_cast %add3A_152 : vector<16xi32> to vector<16xi32>
        tpu.vector_store %arg17[%swap3A_153], %swap3A_156 {strides = array<i32>} : memref<128xi32, #tpu.memory_space<vmem>>, vector<16xi32>,
        %dma_start3A = arith.constant 0 : i32
        %dma_start3A_157 = arith.constant 0 : i32
        %dma_start3A_158 = tpu.memref_slice %arg2[%dma_start3A, %dma_start3A_157] : memref<20000x64xf32, #tpu.memory_space<hbm>> -> memref<20000x64xf32, #tpu.memory_space<hbm>>
        tpu.enqueue_indirect_dma source(%dma_start3A_158 : memref<20000x64xf32, #tpu.memory_space<hbm>>) target(%arg21 : memref<128x64xf32, #tpu.memory_space<vmem>>) offsets(%arg17 : memref<128xi32, #tpu.memory_space<vmem>>) semaphore(%arg25 : memref<!tpu.dma_semaphore, #tpu.memory_space<semaphore_mem>>)
      } else {
      }
      %mul3A_32 = arith.constant 16 : i32
      %mul3A_33 = arith.muli %mul3A_21, %mul3A_32 : i32
      %add3A_34 = arith.addi %mul3A_33, %arg1 : i32
      %lt3A_35 = arith.constant 2500 : i32
      %lt3A_36 = arith.cmpi slt, %add3A_34, %lt3A_35 : i32
      %convert_element_type3A_37 = arith.extui %lt3A_36 : i1 to i32
      %cond3A_38 = arith.constant 0 : i32
      %cond3A_39 = arith.cmpi ne, %convert_element_type3A_37, %cond3A_38 : i32
      scf.if %cond3A_39 {
        %mul3A_60 = arith.constant 128 : i32
        %mul3A_61 = arith.muli %add3A_34, %mul3A_60 : i32
        %dma_wait3A = arith.constant 0 : i32
        %dma_wait3A_62 = arith.constant 0 : i32
        %dma_wait3A_63 = tpu.memref_slice %arg2[%dma_wait3A, %dma_wait3A_62] : memref<20000x64xf32, #tpu.memory_space<hbm>> -> memref<20000x64xf32, #tpu.memory_space<hbm>>
        tpu.wait_indirect_dma semaphore(%arg24 : memref<!tpu.dma_semaphore, #tpu.memory_space<semaphore_mem>>) src(%dma_wait3A_63 : memref<20000x64xf32, #tpu.memory_space<hbm>>) dst(%arg20 : memref<128x64xf32, #tpu.memory_space<vmem>>)
        "tpu.region"() ({
          %run_scoped3A = tpu.sem_alloc : memref<!tpu.dma_semaphore, #tpu.memory_space<semaphore_mem>>
          %dma_start3A = arith.constant 0 : i32
          %dma_start3A_74 = arith.constant 0 : i32
          %dma_start3A_75 = tpu.memref_slice %arg11[%dma_start3A, %dma_start3A_74] : memref<10000x64xf32, #tpu.memory_space<vmem_shared>> -> memref<10000x64xf32, #tpu.memory_space<vmem_shared>>
          tpu.enqueue_indirect_dma source(%arg20 : memref<128x64xf32, #tpu.memory_space<vmem>>) target(%dma_start3A_75 : memref<10000x64xf32, #tpu.memory_space<vmem_shared>>) offsets(%arg18 : memref<128xi32, #tpu.memory_space<vmem>>) semaphore(%run_scoped3A : memref<!tpu.dma_semaphore, #tpu.memory_space<semaphore_mem>>) {add = true}
          %dma_wait3A_76 = arith.constant 0 : i32
          %dma_wait3A_77 = arith.constant 0 : i32
          %dma_wait3A_78 = tpu.memref_slice %arg11[%dma_wait3A_76, %dma_wait3A_77] : memref<10000x64xf32, #tpu.memory_space<vmem_shared>> -> memref<10000x64xf32, #tpu.memory_space<vmem_shared>>
          tpu.wait_indirect_dma semaphore(%run_scoped3A : memref<!tpu.dma_semaphore, #tpu.memory_space<semaphore_mem>>) src(%arg20 : memref<128x64xf32, #tpu.memory_space<vmem>>) dst(%dma_wait3A_78 : memref<10000x64xf32, #tpu.memory_space<vmem_shared>>)
          tpu.yield
        }) : () -> ()
        %rem3A = arith.constant 2 : i32
        %rem3A_64 = arith.remsi %add3A_34, %rem3A : i32
        %eq3A_65 = arith.cmpi eq, %rem3A_64, %arg0 : i32
        %convert_element_type3A_66 = arith.extui %eq3A_65 : i1 to i32
        %cond3A_67 = arith.constant 0 : i32
        %cond3A_68 = arith.cmpi ne, %convert_element_type3A_66, %cond3A_67 : i32
        scf.if %cond3A_68 {
          "tpu.region"() ({
            %run_scoped3A = tpu.sem_alloc : memref<!tpu.dma_semaphore, #tpu.memory_space<semaphore_mem>>
            %dma_start3A = arith.constant 0 : i32
            %dma_start3A_74 = tpu.memref_slice %arg3[%mul3A_61, %dma_start3A] : memref<320000x16xf32, #tpu.memory_space<hbm>> -> memref<128x16xf32, #tpu.memory_space<hbm>>
            %dma_start3A_75 = arith.constant 0 : i32
            %dma_start3A_76 = tpu.memref_slice %arg3[%mul3A_61, %dma_start3A_75] : memref<320000x16xf32, #tpu.memory_space<hbm>> -> memref<128x16xf32, #tpu.memory_space<hbm>>
            tpu.enqueue_dma source(%dma_start3A_76 : memref<128x16xf32, #tpu.memory_space<hbm>>) target(%arg22 : memref<128x16xf32, #tpu.memory_space<vmem>>) target_semaphore(%run_scoped3A : memref<!tpu.dma_semaphore, #tpu.memory_space<semaphore_mem>>)
            %dma_wait3A_77 = arith.constant 0 : i32
            %dma_wait3A_78 = tpu.memref_slice %arg3[%mul3A_61, %dma_wait3A_77] : memref<320000x16xf32, #tpu.memory_space<hbm>> -> memref<128x16xf32, #tpu.memory_space<hbm>>
            %dma_wait3A_79 = arith.constant 0 : i32
            %dma_wait3A_80 = tpu.memref_slice %arg3[%mul3A_61, %dma_wait3A_79] : memref<320000x16xf32, #tpu.memory_space<hbm>> -> memref<128x16xf32, #tpu.memory_space<hbm>>
            tpu.wait_dma2 semaphore(%run_scoped3A : memref<!tpu.dma_semaphore, #tpu.memory_space<semaphore_mem>>) src(%dma_wait3A_80 : memref<128x16xf32, #tpu.memory_space<hbm>>) dst(%arg22 : memref<128x16xf32, #tpu.memory_space<vmem>>)
            tpu.yield
          }) : () -> ()
          "tpu.region"() ({
            %run_scoped3A = tpu.sem_alloc : memref<!tpu.dma_semaphore, #tpu.memory_space<semaphore_mem>>
            %dma_start3A = arith.constant 0 : i32
            %dma_start3A_74 = arith.constant 0 : i32
            %dma_start3A_75 = tpu.memref_slice %arg12[%dma_start3A, %dma_start3A_74] : memref<10000x16xf32, #tpu.memory_space<vmem_shared>> -> memref<10000x16xf32, #tpu.memory_space<vmem_shared>>
            tpu.enqueue_indirect_dma source(%arg22 : memref<128x16xf32, #tpu.memory_space<vmem>>) target(%dma_start3A_75 : memref<10000x16xf32, #tpu.memory_space<vmem_shared>>) offsets(%arg18 : memref<128xi32, #tpu.memory_space<vmem>>) semaphore(%run_scoped3A : memref<!tpu.dma_semaphore, #tpu.memory_space<semaphore_mem>>) {add = true}
            %dma_wait3A_76 = arith.constant 0 : i32
            %dma_wait3A_77 = arith.constant 0 : i32
            %dma_wait3A_78 = tpu.memref_slice %arg12[%dma_wait3A_76, %dma_wait3A_77] : memref<10000x16xf32, #tpu.memory_space<vmem_shared>> -> memref<10000x16xf32, #tpu.memory_space<vmem_shared>>
            tpu.wait_indirect_dma semaphore(%run_scoped3A : memref<!tpu.dma_semaphore, #tpu.memory_space<semaphore_mem>>) src(%arg22 : memref<128x16xf32, #tpu.memory_space<vmem>>) dst(%dma_wait3A_78 : memref<10000x16xf32, #tpu.memory_space<vmem_shared>>)
            tpu.yield
          }) : () -> ()
        } else {
        }
        %rem3A_69 = arith.constant 2 : i32
        %rem3A_70 = arith.remsi %add3A_34, %rem3A_69 : i32
        %ne3A = arith.cmpi ne, %rem3A_70, %arg0 : i32
        %convert_element_type3A_71 = arith.extui %ne3A : i1 to i32
        %cond3A_72 = arith.constant 0 : i32
        %cond3A_73 = arith.cmpi ne, %convert_element_type3A_71, %cond3A_72 : i32
        scf.if %cond3A_73 {
          "tpu.region"() ({
            %run_scoped3A = tpu.sem_alloc : memref<!tpu.dma_semaphore, #tpu.memory_space<semaphore_mem>>
            %dma_start3A = arith.constant 0 : i32
            %dma_start3A_74 = arith.constant 0 : i32
            %dma_start3A_75 = tpu.memref_slice %arg13[%dma_start3A, %dma_start3A_74] : memref<10000x16xf32, #tpu.memory_space<vmem_shared>> -> memref<10000x16xf32, #tpu.memory_space<vmem_shared>>
            tpu.enqueue_indirect_dma source(%arg23 : memref<128x16xf32, #tpu.memory_space<vmem>>) target(%dma_start3A_75 : memref<10000x16xf32, #tpu.memory_space<vmem_shared>>) offsets(%arg18 : memref<128xi32, #tpu.memory_space<vmem>>) semaphore(%run_scoped3A : memref<!tpu.dma_semaphore, #tpu.memory_space<semaphore_mem>>) {add = true}
            %dma_wait3A_76 = arith.constant 0 : i32
            %dma_wait3A_77 = arith.constant 0 : i32
            %dma_wait3A_78 = tpu.memref_slice %arg13[%dma_wait3A_76, %dma_wait3A_77] : memref<10000x16xf32, #tpu.memory_space<vmem_shared>> -> memref<10000x16xf32, #tpu.memory_space<vmem_shared>>
            tpu.wait_indirect_dma semaphore(%run_scoped3A : memref<!tpu.dma_semaphore, #tpu.memory_space<semaphore_mem>>) src(%arg23 : memref<128x16xf32, #tpu.memory_space<vmem>>) dst(%dma_wait3A_78 : memref<10000x16xf32, #tpu.memory_space<vmem_shared>>)
            tpu.yield
          }) : () -> ()
        } else {
        }
      } else {
      }
      %add3A_40 = arith.constant 2 : i32
      %add3A_41 = arith.addi %mul3A_21, %add3A_40 : i32
      %mul3A_42 = arith.constant 16 : i32
      %mul3A_43 = arith.muli %add3A_41, %mul3A_42 : i32
      %add3A_44 = arith.addi %mul3A_43, %arg1 : i32
      %lt3A_45 = arith.constant 2500 : i32
      %lt3A_46 = arith.cmpi slt, %add3A_44, %lt3A_45 : i32
      %convert_element_type3A_47 = arith.extui %lt3A_46 : i1 to i32
      %cond3A_48 = arith.constant 0 : i32
      %cond3A_49 = arith.cmpi ne, %convert_element_type3A_47, %cond3A_48 : i32
      scf.if %cond3A_49 {
        %mul3A_60 = arith.constant 128 : i32
        %mul3A_61 = arith.muli %add3A_44, %mul3A_60 : i32
        %run_scoped3A = arith.constant 0 : i32
        "tpu.region"() ({
          %run_scoped3A_159 = tpu.sem_alloc : memref<!tpu.dma_semaphore, #tpu.memory_space<semaphore_mem>>
          %dma_start3A_160 = tpu.memref_slice %arg4[%run_scoped3A, %mul3A_61] : memref<2x320000xi32, #tpu.memory_space<hbm>> -> memref<1x128xi32, #tpu.memory_space<hbm>>
          %dma_start3A_161 = tpu.memref_squeeze %dma_start3A_160 : memref<1x128xi32, #tpu.memory_space<hbm>> -> memref<128xi32, #tpu.memory_space<hbm>>
          %dma_start3A_162 = tpu.memref_slice %arg4[%run_scoped3A, %mul3A_61] : memref<2x320000xi32, #tpu.memory_space<hbm>> -> memref<1x128xi32, #tpu.memory_space<hbm>>
          %dma_start3A_163 = tpu.memref_squeeze %dma_start3A_162 : memref<1x128xi32, #tpu.memory_space<hbm>> -> memref<128xi32, #tpu.memory_space<hbm>>
          tpu.enqueue_dma source(%dma_start3A_163 : memref<128xi32, #tpu.memory_space<hbm>>) target(%arg14 : memref<128xi32, #tpu.memory_space<vmem>>) target_semaphore(%run_scoped3A_159 : memref<!tpu.dma_semaphore, #tpu.memory_space<semaphore_mem>>)
          %dma_wait3A = tpu.memref_slice %arg4[%run_scoped3A, %mul3A_61] : memref<2x320000xi32, #tpu.memory_space<hbm>> -> memref<1x128xi32, #tpu.memory_space<hbm>>
          %dma_wait3A_164 = tpu.memref_squeeze %dma_wait3A : memref<1x128xi32, #tpu.memory_space<hbm>> -> memref<128xi32, #tpu.memory_space<hbm>>
          %dma_wait3A_165 = tpu.memref_slice %arg4[%run_scoped3A, %mul3A_61] : memref<2x320000xi32, #tpu.memory_space<hbm>> -> memref<1x128xi32, #tpu.memory_space<hbm>>
          %dma_wait3A_166 = tpu.memref_squeeze %dma_wait3A_165 : memref<1x128xi32, #tpu.memory_space<hbm>> -> memref<128xi32, #tpu.memory_space<hbm>>
          tpu.wait_dma2 semaphore(%run_scoped3A_159 : memref<!tpu.dma_semaphore, #tpu.memory_space<semaphore_mem>>) src(%dma_wait3A_166 : memref<128xi32, #tpu.memory_space<hbm>>) dst(%arg14 : memref<128xi32, #tpu.memory_space<vmem>>)
          tpu.yield
        }) : () -> ()
        %run_scoped3A_62 = arith.constant 1 : i32
        "tpu.region"() ({
          %run_scoped3A_159 = tpu.sem_alloc : memref<!tpu.dma_semaphore, #tpu.memory_space<semaphore_mem>>
          %dma_start3A_160 = tpu.memref_slice %arg4[%run_scoped3A_62, %mul3A_61] : memref<2x320000xi32, #tpu.memory_space<hbm>> -> memref<1x128xi32, #tpu.memory_space<hbm>>
          %dma_start3A_161 = tpu.memref_squeeze %dma_start3A_160 : memref<1x128xi32, #tpu.memory_space<hbm>> -> memref<128xi32, #tpu.memory_space<hbm>>
          %dma_start3A_162 = tpu.memref_slice %arg4[%run_scoped3A_62, %mul3A_61] : memref<2x320000xi32, #tpu.memory_space<hbm>> -> memref<1x128xi32, #tpu.memory_space<hbm>>
          %dma_start3A_163 = tpu.memref_squeeze %dma_start3A_162 : memref<1x128xi32, #tpu.memory_space<hbm>> -> memref<128xi32, #tpu.memory_space<hbm>>
          tpu.enqueue_dma source(%dma_start3A_163 : memref<128xi32, #tpu.memory_space<hbm>>) target(%arg18 : memref<128xi32, #tpu.memory_space<vmem>>) target_semaphore(%run_scoped3A_159 : memref<!tpu.dma_semaphore, #tpu.memory_space<semaphore_mem>>)
          %dma_wait3A = tpu.memref_slice %arg4[%run_scoped3A_62, %mul3A_61] : memref<2x320000xi32, #tpu.memory_space<hbm>> -> memref<1x128xi32, #tpu.memory_space<hbm>>
          %dma_wait3A_164 = tpu.memref_squeeze %dma_wait3A : memref<1x128xi32, #tpu.memory_space<hbm>> -> memref<128xi32, #tpu.memory_space<hbm>>
          %dma_wait3A_165 = tpu.memref_slice %arg4[%run_scoped3A_62, %mul3A_61] : memref<2x320000xi32, #tpu.memory_space<hbm>> -> memref<1x128xi32, #tpu.memory_space<hbm>>
          %dma_wait3A_166 = tpu.memref_squeeze %dma_wait3A_165 : memref<1x128xi32, #tpu.memory_space<hbm>> -> memref<128xi32, #tpu.memory_space<hbm>>
          tpu.wait_dma2 semaphore(%run_scoped3A_159 : memref<!tpu.dma_semaphore, #tpu.memory_space<semaphore_mem>>) src(%dma_wait3A_166 : memref<128xi32, #tpu.memory_space<hbm>>) dst(%arg18 : memref<128xi32, #tpu.memory_space<vmem>>)
          tpu.yield
        }) : () -> ()
        %get3A = arith.constant 0 : index
        %get3A_63 = tpu.vector_load %arg14[%get3A] {strides = array<i32>} : memref<128xi32, #tpu.memory_space<vmem>>, vector<16xi32>,
        %get3A_64 = vector.shape_cast %get3A_63 : vector<16xi32> to vector<16xi32>
        %mul3A_65 = arith.constant 2 : i32
        %mul3A_66 = vector.broadcast %mul3A_65 : i32 to vector<16xi32>
        %mul3A_67 = arith.muli %get3A_64, %mul3A_66 : vector<16xi32>
        %add3A_68 = vector.broadcast %arg0 : i32 to vector<16xi32>
        %add3A_69 = arith.addi %mul3A_67, %add3A_68 : vector<16xi32>
        %swap3A = arith.constant 0 : index
        %swap3A_70 = tpu.vector_load %arg16[%swap3A] {strides = array<i32>} : memref<128xi32, #tpu.memory_space<vmem>>, vector<16xi32>,
        %swap3A_71 = vector.shape_cast %swap3A_70 : vector<16xi32> to vector<16xi32>
        %swap3A_72 = vector.shape_cast %add3A_69 : vector<16xi32> to vector<16xi32>
        tpu.vector_store %arg16[%swap3A], %swap3A_72 {strides = array<i32>} : memref<128xi32, #tpu.memory_space<vmem>>, vector<16xi32>,
        %get3A_73 = arith.constant 16 : index
        %get3A_74 = tpu.vector_load %arg14[%get3A_73] {strides = array<i32>} : memref<128xi32, #tpu.memory_space<vmem>>, vector<16xi32>,
        %get3A_75 = vector.shape_cast %get3A_74 : vector<16xi32> to vector<16xi32>
        %mul3A_76 = arith.constant 2 : i32
        %mul3A_77 = vector.broadcast %mul3A_76 : i32 to vector<16xi32>
        %mul3A_78 = arith.muli %get3A_75, %mul3A_77 : vector<16xi32>
        %add3A_79 = vector.broadcast %arg0 : i32 to vector<16xi32>
        %add3A_80 = arith.addi %mul3A_78, %add3A_79 : vector<16xi32>
        %swap3A_81 = arith.constant 16 : index
        %swap3A_82 = tpu.vector_load %arg16[%swap3A_81] {strides = array<i32>} : memref<128xi32, #tpu.memory_space<vmem>>, vector<16xi32>,
        %swap3A_83 = vector.shape_cast %swap3A_82 : vector<16xi32> to vector<16xi32>
        %swap3A_84 = vector.shape_cast %add3A_80 : vector<16xi32> to vector<16xi32>
        tpu.vector_store %arg16[%swap3A_81], %swap3A_84 {strides = array<i32>} : memref<128xi32, #tpu.memory_space<vmem>>, vector<16xi32>,
        %get3A_85 = arith.constant 32 : index
        %get3A_86 = tpu.vector_load %arg14[%get3A_85] {strides = array<i32>} : memref<128xi32, #tpu.memory_space<vmem>>, vector<16xi32>,
        %get3A_87 = vector.shape_cast %get3A_86 : vector<16xi32> to vector<16xi32>
        %mul3A_88 = arith.constant 2 : i32
        %mul3A_89 = vector.broadcast %mul3A_88 : i32 to vector<16xi32>
        %mul3A_90 = arith.muli %get3A_87, %mul3A_89 : vector<16xi32>
        %add3A_91 = vector.broadcast %arg0 : i32 to vector<16xi32>
        %add3A_92 = arith.addi %mul3A_90, %add3A_91 : vector<16xi32>
        %swap3A_93 = arith.constant 32 : index
        %swap3A_94 = tpu.vector_load %arg16[%swap3A_93] {strides = array<i32>} : memref<128xi32, #tpu.memory_space<vmem>>, vector<16xi32>,
        %swap3A_95 = vector.shape_cast %swap3A_94 : vector<16xi32> to vector<16xi32>
        %swap3A_96 = vector.shape_cast %add3A_92 : vector<16xi32> to vector<16xi32>
        tpu.vector_store %arg16[%swap3A_93], %swap3A_96 {strides = array<i32>} : memref<128xi32, #tpu.memory_space<vmem>>, vector<16xi32>,
        %get3A_97 = arith.constant 48 : index
        %get3A_98 = tpu.vector_load %arg14[%get3A_97] {strides = array<i32>} : memref<128xi32, #tpu.memory_space<vmem>>, vector<16xi32>,
        %get3A_99 = vector.shape_cast %get3A_98 : vector<16xi32> to vector<16xi32>
        %mul3A_100 = arith.constant 2 : i32
        %mul3A_101 = vector.broadcast %mul3A_100 : i32 to vector<16xi32>
        %mul3A_102 = arith.muli %get3A_99, %mul3A_101 : vector<16xi32>
        %add3A_103 = vector.broadcast %arg0 : i32 to vector<16xi32>
        %add3A_104 = arith.addi %mul3A_102, %add3A_103 : vector<16xi32>
        %swap3A_105 = arith.constant 48 : index
        %swap3A_106 = tpu.vector_load %arg16[%swap3A_105] {strides = array<i32>} : memref<128xi32, #tpu.memory_space<vmem>>, vector<16xi32>,
        %swap3A_107 = vector.shape_cast %swap3A_106 : vector<16xi32> to vector<16xi32>
        %swap3A_108 = vector.shape_cast %add3A_104 : vector<16xi32> to vector<16xi32>
        tpu.vector_store %arg16[%swap3A_105], %swap3A_108 {strides = array<i32>} : memref<128xi32, #tpu.memory_space<vmem>>, vector<16xi32>,
        %get3A_109 = arith.constant 64 : index
        %get3A_110 = tpu.vector_load %arg14[%get3A_109] {strides = array<i32>} : memref<128xi32, #tpu.memory_space<vmem>>, vector<16xi32>,
        %get3A_111 = vector.shape_cast %get3A_110 : vector<16xi32> to vector<16xi32>
        %mul3A_112 = arith.constant 2 : i32
        %mul3A_113 = vector.broadcast %mul3A_112 : i32 to vector<16xi32>
        %mul3A_114 = arith.muli %get3A_111, %mul3A_113 : vector<16xi32>
        %add3A_115 = vector.broadcast %arg0 : i32 to vector<16xi32>
        %add3A_116 = arith.addi %mul3A_114, %add3A_115 : vector<16xi32>
        %swap3A_117 = arith.constant 64 : index
        %swap3A_118 = tpu.vector_load %arg16[%swap3A_117] {strides = array<i32>} : memref<128xi32, #tpu.memory_space<vmem>>, vector<16xi32>,
        %swap3A_119 = vector.shape_cast %swap3A_118 : vector<16xi32> to vector<16xi32>
        %swap3A_120 = vector.shape_cast %add3A_116 : vector<16xi32> to vector<16xi32>
        tpu.vector_store %arg16[%swap3A_117], %swap3A_120 {strides = array<i32>} : memref<128xi32, #tpu.memory_space<vmem>>, vector<16xi32>,
        %get3A_121 = arith.constant 80 : index
        %get3A_122 = tpu.vector_load %arg14[%get3A_121] {strides = array<i32>} : memref<128xi32, #tpu.memory_space<vmem>>, vector<16xi32>,
        %get3A_123 = vector.shape_cast %get3A_122 : vector<16xi32> to vector<16xi32>
        %mul3A_124 = arith.constant 2 : i32
        %mul3A_125 = vector.broadcast %mul3A_124 : i32 to vector<16xi32>
        %mul3A_126 = arith.muli %get3A_123, %mul3A_125 : vector<16xi32>
        %add3A_127 = vector.broadcast %arg0 : i32 to vector<16xi32>
        %add3A_128 = arith.addi %mul3A_126, %add3A_127 : vector<16xi32>
        %swap3A_129 = arith.constant 80 : index
        %swap3A_130 = tpu.vector_load %arg16[%swap3A_129] {strides = array<i32>} : memref<128xi32, #tpu.memory_space<vmem>>, vector<16xi32>,
        %swap3A_131 = vector.shape_cast %swap3A_130 : vector<16xi32> to vector<16xi32>
        %swap3A_132 = vector.shape_cast %add3A_128 : vector<16xi32> to vector<16xi32>
        tpu.vector_store %arg16[%swap3A_129], %swap3A_132 {strides = array<i32>} : memref<128xi32, #tpu.memory_space<vmem>>, vector<16xi32>,
        %get3A_133 = arith.constant 96 : index
        %get3A_134 = tpu.vector_load %arg14[%get3A_133] {strides = array<i32>} : memref<128xi32, #tpu.memory_space<vmem>>, vector<16xi32>,
        %get3A_135 = vector.shape_cast %get3A_134 : vector<16xi32> to vector<16xi32>
        %mul3A_136 = arith.constant 2 : i32
        %mul3A_137 = vector.broadcast %mul3A_136 : i32 to vector<16xi32>
        %mul3A_138 = arith.muli %get3A_135, %mul3A_137 : vector<16xi32>
        %add3A_139 = vector.broadcast %arg0 : i32 to vector<16xi32>
        %add3A_140 = arith.addi %mul3A_138, %add3A_139 : vector<16xi32>
        %swap3A_141 = arith.constant 96 : index
        %swap3A_142 = tpu.vector_load %arg16[%swap3A_141] {strides = array<i32>} : memref<128xi32, #tpu.memory_space<vmem>>, vector<16xi32>,
        %swap3A_143 = vector.shape_cast %swap3A_142 : vector<16xi32> to vector<16xi32>
        %swap3A_144 = vector.shape_cast %add3A_140 : vector<16xi32> to vector<16xi32>
        tpu.vector_store %arg16[%swap3A_141], %swap3A_144 {strides = array<i32>} : memref<128xi32, #tpu.memory_space<vmem>>, vector<16xi32>,
        %get3A_145 = arith.constant 112 : index
        %get3A_146 = tpu.vector_load %arg14[%get3A_145] {strides = array<i32>} : memref<128xi32, #tpu.memory_space<vmem>>, vector<16xi32>,
        %get3A_147 = vector.shape_cast %get3A_146 : vector<16xi32> to vector<16xi32>
        %mul3A_148 = arith.constant 2 : i32
        %mul3A_149 = vector.broadcast %mul3A_148 : i32 to vector<16xi32>
        %mul3A_150 = arith.muli %get3A_147, %mul3A_149 : vector<16xi32>
        %add3A_151 = vector.broadcast %arg0 : i32 to vector<16xi32>
        %add3A_152 = arith.addi %mul3A_150, %add3A_151 : vector<16xi32>
        %swap3A_153 = arith.constant 112 : index
        %swap3A_154 = tpu.vector_load %arg16[%swap3A_153] {strides = array<i32>} : memref<128xi32, #tpu.memory_space<vmem>>, vector<16xi32>,
        %swap3A_155 = vector.shape_cast %swap3A_154 : vector<16xi32> to vector<16xi32>
        %swap3A_156 = vector.shape_cast %add3A_152 : vector<16xi32> to vector<16xi32>
        tpu.vector_store %arg16[%swap3A_153], %swap3A_156 {strides = array<i32>} : memref<128xi32, #tpu.memory_space<vmem>>, vector<16xi32>,
        %dma_start3A = arith.constant 0 : i32
        %dma_start3A_157 = arith.constant 0 : i32
        %dma_start3A_158 = tpu.memref_slice %arg2[%dma_start3A, %dma_start3A_157] : memref<20000x64xf32, #tpu.memory_space<hbm>> -> memref<20000x64xf32, #tpu.memory_space<hbm>>
        tpu.enqueue_indirect_dma source(%dma_start3A_158 : memref<20000x64xf32, #tpu.memory_space<hbm>>) target(%arg20 : memref<128x64xf32, #tpu.memory_space<vmem>>) offsets(%arg16 : memref<128xi32, #tpu.memory_space<vmem>>) semaphore(%arg24 : memref<!tpu.dma_semaphore, #tpu.memory_space<semaphore_mem>>)
      } else {
      }
      %add3A_50 = arith.constant 1 : i32
      %add3A_51 = arith.addi %mul3A_21, %add3A_50 : i32
      %mul3A_52 = arith.constant 16 : i32
      %mul3A_53 = arith.muli %add3A_51, %mul3A_52 : i32
      %add3A_54 = arith.addi %mul3A_53, %arg1 : i32
      %lt3A_55 = arith.constant 2500 : i32
      %lt3A_56 = arith.cmpi slt, %add3A_54, %lt3A_55 : i32
      %convert_element_type3A_57 = arith.extui %lt3A_56 : i1 to i32
      %cond3A_58 = arith.constant 0 : i32
      %cond3A_59 = arith.cmpi ne, %convert_element_type3A_57, %cond3A_58 : i32
      scf.if %cond3A_59 {
        %mul3A_60 = arith.constant 128 : i32
        %mul3A_61 = arith.muli %add3A_54, %mul3A_60 : i32
        %dma_wait3A = arith.constant 0 : i32
        %dma_wait3A_62 = arith.constant 0 : i32
        %dma_wait3A_63 = tpu.memref_slice %arg2[%dma_wait3A, %dma_wait3A_62] : memref<20000x64xf32, #tpu.memory_space<hbm>> -> memref<20000x64xf32, #tpu.memory_space<hbm>>
        tpu.wait_indirect_dma semaphore(%arg25 : memref<!tpu.dma_semaphore, #tpu.memory_space<semaphore_mem>>) src(%dma_wait3A_63 : memref<20000x64xf32, #tpu.memory_space<hbm>>) dst(%arg21 : memref<128x64xf32, #tpu.memory_space<vmem>>)
        "tpu.region"() ({
          %run_scoped3A = tpu.sem_alloc : memref<!tpu.dma_semaphore, #tpu.memory_space<semaphore_mem>>
          %dma_start3A = arith.constant 0 : i32
          %dma_start3A_74 = arith.constant 0 : i32
          %dma_start3A_75 = tpu.memref_slice %arg11[%dma_start3A, %dma_start3A_74] : memref<10000x64xf32, #tpu.memory_space<vmem_shared>> -> memref<10000x64xf32, #tpu.memory_space<vmem_shared>>
          tpu.enqueue_indirect_dma source(%arg21 : memref<128x64xf32, #tpu.memory_space<vmem>>) target(%dma_start3A_75 : memref<10000x64xf32, #tpu.memory_space<vmem_shared>>) offsets(%arg19 : memref<128xi32, #tpu.memory_space<vmem>>) semaphore(%run_scoped3A : memref<!tpu.dma_semaphore, #tpu.memory_space<semaphore_mem>>) {add = true}
          %dma_wait3A_76 = arith.constant 0 : i32
          %dma_wait3A_77 = arith.constant 0 : i32
          %dma_wait3A_78 = tpu.memref_slice %arg11[%dma_wait3A_76, %dma_wait3A_77] : memref<10000x64xf32, #tpu.memory_space<vmem_shared>> -> memref<10000x64xf32, #tpu.memory_space<vmem_shared>>
          tpu.wait_indirect_dma semaphore(%run_scoped3A : memref<!tpu.dma_semaphore, #tpu.memory_space<semaphore_mem>>) src(%arg21 : memref<128x64xf32, #tpu.memory_space<vmem>>) dst(%dma_wait3A_78 : memref<10000x64xf32, #tpu.memory_space<vmem_shared>>)
          tpu.yield
        }) : () -> ()
        %rem3A = arith.constant 2 : i32
        %rem3A_64 = arith.remsi %add3A_54, %rem3A : i32
        %eq3A_65 = arith.cmpi eq, %rem3A_64, %arg0 : i32
        %convert_element_type3A_66 = arith.extui %eq3A_65 : i1 to i32
        %cond3A_67 = arith.constant 0 : i32
        %cond3A_68 = arith.cmpi ne, %convert_element_type3A_66, %cond3A_67 : i32
        scf.if %cond3A_68 {
          "tpu.region"() ({
            %run_scoped3A = tpu.sem_alloc : memref<!tpu.dma_semaphore, #tpu.memory_space<semaphore_mem>>
            %dma_start3A = arith.constant 0 : i32
            %dma_start3A_74 = tpu.memref_slice %arg3[%mul3A_61, %dma_start3A] : memref<320000x16xf32, #tpu.memory_space<hbm>> -> memref<128x16xf32, #tpu.memory_space<hbm>>
            %dma_start3A_75 = arith.constant 0 : i32
            %dma_start3A_76 = tpu.memref_slice %arg3[%mul3A_61, %dma_start3A_75] : memref<320000x16xf32, #tpu.memory_space<hbm>> -> memref<128x16xf32, #tpu.memory_space<hbm>>
            tpu.enqueue_dma source(%dma_start3A_76 : memref<128x16xf32, #tpu.memory_space<hbm>>) target(%arg22 : memref<128x16xf32, #tpu.memory_space<vmem>>) target_semaphore(%run_scoped3A : memref<!tpu.dma_semaphore, #tpu.memory_space<semaphore_mem>>)
            %dma_wait3A_77 = arith.constant 0 : i32
            %dma_wait3A_78 = tpu.memref_slice %arg3[%mul3A_61, %dma_wait3A_77] : memref<320000x16xf32, #tpu.memory_space<hbm>> -> memref<128x16xf32, #tpu.memory_space<hbm>>
            %dma_wait3A_79 = arith.constant 0 : i32
            %dma_wait3A_80 = tpu.memref_slice %arg3[%mul3A_61, %dma_wait3A_79] : memref<320000x16xf32, #tpu.memory_space<hbm>> -> memref<128x16xf32, #tpu.memory_space<hbm>>
            tpu.wait_dma2 semaphore(%run_scoped3A : memref<!tpu.dma_semaphore, #tpu.memory_space<semaphore_mem>>) src(%dma_wait3A_80 : memref<128x16xf32, #tpu.memory_space<hbm>>) dst(%arg22 : memref<128x16xf32, #tpu.memory_space<vmem>>)
            tpu.yield
          }) : () -> ()
          "tpu.region"() ({
            %run_scoped3A = tpu.sem_alloc : memref<!tpu.dma_semaphore, #tpu.memory_space<semaphore_mem>>
            %dma_start3A = arith.constant 0 : i32
            %dma_start3A_74 = arith.constant 0 : i32
            %dma_start3A_75 = tpu.memref_slice %arg12[%dma_start3A, %dma_start3A_74] : memref<10000x16xf32, #tpu.memory_space<vmem_shared>> -> memref<10000x16xf32, #tpu.memory_space<vmem_shared>>
            tpu.enqueue_indirect_dma source(%arg22 : memref<128x16xf32, #tpu.memory_space<vmem>>) target(%dma_start3A_75 : memref<10000x16xf32, #tpu.memory_space<vmem_shared>>) offsets(%arg19 : memref<128xi32, #tpu.memory_space<vmem>>) semaphore(%run_scoped3A : memref<!tpu.dma_semaphore, #tpu.memory_space<semaphore_mem>>) {add = true}
            %dma_wait3A_76 = arith.constant 0 : i32
            %dma_wait3A_77 = arith.constant 0 : i32
            %dma_wait3A_78 = tpu.memref_slice %arg12[%dma_wait3A_76, %dma_wait3A_77] : memref<10000x16xf32, #tpu.memory_space<vmem_shared>> -> memref<10000x16xf32, #tpu.memory_space<vmem_shared>>
            tpu.wait_indirect_dma semaphore(%run_scoped3A : memref<!tpu.dma_semaphore, #tpu.memory_space<semaphore_mem>>) src(%arg22 : memref<128x16xf32, #tpu.memory_space<vmem>>) dst(%dma_wait3A_78 : memref<10000x16xf32, #tpu.memory_space<vmem_shared>>)
            tpu.yield
          }) : () -> ()
        } else {
        }
        %rem3A_69 = arith.constant 2 : i32
        %rem3A_70 = arith.remsi %add3A_54, %rem3A_69 : i32
        %ne3A = arith.cmpi ne, %rem3A_70, %arg0 : i32
        %convert_element_type3A_71 = arith.extui %ne3A : i1 to i32
        %cond3A_72 = arith.constant 0 : i32
        %cond3A_73 = arith.cmpi ne, %convert_element_type3A_71, %cond3A_72 : i32
        scf.if %cond3A_73 {
          "tpu.region"() ({
            %run_scoped3A = tpu.sem_alloc : memref<!tpu.dma_semaphore, #tpu.memory_space<semaphore_mem>>
            %dma_start3A = arith.constant 0 : i32
            %dma_start3A_74 = arith.constant 0 : i32
            %dma_start3A_75 = tpu.memref_slice %arg13[%dma_start3A, %dma_start3A_74] : memref<10000x16xf32, #tpu.memory_space<vmem_shared>> -> memref<10000x16xf32, #tpu.memory_space<vmem_shared>>
            tpu.enqueue_indirect_dma source(%arg23 : memref<128x16xf32, #tpu.memory_space<vmem>>) target(%dma_start3A_75 : memref<10000x16xf32, #tpu.memory_space<vmem_shared>>) offsets(%arg19 : memref<128xi32, #tpu.memory_space<vmem>>) semaphore(%run_scoped3A : memref<!tpu.dma_semaphore, #tpu.memory_space<semaphore_mem>>) {add = true}
            %dma_wait3A_76 = arith.constant 0 : i32
            %dma_wait3A_77 = arith.constant 0 : i32
            %dma_wait3A_78 = tpu.memref_slice %arg13[%dma_wait3A_76, %dma_wait3A_77] : memref<10000x16xf32, #tpu.memory_space<vmem_shared>> -> memref<10000x16xf32, #tpu.memory_space<vmem_shared>>
            tpu.wait_indirect_dma semaphore(%run_scoped3A : memref<!tpu.dma_semaphore, #tpu.memory_space<semaphore_mem>>) src(%arg23 : memref<128x16xf32, #tpu.memory_space<vmem>>) dst(%dma_wait3A_78 : memref<10000x16xf32, #tpu.memory_space<vmem_shared>>)
            tpu.yield
          }) : () -> ()
        } else {
        }
      } else {
      }
    }
    %scan3A_12 = arith.constant 79 : i32
    %barrier3A_13 = arith.constant 0 : index
    tpu.barrier barrier_id(%barrier3A_13)
    "tpu.region"() ({
      %run_scoped3A = tpu.sem_alloc : memref<!tpu.dma_semaphore, #tpu.memory_space<semaphore_mem>>
      %dma_start3A = arith.constant 0 : i32
      %dma_start3A_19 = tpu.memref_slice %arg8[%arg0, %mul3A_0, %dma_start3A] : memref<2x10000x64xf32, #tpu.memory_space<hbm>> -> memref<1x624x64xf32, #tpu.memory_space<hbm>>
      %dma_start3A_20 = tpu.memref_squeeze %dma_start3A_19 : memref<1x624x64xf32, #tpu.memory_space<hbm>> -> memref<624x64xf32, #tpu.memory_space<hbm>>
      %dma_start3A_21 = arith.constant 0 : i32
      %dma_start3A_22 = tpu.memref_slice %arg11[%mul3A_0, %dma_start3A_21] : memref<10000x64xf32, #tpu.memory_space<vmem_shared>> -> memref<624x64xf32, #tpu.memory_space<vmem_shared>>
      tpu.enqueue_dma source(%dma_start3A_22 : memref<624x64xf32, #tpu.memory_space<vmem_shared>>) target(%dma_start3A_20 : memref<624x64xf32, #tpu.memory_space<hbm>>) target_semaphore(%run_scoped3A : memref<!tpu.dma_semaphore, #tpu.memory_space<semaphore_mem>>)
      %dma_wait3A = arith.constant 0 : i32
      %dma_wait3A_23 = tpu.memref_slice %arg8[%arg0, %mul3A_0, %dma_wait3A] : memref<2x10000x64xf32, #tpu.memory_space<hbm>> -> memref<1x624x64xf32, #tpu.memory_space<hbm>>
      %dma_wait3A_24 = tpu.memref_squeeze %dma_wait3A_23 : memref<1x624x64xf32, #tpu.memory_space<hbm>> -> memref<624x64xf32, #tpu.memory_space<hbm>>
      %dma_wait3A_25 = arith.constant 0 : i32
      %dma_wait3A_26 = tpu.memref_slice %arg11[%mul3A_0, %dma_wait3A_25] : memref<10000x64xf32, #tpu.memory_space<vmem_shared>> -> memref<624x64xf32, #tpu.memory_space<vmem_shared>>
      tpu.wait_dma2 semaphore(%run_scoped3A : memref<!tpu.dma_semaphore, #tpu.memory_space<semaphore_mem>>) src(%dma_wait3A_26 : memref<624x64xf32, #tpu.memory_space<vmem_shared>>) dst(%dma_wait3A_24 : memref<624x64xf32, #tpu.memory_space<hbm>>)
      tpu.yield
    }) : () -> ()
    "tpu.region"() ({
      %run_scoped3A = tpu.sem_alloc : memref<!tpu.dma_semaphore, #tpu.memory_space<semaphore_mem>>
      %dma_start3A = arith.constant 0 : i32
      %dma_start3A_19 = tpu.memref_slice %arg9[%arg0, %mul3A_0, %dma_start3A] : memref<2x10000x16xf32, #tpu.memory_space<hbm>> -> memref<1x624x16xf32, #tpu.memory_space<hbm>>
      %dma_start3A_20 = tpu.memref_squeeze %dma_start3A_19 : memref<1x624x16xf32, #tpu.memory_space<hbm>> -> memref<624x16xf32, #tpu.memory_space<hbm>>
      %dma_start3A_21 = arith.constant 0 : i32
      %dma_start3A_22 = tpu.memref_slice %arg12[%mul3A_0, %dma_start3A_21] : memref<10000x16xf32, #tpu.memory_space<vmem_shared>> -> memref<624x16xf32, #tpu.memory_space<vmem_shared>>
      tpu.enqueue_dma source(%dma_start3A_22 : memref<624x16xf32, #tpu.memory_space<vmem_shared>>) target(%dma_start3A_20 : memref<624x16xf32, #tpu.memory_space<hbm>>) target_semaphore(%run_scoped3A : memref<!tpu.dma_semaphore, #tpu.memory_space<semaphore_mem>>)
      %dma_wait3A = arith.constant 0 : i32
      %dma_wait3A_23 = tpu.memref_slice %arg9[%arg0, %mul3A_0, %dma_wait3A] : memref<2x10000x16xf32, #tpu.memory_space<hbm>> -> memref<1x624x16xf32, #tpu.memory_space<hbm>>
      %dma_wait3A_24 = tpu.memref_squeeze %dma_wait3A_23 : memref<1x624x16xf32, #tpu.memory_space<hbm>> -> memref<624x16xf32, #tpu.memory_space<hbm>>
      %dma_wait3A_25 = arith.constant 0 : i32
      %dma_wait3A_26 = tpu.memref_slice %arg12[%mul3A_0, %dma_wait3A_25] : memref<10000x16xf32, #tpu.memory_space<vmem_shared>> -> memref<624x16xf32, #tpu.memory_space<vmem_shared>>
      tpu.wait_dma2 semaphore(%run_scoped3A : memref<!tpu.dma_semaphore, #tpu.memory_space<semaphore_mem>>) src(%dma_wait3A_26 : memref<624x16xf32, #tpu.memory_space<vmem_shared>>) dst(%dma_wait3A_24 : memref<624x16xf32, #tpu.memory_space<hbm>>)
      tpu.yield
    }) : () -> ()
    "tpu.region"() ({
      %run_scoped3A = tpu.sem_alloc : memref<!tpu.dma_semaphore, #tpu.memory_space<semaphore_mem>>
      %dma_start3A = arith.constant 0 : i32
      %dma_start3A_19 = tpu.memref_slice %arg10[%arg0, %mul3A_0, %dma_start3A] : memref<2x10000x16xf32, #tpu.memory_space<hbm>> -> memref<1x624x16xf32, #tpu.memory_space<hbm>>
      %dma_start3A_20 = tpu.memref_squeeze %dma_start3A_19 : memref<1x624x16xf32, #tpu.memory_space<hbm>> -> memref<624x16xf32, #tpu.memory_space<hbm>>
      %dma_start3A_21 = arith.constant 0 : i32
      %dma_start3A_22 = tpu.memref_slice %arg13[%mul3A_0, %dma_start3A_21] : memref<10000x16xf32, #tpu.memory_space<vmem_shared>> -> memref<624x16xf32, #tpu.memory_space<vmem_shared>>
      tpu.enqueue_dma source(%dma_start3A_22 : memref<624x16xf32, #tpu.memory_space<vmem_shared>>) target(%dma_start3A_20 : memref<624x16xf32, #tpu.memory_space<hbm>>) target_semaphore(%run_scoped3A : memref<!tpu.dma_semaphore, #tpu.memory_space<semaphore_mem>>)
      %dma_wait3A = arith.constant 0 : i32
      %dma_wait3A_23 = tpu.memref_slice %arg10[%arg0, %mul3A_0, %dma_wait3A] : memref<2x10000x16xf32, #tpu.memory_space<hbm>> -> memref<1x624x16xf32, #tpu.memory_space<hbm>>
      %dma_wait3A_24 = tpu.memref_squeeze %dma_wait3A_23 : memref<1x624x16xf32, #tpu.memory_space<hbm>> -> memref<624x16xf32, #tpu.memory_space<hbm>>
      %dma_wait3A_25 = arith.constant 0 : i32
      %dma_wait3A_26 = tpu.memref_slice %arg13[%mul3A_0, %dma_wait3A_25] : memref<10000x16xf32, #tpu.memory_space<vmem_shared>> -> memref<624x16xf32, #tpu.memory_space<vmem_shared>>
      tpu.wait_dma2 semaphore(%run_scoped3A : memref<!tpu.dma_semaphore, #tpu.memory_space<semaphore_mem>>) src(%dma_wait3A_26 : memref<624x16xf32, #tpu.memory_space<vmem_shared>>) dst(%dma_wait3A_24 : memref<624x16xf32, #tpu.memory_space<hbm>>)
      tpu.yield
    }) : () -> ()
    %eq3A_14 = arith.constant 0 : i32
    %eq3A_15 = arith.cmpi eq, %arg1, %eq3A_14 : i32
    %convert_element_type3A_16 = arith.extui %eq3A_15 : i1 to i32
    %cond3A_17 = arith.constant 0 : i32
    %cond3A_18 = arith.cmpi ne, %convert_element_type3A_16, %cond3A_17 : i32
    scf.if %cond3A_18 {
      "tpu.region"() ({
        %run_scoped3A = tpu.sem_alloc : memref<!tpu.dma_semaphore, #tpu.memory_space<semaphore_mem>>
        %dma_start3A = arith.constant 9984 : i32
        %dma_start3A_19 = arith.constant 0 : i32
        %dma_start3A_20 = tpu.memref_slice %arg8[%arg0, %dma_start3A, %dma_start3A_19] : memref<2x10000x64xf32, #tpu.memory_space<hbm>> -> memref<1x16x64xf32, #tpu.memory_space<hbm>>
        %dma_start3A_21 = tpu.memref_squeeze %dma_start3A_20 : memref<1x16x64xf32, #tpu.memory_space<hbm>> -> memref<16x64xf32, #tpu.memory_space<hbm>>
        %dma_start3A_22 = arith.constant 9984 : i32
        %dma_start3A_23 = arith.constant 0 : i32
        %dma_start3A_24 = tpu.memref_slice %arg11[%dma_start3A_22, %dma_start3A_23] : memref<10000x64xf32, #tpu.memory_space<vmem_shared>> -> memref<16x64xf32, #tpu.memory_space<vmem_shared>>
        tpu.enqueue_dma source(%dma_start3A_24 : memref<16x64xf32, #tpu.memory_space<vmem_shared>>) target(%dma_start3A_21 : memref<16x64xf32, #tpu.memory_space<hbm>>) target_semaphore(%run_scoped3A : memref<!tpu.dma_semaphore, #tpu.memory_space<semaphore_mem>>)
        %dma_wait3A = arith.constant 9984 : i32
        %dma_wait3A_25 = arith.constant 0 : i32
        %dma_wait3A_26 = tpu.memref_slice %arg8[%arg0, %dma_wait3A, %dma_wait3A_25] : memref<2x10000x64xf32, #tpu.memory_space<hbm>> -> memref<1x16x64xf32, #tpu.memory_space<hbm>>
        %dma_wait3A_27 = tpu.memref_squeeze %dma_wait3A_26 : memref<1x16x64xf32, #tpu.memory_space<hbm>> -> memref<16x64xf32, #tpu.memory_space<hbm>>
        %dma_wait3A_28 = arith.constant 9984 : i32
        %dma_wait3A_29 = arith.constant 0 : i32
        %dma_wait3A_30 = tpu.memref_slice %arg11[%dma_wait3A_28, %dma_wait3A_29] : memref<10000x64xf32, #tpu.memory_space<vmem_shared>> -> memref<16x64xf32, #tpu.memory_space<vmem_shared>>
        tpu.wait_dma2 semaphore(%run_scoped3A : memref<!tpu.dma_semaphore, #tpu.memory_space<semaphore_mem>>) src(%dma_wait3A_30 : memref<16x64xf32, #tpu.memory_space<vmem_shared>>) dst(%dma_wait3A_27 : memref<16x64xf32, #tpu.memory_space<hbm>>)
        tpu.yield
      }) : () -> ()
      "tpu.region"() ({
        %run_scoped3A = tpu.sem_alloc : memref<!tpu.dma_semaphore, #tpu.memory_space<semaphore_mem>>
        %dma_start3A = arith.constant 9984 : i32
        %dma_start3A_19 = arith.constant 0 : i32
        %dma_start3A_20 = tpu.memref_slice %arg9[%arg0, %dma_start3A, %dma_start3A_19] : memref<2x10000x16xf32, #tpu.memory_space<hbm>> -> memref<1x16x16xf32, #tpu.memory_space<hbm>>
        %dma_start3A_21 = tpu.memref_squeeze %dma_start3A_20 : memref<1x16x16xf32, #tpu.memory_space<hbm>> -> memref<16x16xf32, #tpu.memory_space<hbm>>
        %dma_start3A_22 = arith.constant 9984 : i32
        %dma_start3A_23 = arith.constant 0 : i32
        %dma_start3A_24 = tpu.memref_slice %arg12[%dma_start3A_22, %dma_start3A_23] : memref<10000x16xf32, #tpu.memory_space<vmem_shared>> -> memref<16x16xf32, #tpu.memory_space<vmem_shared>>
        tpu.enqueue_dma source(%dma_start3A_24 : memref<16x16xf32, #tpu.memory_space<vmem_shared>>) target(%dma_start3A_21 : memref<16x16xf32, #tpu.memory_space<hbm>>) target_semaphore(%run_scoped3A : memref<!tpu.dma_semaphore, #tpu.memory_space<semaphore_mem>>)
        %dma_wait3A = arith.constant 9984 : i32
        %dma_wait3A_25 = arith.constant 0 : i32
        %dma_wait3A_26 = tpu.memref_slice %arg9[%arg0, %dma_wait3A, %dma_wait3A_25] : memref<2x10000x16xf32, #tpu.memory_space<hbm>> -> memref<1x16x16xf32, #tpu.memory_space<hbm>>
        %dma_wait3A_27 = tpu.memref_squeeze %dma_wait3A_26 : memref<1x16x16xf32, #tpu.memory_space<hbm>> -> memref<16x16xf32, #tpu.memory_space<hbm>>
        %dma_wait3A_28 = arith.constant 9984 : i32
        %dma_wait3A_29 = arith.constant 0 : i32
        %dma_wait3A_30 = tpu.memref_slice %arg12[%dma_wait3A_28, %dma_wait3A_29] : memref<10000x16xf32, #tpu.memory_space<vmem_shared>> -> memref<16x16xf32, #tpu.memory_space<vmem_shared>>
        tpu.wait_dma2 semaphore(%run_scoped3A : memref<!tpu.dma_semaphore, #tpu.memory_space<semaphore_mem>>) src(%dma_wait3A_30 : memref<16x16xf32, #tpu.memory_space<vmem_shared>>) dst(%dma_wait3A_27 : memref<16x16xf32, #tpu.memory_space<hbm>>)
        tpu.yield
      }) : () -> ()
      "tpu.region"() ({
        %run_scoped3A = tpu.sem_alloc : memref<!tpu.dma_semaphore, #tpu.memory_space<semaphore_mem>>
        %dma_start3A = arith.constant 9984 : i32
        %dma_start3A_19 = arith.constant 0 : i32
        %dma_start3A_20 = tpu.memref_slice %arg10[%arg0, %dma_start3A, %dma_start3A_19] : memref<2x10000x16xf32, #tpu.memory_space<hbm>> -> memref<1x16x16xf32, #tpu.memory_space<hbm>>
        %dma_start3A_21 = tpu.memref_squeeze %dma_start3A_20 : memref<1x16x16xf32, #tpu.memory_space<hbm>> -> memref<16x16xf32, #tpu.memory_space<hbm>>
        %dma_start3A_22 = arith.constant 9984 : i32
        %dma_start3A_23 = arith.constant 0 : i32
        %dma_start3A_24 = tpu.memref_slice %arg13[%dma_start3A_22, %dma_start3A_23] : memref<10000x16xf32, #tpu.memory_space<vmem_shared>> -> memref<16x16xf32, #tpu.memory_space<vmem_shared>>
        tpu.enqueue_dma source(%dma_start3A_24 : memref<16x16xf32, #tpu.memory_space<vmem_shared>>) target(%dma_start3A_21 : memref<16x16xf32, #tpu.memory_space<hbm>>) target_semaphore(%run_scoped3A : memref<!tpu.dma_semaphore, #tpu.memory_space<semaphore_mem>>)
        %dma_wait3A = arith.constant 9984 : i32
        %dma_wait3A_25 = arith.constant 0 : i32
        %dma_wait3A_26 = tpu.memref_slice %arg10[%arg0, %dma_wait3A, %dma_wait3A_25] : memref<2x10000x16xf32, #tpu.memory_space<hbm>> -> memref<1x16x16xf32, #tpu.memory_space<hbm>>
        %dma_wait3A_27 = tpu.memref_squeeze %dma_wait3A_26 : memref<1x16x16xf32, #tpu.memory_space<hbm>> -> memref<16x16xf32, #tpu.memory_space<hbm>>
        %dma_wait3A_28 = arith.constant 9984 : i32
        %dma_wait3A_29 = arith.constant 0 : i32
        %dma_wait3A_30 = tpu.memref_slice %arg13[%dma_wait3A_28, %dma_wait3A_29] : memref<10000x16xf32, #tpu.memory_space<vmem_shared>> -> memref<16x16xf32, #tpu.memory_space<vmem_shared>>
        tpu.wait_dma2 semaphore(%run_scoped3A : memref<!tpu.dma_semaphore, #tpu.memory_space<semaphore_mem>>) src(%dma_wait3A_30 : memref<16x16xf32, #tpu.memory_space<vmem_shared>>) dst(%dma_wait3A_27 : memref<16x16xf32, #tpu.memory_space<hbm>>)
        tpu.yield
      }) : () -> ()
    } else {
    }
    return
  }
}

module attributes {stable_mosaic.version = 14 : i64} {
  func.func @_tc_pre_body(%arg0: i32, %arg1: memref<1000x128xf32, #tpu.memory_space<vmem>>, %arg2: memref<1000x128xf32, #tpu.memory_space<vmem>>, %arg3: memref<128x16xf32, #tpu.memory_space<vmem>>, %arg4: memref<256x16xf32, #tpu.memory_space<vmem>>, %arg5: memref<32x16xf32, #tpu.memory_space<vmem>>, %arg6: memref<1x16xf32, #tpu.memory_space<vmem>>, %arg7: memref<1000x16xf32, #tpu.memory_space<vmem>>, %arg8: memref<1000x16xf32, #tpu.memory_space<vmem>>) attributes {dimension_semantics = [#tpu.dimension_semantics<arbitrary>], iteration_bounds = array<i64: 10>, scalar_prefetch = 0 : i64, scratch_operands = 0 : i64, tpu.core_type = #tpu.core_type<tc>, window_params = [{transform_indices = @transform_0, window_bounds = array<i64: 1000, 128>}, {transform_indices = @transform_1, window_bounds = array<i64: 1000, 128>}, {pipeline_mode = #tpu.pipeline_mode<synchronous>, transform_indices = @transform_2, window_bounds = array<i64: 128, 16>}, {pipeline_mode = #tpu.pipeline_mode<synchronous>, transform_indices = @transform_3, window_bounds = array<i64: 256, 16>}, {pipeline_mode = #tpu.pipeline_mode<synchronous>, transform_indices = @transform_4, window_bounds = array<i64: 32, 16>}, {pipeline_mode = #tpu.pipeline_mode<synchronous>, transform_indices = @transform_5, window_bounds = array<i64: 1, 16>}, {transform_indices = @transform_6, window_bounds = array<i64: 1000, 16>}, {transform_indices = @transform_7, window_bounds = array<i64: 1000, 16>}]} {
    %get3A = arith.constant 0 : index
    %get3A_0 = arith.constant 0 : index
    %get3A_1 = vector.load %arg2[%get3A, %get3A_0] : memref<1000x128xf32, #tpu.memory_space<vmem>>, vector<1000x128xf32>
    %get3A_2 = arith.constant 0 : index
    %get3A_3 = arith.constant 0 : index
    %get3A_4 = vector.load %arg3[%get3A_2, %get3A_3] : memref<128x16xf32, #tpu.memory_space<vmem>>, vector<128x16xf32>
    %dot_general3A = arith.constant dense<0.000000e+00> : vector<1000x16xf32>
    %dot_general3A_5 = tpu.matmul %get3A_1, %get3A_4, %dot_general3A {dimension_numbers = #tpu.dot_dimension_numbers<[1], [0], [0], [1], [0, 0, 1, 1], [], []>, transpose_lhs_hint = false} : vector<1000x128xf32>, vector<128x16xf32>, vector<1000x16xf32> -> vector<1000x16xf32>
    %get3A_6 = arith.constant 0 : index
    %get3A_7 = arith.constant 0 : index
    %get3A_8 = vector.load %arg1[%get3A_6, %get3A_7] : memref<1000x128xf32, #tpu.memory_space<vmem>>, vector<1000x128xf32>
    %get3A_9 = arith.constant 0 : index
    %get3A_10 = arith.constant 0 : index
    %get3A_11 = vector.load %arg4[%get3A_9, %get3A_10] : memref<256x16xf32, #tpu.memory_space<vmem>>, vector<128x16xf32>
    %dot_general3A_12 = arith.constant dense<0.000000e+00> : vector<1000x16xf32>
    %dot_general3A_13 = tpu.matmul %get3A_8, %get3A_11, %dot_general3A_12 {dimension_numbers = #tpu.dot_dimension_numbers<[1], [0], [0], [1], [0, 0, 1, 1], [], []>, transpose_lhs_hint = false} : vector<1000x128xf32>, vector<128x16xf32>, vector<1000x16xf32> -> vector<1000x16xf32>
    %get3A_14 = arith.constant 128 : index
    %get3A_15 = arith.constant 0 : index
    %get3A_16 = vector.load %arg4[%get3A_14, %get3A_15] : memref<256x16xf32, #tpu.memory_space<vmem>>, vector<128x16xf32>
    %dot_general3A_17 = arith.constant dense<0.000000e+00> : vector<1000x16xf32>
    %dot_general3A_18 = tpu.matmul %get3A_1, %get3A_16, %dot_general3A_17 {dimension_numbers = #tpu.dot_dimension_numbers<[1], [0], [0], [1], [0, 0, 1, 1], [], []>, transpose_lhs_hint = false} : vector<1000x128xf32>, vector<128x16xf32>, vector<1000x16xf32> -> vector<1000x16xf32>
    %add3A = arith.addf %dot_general3A_13, %dot_general3A_18 : vector<1000x16xf32>
    %get3A_19 = arith.constant 16 : index
    %get3A_20 = arith.constant 0 : index
    %get3A_21 = vector.load %arg5[%get3A_19, %get3A_20] : memref<32x16xf32, #tpu.memory_space<vmem>>, vector<16x16xf32>
    %dot_general3A_22 = arith.constant dense<0.000000e+00> : vector<1000x16xf32>
    %dot_general3A_23 = tpu.matmul %dot_general3A_5, %get3A_21, %dot_general3A_22 {dimension_numbers = #tpu.dot_dimension_numbers<[1], [0], [0], [1], [0, 0, 1, 1], [], []>, transpose_lhs_hint = false} : vector<1000x16xf32>, vector<16x16xf32>, vector<1000x16xf32> -> vector<1000x16xf32>
    %swap3A = arith.constant 0 : index
    %swap3A_24 = arith.constant 0 : index
    %swap3A_25 = vector.load %arg7[%swap3A, %swap3A_24] : memref<1000x16xf32, #tpu.memory_space<vmem>>, vector<1000x16xf32>
    tpu.vector_store %arg7[%swap3A, %swap3A_24], %dot_general3A_23 {strides = array<i32>} : memref<1000x16xf32, #tpu.memory_space<vmem>>, vector<1000x16xf32>,
    %dot_general3A_26 = arith.constant dense<0.000000e+00> : vector<1000x16xf32>
    %dot_general3A_27 = tpu.matmul %add3A, %get3A_21, %dot_general3A_26 {dimension_numbers = #tpu.dot_dimension_numbers<[1], [0], [0], [1], [0, 0, 1, 1], [], []>, transpose_lhs_hint = false} : vector<1000x16xf32>, vector<16x16xf32>, vector<1000x16xf32> -> vector<1000x16xf32>
    %get3A_28 = arith.constant 0 : index
    %get3A_29 = arith.constant 0 : index
    %get3A_30 = vector.load %arg6[%get3A_28, %get3A_29] : memref<1x16xf32, #tpu.memory_space<vmem>>, vector<1x16xf32>
    %add3A_31 = vector.broadcast %get3A_30 : vector<1x16xf32> to vector<1000x16xf32>
    %add3A_32 = arith.addf %dot_general3A_27, %add3A_31 : vector<1000x16xf32>
    %swap3A_33 = arith.constant 0 : index
    %swap3A_34 = arith.constant 0 : index
    %swap3A_35 = vector.load %arg8[%swap3A_33, %swap3A_34] : memref<1000x16xf32, #tpu.memory_space<vmem>>, vector<1000x16xf32>
    tpu.vector_store %arg8[%swap3A_33, %swap3A_34], %add3A_32 {strides = array<i32>} : memref<1000x16xf32, #tpu.memory_space<vmem>>, vector<1000x16xf32>,
    return
  }
  func.func @transform_0(%arg0: i32) -> (i32, i32) {
    %c0_i32 = arith.constant 0 : i32
    %c0_i32_0 = arith.constant 0 : i32
    return %arg0, %c0_i32 : i32, i32
  }
  func.func @transform_1(%arg0: i32) -> (i32, i32) {
    %c0_i32 = arith.constant 0 : i32
    %c0_i32_0 = arith.constant 0 : i32
    return %arg0, %c0_i32 : i32, i32
  }
  func.func @transform_2(%arg0: i32) -> (i32, i32) {
    %c0_i32 = arith.constant 0 : i32
    %c0_i32_0 = arith.constant 0 : i32
    %c0_i32_1 = arith.constant 0 : i32
    return %c0_i32, %c0_i32_0 : i32, i32
  }
  func.func @transform_3(%arg0: i32) -> (i32, i32) {
    %c0_i32 = arith.constant 0 : i32
    %c0_i32_0 = arith.constant 0 : i32
    %c0_i32_1 = arith.constant 0 : i32
    return %c0_i32, %c0_i32_0 : i32, i32
  }
  func.func @transform_4(%arg0: i32) -> (i32, i32) {
    %c0_i32 = arith.constant 0 : i32
    %c0_i32_0 = arith.constant 0 : i32
    %c0_i32_1 = arith.constant 0 : i32
    return %c0_i32, %c0_i32_0 : i32, i32
  }
  func.func @transform_5(%arg0: i32) -> (i32, i32) {
    %c0_i32 = arith.constant 0 : i32
    %c0_i32_0 = arith.constant 0 : i32
    %c0_i32_1 = arith.constant 0 : i32
    return %c0_i32, %c0_i32_0 : i32, i32
  }
  func.func @transform_6(%arg0: i32) -> (i32, i32) {
    %c0_i32 = arith.constant 0 : i32
    %c0_i32_0 = arith.constant 0 : i32
    return %arg0, %c0_i32 : i32, i32
  }
  func.func @transform_7(%arg0: i32) -> (i32, i32) {
    %c0_i32 = arith.constant 0 : i32
    %c0_i32_0 = arith.constant 0 : i32
    return %arg0, %c0_i32 : i32, i32
  }
}

module attributes {stable_mosaic.version = 14 : i64} {
  func.func @_tc_edge_body(%arg0: i32, %arg1: memref<4000x128xf32, #tpu.memory_space<vmem>>, %arg2: memref<4000x128xf32, #tpu.memory_space<vmem>>, %arg3: memref<128x128xf32, #tpu.memory_space<vmem>>, %arg4: memref<4000x128xf32, #tpu.memory_space<vmem>>) attributes {dimension_semantics = [#tpu.dimension_semantics<arbitrary>], iteration_bounds = array<i64: 10>, scalar_prefetch = 0 : i64, scratch_operands = 0 : i64, tpu.core_type = #tpu.core_type<tc>, window_params = [{transform_indices = @transform_0, window_bounds = array<i64: 4000, 128>}, {transform_indices = @transform_1, window_bounds = array<i64: 4000, 128>}, {pipeline_mode = #tpu.pipeline_mode<synchronous>, transform_indices = @transform_2, window_bounds = array<i64: 128, 128>}, {transform_indices = @transform_3, window_bounds = array<i64: 4000, 128>}]} {
    %get3A = arith.constant 0 : index
    %get3A_0 = arith.constant 0 : index
    %get3A_1 = vector.load %arg1[%get3A, %get3A_0] : memref<4000x128xf32, #tpu.memory_space<vmem>>, vector<4000x128xf32>
    %get3A_2 = arith.constant 0 : index
    %get3A_3 = arith.constant 0 : index
    %get3A_4 = vector.load %arg3[%get3A_2, %get3A_3] : memref<128x128xf32, #tpu.memory_space<vmem>>, vector<128x128xf32>
    %dot_general3A = arith.constant dense<0.000000e+00> : vector<4000x128xf32>
    %dot_general3A_5 = tpu.matmul %get3A_1, %get3A_4, %dot_general3A {dimension_numbers = #tpu.dot_dimension_numbers<[1], [0], [0], [1], [0, 0, 1, 1], [], []>, transpose_lhs_hint = false} : vector<4000x128xf32>, vector<128x128xf32>, vector<4000x128xf32> -> vector<4000x128xf32>
    %get3A_6 = arith.constant 0 : index
    %get3A_7 = arith.constant 0 : index
    %get3A_8 = vector.load %arg2[%get3A_6, %get3A_7] : memref<4000x128xf32, #tpu.memory_space<vmem>>, vector<4000x128xf32>
    %add3A = arith.addf %dot_general3A_5, %get3A_8 : vector<4000x128xf32>
    %swap3A = arith.constant 0 : index
    %swap3A_9 = arith.constant 0 : index
    %swap3A_10 = vector.load %arg4[%swap3A, %swap3A_9] : memref<4000x128xf32, #tpu.memory_space<vmem>>, vector<4000x128xf32>
    tpu.vector_store %arg4[%swap3A, %swap3A_9], %add3A {strides = array<i32>} : memref<4000x128xf32, #tpu.memory_space<vmem>>, vector<4000x128xf32>,
    return
  }
  func.func @transform_0(%arg0: i32) -> (i32, i32) {
    %c0_i32 = arith.constant 0 : i32
    %c0_i32_0 = arith.constant 0 : i32
    return %arg0, %c0_i32 : i32, i32
  }
  func.func @transform_1(%arg0: i32) -> (i32, i32) {
    %c0_i32 = arith.constant 0 : i32
    %c0_i32_0 = arith.constant 0 : i32
    return %arg0, %c0_i32 : i32, i32
  }
  func.func @transform_2(%arg0: i32) -> (i32, i32) {
    %c0_i32 = arith.constant 0 : i32
    %c0_i32_0 = arith.constant 0 : i32
    %c0_i32_1 = arith.constant 0 : i32
    return %c0_i32, %c0_i32_0 : i32, i32
  }
  func.func @transform_3(%arg0: i32) -> (i32, i32) {
    %c0_i32 = arith.constant 0 : i32
    %c0_i32_0 = arith.constant 0 : i32
    return %arg0, %c0_i32 : i32, i32
  }
}

module attributes {stable_mosaic.version = 14 : i64} {
  func.func @_tc_post_body(%arg0: i32, %arg1: memref<1000x128xf32, #tpu.memory_space<vmem>>, %arg2: memref<1000x128xf32, #tpu.memory_space<vmem>>, %arg3: memref<2x1000x64xf32, #tpu.memory_space<vmem>>, %arg4: memref<2x1000x16xf32, #tpu.memory_space<vmem>>, %arg5: memref<2x1000x16xf32, #tpu.memory_space<vmem>>, %arg6: memref<128x128xf32, #tpu.memory_space<vmem>>, %arg7: memref<16x128xf32, #tpu.memory_space<vmem>>, %arg8: memref<384x128xf32, #tpu.memory_space<vmem>>, %arg9: memref<1x128xf32, #tpu.memory_space<vmem>>, %arg10: memref<1000x128xf32, #tpu.memory_space<vmem>>) attributes {dimension_semantics = [#tpu.dimension_semantics<arbitrary>], iteration_bounds = array<i64: 10>, scalar_prefetch = 0 : i64, scratch_operands = 0 : i64, tpu.core_type = #tpu.core_type<tc>, window_params = [{transform_indices = @transform_0, window_bounds = array<i64: 1000, 128>}, {transform_indices = @transform_1, window_bounds = array<i64: 1000, 128>}, {transform_indices = @transform_2, window_bounds = array<i64: 2, 1000, 64>}, {transform_indices = @transform_3, window_bounds = array<i64: 2, 1000, 16>}, {transform_indices = @transform_4, window_bounds = array<i64: 2, 1000, 16>}, {pipeline_mode = #tpu.pipeline_mode<synchronous>, transform_indices = @transform_5, window_bounds = array<i64: 128, 128>}, {pipeline_mode = #tpu.pipeline_mode<synchronous>, transform_indices = @transform_6, window_bounds = array<i64: 16, 128>}, {pipeline_mode = #tpu.pipeline_mode<synchronous>, transform_indices = @transform_7, window_bounds = array<i64: 384, 128>}, {pipeline_mode = #tpu.pipeline_mode<synchronous>, transform_indices = @transform_8, window_bounds = array<i64: 1, 128>}, {transform_indices = @transform_9, window_bounds = array<i64: 1000, 128>}]} {
    %get3A = arith.constant 0 : index
    %get3A_0 = arith.constant 0 : index
    %get3A_1 = arith.constant 0 : index
    %get3A_2 = vector.load %arg3[%get3A, %get3A_0, %get3A_1] : memref<2x1000x64xf32, #tpu.memory_space<vmem>>, vector<1x1000x64xf32>
    %get3A_3 = vector.shape_cast %get3A_2 : vector<1x1000x64xf32> to vector<1000x64xf32>
    %get3A_4 = arith.constant 0 : index
    %get3A_5 = arith.constant 0 : index
    %get3A_6 = vector.load %arg6[%get3A_4, %get3A_5] : memref<128x128xf32, #tpu.memory_space<vmem>>, vector<64x128xf32>
    %dot_general3A = arith.constant dense<0.000000e+00> : vector<1000x128xf32>
    %dot_general3A_7 = tpu.matmul %get3A_3, %get3A_6, %dot_general3A {dimension_numbers = #tpu.dot_dimension_numbers<[1], [0], [0], [1], [0, 0, 1, 1], [], []>, transpose_lhs_hint = false} : vector<1000x64xf32>, vector<64x128xf32>, vector<1000x128xf32> -> vector<1000x128xf32>
    %get3A_8 = arith.constant 1 : index
    %get3A_9 = arith.constant 0 : index
    %get3A_10 = arith.constant 0 : index
    %get3A_11 = vector.load %arg3[%get3A_8, %get3A_9, %get3A_10] : memref<2x1000x64xf32, #tpu.memory_space<vmem>>, vector<1x1000x64xf32>
    %get3A_12 = vector.shape_cast %get3A_11 : vector<1x1000x64xf32> to vector<1000x64xf32>
    %get3A_13 = arith.constant 64 : index
    %get3A_14 = arith.constant 0 : index
    %get3A_15 = vector.load %arg6[%get3A_13, %get3A_14] : memref<128x128xf32, #tpu.memory_space<vmem>>, vector<64x128xf32>
    %dot_general3A_16 = arith.constant dense<0.000000e+00> : vector<1000x128xf32>
    %dot_general3A_17 = tpu.matmul %get3A_12, %get3A_15, %dot_general3A_16 {dimension_numbers = #tpu.dot_dimension_numbers<[1], [0], [0], [1], [0, 0, 1, 1], [], []>, transpose_lhs_hint = false} : vector<1000x64xf32>, vector<64x128xf32>, vector<1000x128xf32> -> vector<1000x128xf32>
    %add3A = arith.addf %dot_general3A_7, %dot_general3A_17 : vector<1000x128xf32>
    %get3A_18 = arith.constant 0 : index
    %get3A_19 = arith.constant 0 : index
    %get3A_20 = arith.constant 0 : index
    %get3A_21 = vector.load %arg4[%get3A_18, %get3A_19, %get3A_20] : memref<2x1000x16xf32, #tpu.memory_space<vmem>>, vector<1x1000x16xf32>
    %get3A_22 = vector.shape_cast %get3A_21 : vector<1x1000x16xf32> to vector<1000x16xf32>
    %get3A_23 = arith.constant 1 : index
    %get3A_24 = arith.constant 0 : index
    %get3A_25 = arith.constant 0 : index
    %get3A_26 = vector.load %arg4[%get3A_23, %get3A_24, %get3A_25] : memref<2x1000x16xf32, #tpu.memory_space<vmem>>, vector<1x1000x16xf32>
    %get3A_27 = vector.shape_cast %get3A_26 : vector<1x1000x16xf32> to vector<1000x16xf32>
    %add3A_28 = arith.addf %get3A_22, %get3A_27 : vector<1000x16xf32>
    %get3A_29 = arith.constant 0 : index
    %get3A_30 = arith.constant 0 : index
    %get3A_31 = vector.load %arg7[%get3A_29, %get3A_30] : memref<16x128xf32, #tpu.memory_space<vmem>>, vector<16x128xf32>
    %dot_general3A_32 = arith.constant dense<0.000000e+00> : vector<1000x128xf32>
    %dot_general3A_33 = tpu.matmul %add3A_28, %get3A_31, %dot_general3A_32 {dimension_numbers = #tpu.dot_dimension_numbers<[1], [0], [0], [1], [0, 0, 1, 1], [], []>, transpose_lhs_hint = false} : vector<1000x16xf32>, vector<16x128xf32>, vector<1000x128xf32> -> vector<1000x128xf32>
    %add3A_34 = arith.addf %add3A, %dot_general3A_33 : vector<1000x128xf32>
    %get3A_35 = arith.constant 0 : index
    %get3A_36 = arith.constant 0 : index
    %get3A_37 = arith.constant 0 : index
    %get3A_38 = vector.load %arg5[%get3A_35, %get3A_36, %get3A_37] : memref<2x1000x16xf32, #tpu.memory_space<vmem>>, vector<1x1000x1xf32>
    %get3A_39 = vector.shape_cast %get3A_38 : vector<1x1000x1xf32> to vector<1000x1xf32>
    %get3A_40 = arith.constant 1 : index
    %get3A_41 = arith.constant 0 : index
    %get3A_42 = arith.constant 0 : index
    %get3A_43 = vector.load %arg5[%get3A_40, %get3A_41, %get3A_42] : memref<2x1000x16xf32, #tpu.memory_space<vmem>>, vector<1x1000x1xf32>
    %get3A_44 = vector.shape_cast %get3A_43 : vector<1x1000x1xf32> to vector<1000x1xf32>
    %add3A_45 = arith.addf %get3A_39, %get3A_44 : vector<1000x1xf32>
    %max3A = arith.constant 1.000000e+00 : f32
    %max3A_46 = vector.broadcast %max3A : f32 to vector<1000x1xf32>
    %max3A_47 = arith.maximumf %add3A_45, %max3A_46 : vector<1000x1xf32>
    %div3A = vector.broadcast %max3A_47 : vector<1000x1xf32> to vector<1000x128xf32>
    %div3A_48 = arith.divf %add3A_34, %div3A : vector<1000x128xf32>
    %get3A_49 = arith.constant 0 : index
    %get3A_50 = arith.constant 0 : index
    %get3A_51 = vector.load %arg1[%get3A_49, %get3A_50] : memref<1000x128xf32, #tpu.memory_space<vmem>>, vector<1000x128xf32>
    %get3A_52 = arith.constant 0 : index
    %get3A_53 = arith.constant 0 : index
    %get3A_54 = vector.load %arg8[%get3A_52, %get3A_53] : memref<384x128xf32, #tpu.memory_space<vmem>>, vector<128x128xf32>
    %dot_general3A_55 = arith.constant dense<0.000000e+00> : vector<1000x128xf32>
    %dot_general3A_56 = tpu.matmul %get3A_51, %get3A_54, %dot_general3A_55 {dimension_numbers = #tpu.dot_dimension_numbers<[1], [0], [0], [1], [0, 0, 1, 1], [], []>, transpose_lhs_hint = false} : vector<1000x128xf32>, vector<128x128xf32>, vector<1000x128xf32> -> vector<1000x128xf32>
    %get3A_57 = arith.constant 0 : index
    %get3A_58 = arith.constant 0 : index
    %get3A_59 = vector.load %arg2[%get3A_57, %get3A_58] : memref<1000x128xf32, #tpu.memory_space<vmem>>, vector<1000x128xf32>
    %get3A_60 = arith.constant 128 : index
    %get3A_61 = arith.constant 0 : index
    %get3A_62 = vector.load %arg8[%get3A_60, %get3A_61] : memref<384x128xf32, #tpu.memory_space<vmem>>, vector<128x128xf32>
    %dot_general3A_63 = arith.constant dense<0.000000e+00> : vector<1000x128xf32>
    %dot_general3A_64 = tpu.matmul %get3A_59, %get3A_62, %dot_general3A_63 {dimension_numbers = #tpu.dot_dimension_numbers<[1], [0], [0], [1], [0, 0, 1, 1], [], []>, transpose_lhs_hint = false} : vector<1000x128xf32>, vector<128x128xf32>, vector<1000x128xf32> -> vector<1000x128xf32>
    %add3A_65 = arith.addf %dot_general3A_56, %dot_general3A_64 : vector<1000x128xf32>
    %get3A_66 = arith.constant 256 : index
    %get3A_67 = arith.constant 0 : index
    %get3A_68 = vector.load %arg8[%get3A_66, %get3A_67] : memref<384x128xf32, #tpu.memory_space<vmem>>, vector<128x128xf32>
    %dot_general3A_69 = arith.constant dense<0.000000e+00> : vector<1000x128xf32>
    %dot_general3A_70 = tpu.matmul %div3A_48, %get3A_68, %dot_general3A_69 {dimension_numbers = #tpu.dot_dimension_numbers<[1], [0], [0], [1], [0, 0, 1, 1], [], []>, transpose_lhs_hint = false} : vector<1000x128xf32>, vector<128x128xf32>, vector<1000x128xf32> -> vector<1000x128xf32>
    %add3A_71 = arith.addf %add3A_65, %dot_general3A_70 : vector<1000x128xf32>
    %get3A_72 = arith.constant 0 : index
    %get3A_73 = arith.constant 0 : index
    %get3A_74 = vector.load %arg9[%get3A_72, %get3A_73] : memref<1x128xf32, #tpu.memory_space<vmem>>, vector<1x128xf32>
    %add3A_75 = vector.broadcast %get3A_74 : vector<1x128xf32> to vector<1000x128xf32>
    %add3A_76 = arith.addf %add3A_71, %add3A_75 : vector<1000x128xf32>
    %swap3A = arith.constant 0 : index
    %swap3A_77 = arith.constant 0 : index
    %swap3A_78 = vector.load %arg10[%swap3A, %swap3A_77] : memref<1000x128xf32, #tpu.memory_space<vmem>>, vector<1000x128xf32>
    tpu.vector_store %arg10[%swap3A, %swap3A_77], %add3A_76 {strides = array<i32>} : memref<1000x128xf32, #tpu.memory_space<vmem>>, vector<1000x128xf32>,
    return
  }
  func.func @transform_0(%arg0: i32) -> (i32, i32) {
    %c0_i32 = arith.constant 0 : i32
    %c0_i32_0 = arith.constant 0 : i32
    return %arg0, %c0_i32 : i32, i32
  }
  func.func @transform_1(%arg0: i32) -> (i32, i32) {
    %c0_i32 = arith.constant 0 : i32
    %c0_i32_0 = arith.constant 0 : i32
    return %arg0, %c0_i32 : i32, i32
  }
  func.func @transform_2(%arg0: i32) -> (i32, i32, i32) {
    %c0_i32 = arith.constant 0 : i32
    %c0_i32_0 = arith.constant 0 : i32
    %c0_i32_1 = arith.constant 0 : i32
    return %c0_i32, %arg0, %c0_i32_0 : i32, i32, i32
  }
  func.func @transform_3(%arg0: i32) -> (i32, i32, i32) {
    %c0_i32 = arith.constant 0 : i32
    %c0_i32_0 = arith.constant 0 : i32
    %c0_i32_1 = arith.constant 0 : i32
    return %c0_i32, %arg0, %c0_i32_0 : i32, i32, i32
  }
  func.func @transform_4(%arg0: i32) -> (i32, i32, i32) {
    %c0_i32 = arith.constant 0 : i32
    %c0_i32_0 = arith.constant 0 : i32
    %c0_i32_1 = arith.constant 0 : i32
    return %c0_i32, %arg0, %c0_i32_0 : i32, i32, i32
  }
  func.func @transform_5(%arg0: i32) -> (i32, i32) {
    %c0_i32 = arith.constant 0 : i32
    %c0_i32_0 = arith.constant 0 : i32
    %c0_i32_1 = arith.constant 0 : i32
    return %c0_i32, %c0_i32_0 : i32, i32
  }
  func.func @transform_6(%arg0: i32) -> (i32, i32) {
    %c0_i32 = arith.constant 0 : i32
    %c0_i32_0 = arith.constant 0 : i32
    %c0_i32_1 = arith.constant 0 : i32
    return %c0_i32, %c0_i32_0 : i32, i32
  }
  func.func @transform_7(%arg0: i32) -> (i32, i32) {
    %c0_i32 = arith.constant 0 : i32
    %c0_i32_0 = arith.constant 0 : i32
    %c0_i32_1 = arith.constant 0 : i32
    return %c0_i32, %c0_i32_0 : i32, i32
  }
  func.func @transform_8(%arg0: i32) -> (i32, i32) {
    %c0_i32 = arith.constant 0 : i32
    %c0_i32_0 = arith.constant 0 : i32
    %c0_i32_1 = arith.constant 0 : i32
    return %c0_i32, %c0_i32_0 : i32, i32
  }
  func.func @transform_9(%arg0: i32) -> (i32, i32) {
    %c0_i32 = arith.constant 0 : i32
    %c0_i32_0 = arith.constant 0 : i32
    return %arg0, %c0_i32 : i32, i32
  }
}

</mosaic_0001>

<sc_bundles>
// kernel: _run.10.cloned.1.call-start
scs
__scs_entry_jumppad:
0x0: {  	(pc) =	sbr.rel $0x88, $3  }
0x1: {  	(tag) =	ssettag $0x0;
	lr =	simm.s32 $0x1  }
0x2: {  	[smem:$0x3F95] =	sst lr;
	_ =	strace $0xD0000000  }
0x3: {  	_ = 	snop  }
0x4: {  	_ = 	snop  }
0x5: {  	_ = 	snop  }
0x6: {  	_ = 	snop  }
0x7: {  	_ = 	snop  }
__scs_overlays_trampoline_lowered:
0x8: {  	[smem:$0x3FA4] =	sst s0  }
0x9: {  	[smem:$0x3FA5] =	sst s1  }
0xa: {  	[smem:$0x3FA6] =	sst s2  }
0xb: {  	[smem:$0x3FA7] =	sst s3  }
0xc: {  	[smem:$0x3FA8] =	sst s4  }
0xd: {  	[smem:$0x3FA9] =	sst s5  }
0xe: {  	[smem:$0x3FAA] =	sst s6  }
0xf: {  	[smem:$0x3FAB] =	sst s7  }
0x10: {  	[smem:$0x3FAC] =	sst s8  }
0x11: {  	[smem:$0x3FAD] =	sst s9;
	s0 =	simm.s32 @!p0 $0x0  }
0x12: {  	s1 =	sld [smem:$0x3F93];
	s0 =	simm.s32 @p0 $0x1  }
0x13: {  	[smem:$0x3FAE] =	sst s0;
	s0 =	simm.s32 @!p1 $0x0  }
0x14: {  	s2 =	sld [smem:$0x3F92];
	s0 =	simm.s32 @p1 $0x1  }
0x15: {  	[smem:$0x3FAF] =	sst s0;
	s0 =	simm.s32 @!p2 $0x0  }
0x16: {  	s3 =	sld [smem:$0x3FDB];
	s0 =	simm.s32 @p2 $0x1  }
0x17: {  	s4 =	simm.s32 $0x1BF5;
	[smem:$0x3FB1] =	sst s0  }
0x18: {  	s0 =	sld [smem:$0x3F94];
	_ =	swait.ge [sflag:s4], $0x0  }
0x19: {  	s7 =	sld [smem:$0x3F95]  }
0x1a: {  	s8 =	sadd.s32 $0xFFFFE003, lr  }
0x1b: {  	s9 =	sadd.s32 $0xFFFFFEF7, lr;
	s5 =	simm.s32 $0xFFFFFFFF;
	p2 =	slt.u32 s8, $0xFFFFF086  }
0x1c: {  	p1 =	slt.u32 s9, $0xF7A;
	s5 =	simm.s32 @!p2 $0x0  }
0x1d: {  	s5 =	simm.s32 @p1 $0x1;
	p0 =	seq.s32 s7, s2  }
0x1e: {  	s7 =	smul.u32 @!p0 $0xF7A, s2;
	p2 =	seq.s32 @!p0 s5, $0x0  }
0x1f: {  	s9 =	smul.u32 $0xF7A, s1;
	s8 =	simm.s32 @!p0 $0x1BF5;
	p2 =	por !p2, p0  }
0x20: {  	[sflag:s8] =	ssyncset.s32 @!p0 $0xFFFFF086;
	s6 =	sadd.s32 @!p0 s3, s7;
	s7 =	simm.s32 @!p0 $0x108  }
0x21: {  	s3 =	sadd.s32 s3, s9;
	s6 =	sadd.s32 @!p0 $0x88, s6;
	s7 =	simm.s32 @p2 $0x1082  }
0x22: {  	[simem:s7], [sflag:s8] =	dma.local @!p0 [hbm:s6], $0xF7A  }
0x23: {  	s9 =	sor.u32 $0xD0000000, s2;
	s6 =	simm.s32 $0x108;
	_ =	swait.ge @!p0 [sflag:s8], $0x0  }
0x24: {  	s3 =	sadd.s32 $0x88, s3;
	s6 =	simm.s32 @!p1 $0x1082;
	[sflag:s4] =	ssyncset.s32 $0xFFFFF086  }
0x25: {  	[simem:s6], [sflag:s4] =	dma.local [hbm:s3], $0xF7A  }
0x26: {  	[smem:$0x3F95] =	sst s1;
	(tag) =	ssettag s2;
	_ =	strace s9  }
0x27: {  	s1 =	sld [smem:$0x3FA5]  }
0x28: {  	s2 =	sld [smem:$0x3FA6]  }
0x29: {  	s4 =	sld [smem:$0x3FA8]  }
0x2a: {  	p0 =	seq.s32 s5, $0x0;
	s5 =	sld [smem:$0x3FA9]  }
0x2b: {  	s6 =	sld [smem:$0x3FAA]  }
0x2c: {  	s7 =	sld [smem:$0x3FAB]  }
0x2d: {  	s3 =	simm.s32 $0x108;
	s8 =	sld [smem:$0x3FAC]  }
0x2e: {  	s3 =	simm.s32 @!p0 $0x1082;
	s9 =	sld [smem:$0x3FAD]  }
0x2f: {  	lr =	sadd.s32 s0, s3;
	s0 =	sld [smem:$0x3FA4]  }
0x30: {  	s3 =	sld [smem:$0x3FA7]  }
0x31: {  	[smem:$0x3FB0] =	sst s10  }
0x32: {  	s10 =	sld [smem:$0x3FAE];
	_ =	sdelay $0x3  }
0x33: {  	p0 =	seq.s32 s10, $0x1;
	s10 =	sld [smem:$0x3FB0];
	_ =	sdelay $0x3  }
0x34: {  	[smem:$0x3FB0] =	sst s10  }
0x35: {  	s10 =	sld [smem:$0x3FAF];
	_ =	sdelay $0x3  }
0x36: {  	p1 =	seq.s32 s10, $0x1;
	s10 =	sld [smem:$0x3FB0];
	_ =	sdelay $0x3  }
0x37: {  	[smem:$0x3FB0] =	sst s10  }
0x38: {  	s10 =	sld [smem:$0x3FB1]  }
0x39: {  	_ = 	snop;
	(pc) =	sbr.ind lr, $3  }
0x3a: {  	_ = 	snop  }
0x3b: {  	_ = 	snop  }
0x3c: {  	p2 =	seq.s32 s10, $0x1;
	s10 =	sld [smem:$0x3FB0]  }
0x3d: {  	_ =	shalt  }
0x3e: {  	_ =	shalt  }
0x3f: {  	_ =	shalt  }
0x40: {  	_ =	shalt  }
0x41: {  	_ =	shalt  }
0x42: {  	_ =	shalt  }
0x43: {  	_ =	shalt  }
0x44: {  	_ =	shalt  }
0x45: {  	_ =	shalt  }
0x46: {  	_ =	shalt  }
0x47: {  	_ =	shalt  }
0x48: {  	_ =	shalt  }
0x49: {  	_ =	shalt  }
0x4a: {  	_ =	shalt  }
0x4b: {  	_ =	shalt  }
0x4c: {  	_ =	shalt  }
0x4d: {  	_ =	shalt  }
0x4e: {  	_ =	shalt  }
0x4f: {  	_ =	shalt  }
0x50: {  	_ =	shalt  }
0x51: {  	_ =	shalt  }
0x52: {  	_ =	shalt  }
0x53: {  	_ =	shalt  }
0x54: {  	_ =	shalt  }
0x55: {  	_ =	shalt  }
0x56: {  	_ =	shalt  }
0x57: {  	_ =	shalt  }
0x58: {  	_ =	shalt  }
0x59: {  	_ =	shalt  }
0x5a: {  	_ =	shalt  }
0x5b: {  	_ =	shalt  }
0x5c: {  	_ =	shalt  }
0x5d: {  	_ =	shalt  }
0x5e: {  	_ =	shalt  }
0x5f: {  	_ =	shalt  }
0x60: {  	_ =	shalt  }
0x61: {  	_ =	shalt  }
0x62: {  	_ =	shalt  }
0x63: {  	_ =	shalt  }
0x64: {  	_ =	shalt  }
0x65: {  	_ =	shalt  }
0x66: {  	_ =	shalt  }
0x67: {  	_ =	shalt  }
0x68: {  	_ =	shalt  }
0x69: {  	_ =	shalt  }
0x6a: {  	_ =	shalt  }
0x6b: {  	_ =	shalt  }
0x6c: {  	_ =	shalt  }
0x6d: {  	_ =	shalt  }
0x6e: {  	_ =	shalt  }
0x6f: {  	_ =	shalt  }
0x70: {  	_ =	shalt  }
0x71: {  	_ =	shalt  }
0x72: {  	_ =	shalt  }
0x73: {  	_ =	shalt  }
0x74: {  	_ =	shalt  }
0x75: {  	_ =	shalt  }
0x76: {  	_ =	shalt  }
0x77: {  	_ =	shalt  }
0x78: {  	_ =	shalt  }
0x79: {  	_ =	shalt  }
0x7a: {  	_ =	shalt  }
0x7b: {  	_ =	shalt  }
0x7c: {  	_ =	shalt  }
0x7d: {  	_ =	shalt  }
0x7e: {  	_ =	shalt  }
0x7f: {  	_ =	shalt  }
0x80: {  	_ =	shalt  }
0x81: {  	_ =	shalt  }
0x82: {  	_ =	shalt  }
0x83: {  	_ =	shalt  }
0x84: {  	_ =	shalt  }
0x85: {  	_ =	shalt  }
0x86: {  	_ =	shalt  }
0x87: {  	_ =	shalt  }
.Lfunc_end0:
.L_simem_size_0:
called_computation.1_lowered:
.L_overlay_start_0:
0x88: {  	s2 =	sld [smem:$0x3FD9]  }
0x89: {  	s3 =	sld [smem:$0x3FFE];
	_ =	sdelay $0x1  }
0x8a: {  	s1 =	srdreg.scid  }
0x8b: {  	s0 =	sand.u32 $0x1, s1  }
0x8c: {  	s17 =	sshll.u32 s0, $0xA;
	s2 =	sadd.s32 s3, s2  }
0x8d: {  	s2 =	sadd.s32 s2, s17  }
0x8e: {  	[smem:$0x3FBC] =	sst s2  }
0x8f: {  	_ = 	snop  }
0x90: {  	(tm) =	ssettm $0x1  }
0x91: {  	s18 =	sld [smem:$0x3FFB];
	_ =	sdelay $0x3  }
0x92: {  	_ =	strace s18  }
0x93: {  	s2 =	sld [smem:$0x3FFC];
	_ =	sdelay $0x3  }
0x94: {  	_ =	strace s2  }
0x95: {  	s2 =	sld [smem:$0x3FFD];
	_ =	sdelay $0x3  }
0x96: {  	_ =	strace s2  }
0x97: {  	_ =	strace $0x8FFFFFFF  }
0x98: {  	s19 =	sld [smem:$0x3FDB];
	_ =	sdelay $0x1  }
0x99: {  	s20 =	simm.s32 $_scs_section_size  }
0x9a: {  	s4 =	simm.s32 $_size__tile_overlayer_lowered;
	s5 =	simm.s32 $_tile_overlayer_lowered  }
0x9b: {  	s6 =	simm.s32 $0x1BFF;
	s21 =	sshll.u32 s5, $0x1;
	s3 =	sadd.s32 s20, s19  }
0x9c: {  	s22 =	simm.s32 $0x0;
	s4 =	sshll.u32 s4, $0x1;
	s5 =	sadd.s32 s21, s3  }
0x9d: {  	[timem:s22], [sflag:s6] =	dma.local [hbm:s5], s4  }
0x9e: {  	_ =	swait.ge [sflag:s6], s4  }
0x9f: {  	s4 =	ssub.s32 $0x0, s4;
	[sflag:s6] =	ssyncset.done $0x0  }
0xa0: {  	[sflag:s6] =	ssyncadd.s32 s4;
	_ =	sdelay $0x1  }
0xa1: {  	s23 =	simm.s32 $0x1B8B  }
0xa2: {  	_ =	swait.ge [sflag:s23], $0x1  }
0xa3: {  	[sflag:s23] =	ssyncset.done $0x0  }
0xa4: {  	[sflag:s23] =	ssyncadd.s32 $0xFFFFFFFF  }
0xa5: {  	s4 =	sld [smem:$0x0]  }
0xa6: {  	s5 =	sand.u32 $0xFFFFFFFE, s1  }
0xa7: {  	p0 =	sne.s32 s1, s5  }
0xa8: {  	s5 =	sshll.u32 @p0 s5, $0xE  }
0xa9: {  	s5 =	sadd.s32 @p0 $0x11B8D, s5;
	s6 =	sshll.u32 @p0 s4, $0x11  }
0xaa: {  	s5 =	sor.u32 @p0 s6, s5  }
0xab: {  	[sflag:s5] =	ssyncadd.remote.s32 @p0 $0x1;
	_ =	sdelay $0x1  }
0xac: {  	s5 =	simm.s32 @p0 $0x1B8D  }
0xad: {  	_ =	swait.eq @p0 [sflag:s5], $0x1  }
0xae: {  	[sflag:s5] =	ssyncadd.s32 @p0 $0xFFFFFFFF  }
0xaf: {  	s6 =	sshll.u32 @!p0 s1, $0xE  }
0xb0: {  	s6 =	sor.u32 @!p0 $0x4000, s6;
	s5 =	simm.s32 @!p0 $0x1B8D  }
0xb1: {  	s4 =	sshll.u32 @!p0 s4, $0x11;
	s6 =	sadd.s32 @!p0 $0x11B8D, s6;
	_ =	swait.eq @!p0 [sflag:s5], $0x1  }
0xb2: {  	s4 =	sor.u32 @!p0 s4, s6;
	[sflag:s5] =	ssyncadd.s32 @!p0 $0xFFFFFFFF  }
0xb3: {  	s25 =	simm.s32 $0x1B8E;
	s24 =	sld [smem:$0x3FFE];
	[sflag:s4] =	ssyncadd.remote.s32 @!p0 $0x1  }
0xb4: {  	s26 =	simm.s32 $execute0_lowered;
	[smem:$0x3FD2] =	sst s25  }
0xb5: {  	s5 =	sshll.u32 s26, $0x1;
	_ =	strace $0x80000049;
	[dreg:$0x1] =	wrdreg $0xFFFFFFFF  }
0xb6: {  	s28 =	simm.s32 $_size_execute0_lowered;
	s3 =	sadd.s32 s3, s5;
	[dreg:$0x0] =	wrdreg $0x0  }
0xb7: {  	s5 =	sshll.u32 s28, $0x1;
	[dreg:$0x2] =	wrdreg s3  }
0xb8: {  	[dreg:$0x3] =	wrdreg s5  }
0xb9: {  	[dreg:$0x4] =	wrdreg $0xC0  }
0xba: {  	_ =	task [dreg:s22], $0x5FFFF  }
0xbb: {  	[dreg:$0x1] =	wrdreg $0xFFFFFFFF  }
0xbc: {  	[dreg:$0x0] =	wrdreg $0x60  }
0xbd: {  	[dreg:$0x2] =	wrdreg s24  }
0xbe: {  	[dreg:$0x3] =	wrdreg $0xA  }
0xbf: {  	_ =	task.clear_ibuf [dreg:s22], $0x4FFFF;
	_ =	strace $0x90000049  }
0xc0: {  	s29 =	simm.s32 $0xA;
	_ =	strace $0x8000004B  }
0xc1: {  	_ =	swait.ge [sflag:s29], $0x1  }
0xc2: {  	[sflag:s29] =	ssyncadd.s32 $0xFFFFFFFF  }
0xc3: {  	_ =	strace $0x9000004B  }
0xc4: {  	_ =	sfence  }
0xc5: {  	s30 =	sld [smem:$0x0];
	_ =	sdelay $0x2  }
0xc6: {  	s31 =	sshll.u32 s1, $0xD;
	s1 =	sshrl.u32 s1, $0x2  }
0xc7: {  	s4 =	sand.u32 $0x4000, s31;
	s1 =	sadd.s32 s1, s30  }
0xc8: {  	s0 =	sor.u32 s4, s0;
	s1 =	sshll.u32 s1, $0x11  }
0xc9: {  	s0 =	sor.u32 s1, s0  }
0xca: {  	s0 =	sadd.s32 $0x8F2B, s0  }
0xcb: {  	[sflag:s0] =	ssyncadd.remote.s32 $0x1  }
0xcc: {  	_ =	sfence.sel $0xFFFF  }
0xcd: {  	[dreg:$0x0] =	wrdreg $0xFFFFFFFF;
	(pc) =	sbr.abs _section_cstart, $3  }
0xce: {  	[dreg:$0x1] =	wrdreg $0xFFFFFFFF  }
0xcf: {  	_ =	task.clear_ibuf [dreg:s22], $0x2FFFF;
	_ =	strace $0x9FFFFFFF  }
0xd0: {  	(tm) =	ssettm $0x7FFFFFFF  }
0xd1: {  	_ =	shalt  }
tec
execute0_lowered:
.L_overlay_start_1:
0x0: {  	(tag) =	ssettag $0x1  }
0x1: {  	s0 =	rddreg [dreg:$0x0]  }
0x2: {  	s1 =	simm.s32 $0x0;
	s5 =	srdreg.scid;
	s2 =	stileid.u32  }
0x3: {  	s13 =	simm.s32 $0x5;
	s14 =	simm.s32 $0x100;
	s15 =	simm.s32 $0x80  }
0x4: {  	s17 =	simm.s32 $0x1200;
	s18 =	simm.s32 $0x1;
	s19 =	simm.s32 $0x3  }
0x5: {  	s20 =	simm.s32 $0x2200;
	s21 =	simm.s32 $0x6;
	s22 =	simm.s32 $0x2  }
0x6: {  	s23 =	simm.s32 $0x4;
	s24 =	simm.s32 $0x0;
	[smem:$0x7FF] =	sst s1  }
0x7: {  	s3 =	sadd.s32 $0x50FC00, s0;
	s4 =	sadd.s32 $0x514C00, s0;
	s6 =	sand.u32 $0x1, s5  }
.Ltmp0:
0x8: {  	s7 =	sshll.u32 s2, $0x1;
	s5 =	sadd.s32 $0x4E6A00, s0;
	(pc) =	sbr.rel .LBB2_1-.Ltmp0, $4  }
0x9: {  	_ =	strace $0x8000004A;
	s8 =	ssub.s32 $0x2, s6;
	s6 =	sor.u32 s6, s7  }
0xa: {  	s7 =	sadd.s32 $0x519C00, s0;
	s9 =	sshrl.u32 s8, $0x1;
	s10 =	sshll.u32 s6, $0x4  }
0xb: {  	s11 =	sor.u32 $0x40, s6;
	s12 =	ssub.s32 s8, s9;
	s9 =	sadd.s32 $0x4F0640, s0  }
0xc: {  	s8 =	sadd.s32 s5, s10;
	s10 =	sadd.s32 s10, s9;
	s12 =	smax.u32 s12, $0x1  }
.LBB2_11:
0xd: {  	s24 =	sadd.s32 $0x1, s24  }
0xe: {  	p0 =	sne.s32 s24, s12  }
.Ltmp1:
0xf: {  	_ = 	snop;
	(pc) =	sbr.rel @!p0 .LBB2_12-.Ltmp1, $1  }
0x10: {  	_ =	sdelay $0x3  }
.LBB2_1:
0x11: {  	[tilespmem:s1], [sflag:$0x5] =	stream.linear.gather [hbm4b:s8+s1], $0x80, $0x38;
	[tilespmem:$0x2A00] =	vst v63  }
0x12: {  	_ =	swait.ge [sflag:s13], $0x80  }
0x13: {  	[sflag:s13] =	ssyncset.done $0x0  }
0x14: {  	[sflag:s13] =	ssyncadd.s32 $0xFFFFFF80  }
0x15: {  	[tilespmem:s14], [sflag:$0x5] =	stream.linear.gather [hbm4b:s10+s1], $0x80, $0x38;
	[tilespmem:$0x2A00] =	vst v63  }
0x16: {  	_ =	swait.ge [sflag:s13], $0x80  }
.Ltmp2:
0x17: {  	[sflag:s13] =	ssyncset.done $0x0;
	(pc) =	sbr.rel .LBB2_2-.Ltmp2, $4  }
0x18: {  	s0 =	simm.s32 $0x200;
	[sflag:s13] =	ssyncadd.s32 $0xFFFFFF80  }
0x19: {  	[tilespmem:s0], [sflag:$0x1] =	stream.indirect.gather [hbm4b:s3+s15], $0x10, s1, s15, $0xb8;
	[tilespmem:$0x2A00] =	vst v63  }
0x1a: {  	s25 =	simm.s32 $0x0  }
0x1b: {  	[tilespmem:s17], [sflag:$0x3] =	stream.indirect.gather [hbm4b:s4+s15], $0x10, s14, s15, $0xb8;
	[tilespmem:$0x2A00] =	vst v63  }
.LBB2_10:
0x1c: {  	s25 =	sadd.s32 $0x1, s25  }
0x1d: {  	p0 =	sne.s32 s25, $0x28  }
.Ltmp3:
0x1e: {  	_ = 	snop;
	(pc) =	sbr.rel @!p0 .LBB2_11-.Ltmp3, $1  }
0x1f: {  	_ =	sdelay $0x3  }
.LBB2_2:
0x20: {  	s28 =	sshll.u32 s25, $0x6  }
0x21: {  	s29 =	sor.u32 s6, s28  }
0x22: {  	s26 =	sor.u32 $0x20, s29  }
0x23: {  	p0 =	sgt.u32 s26, $0x9C3  }
0x24: {  	s0 =	sshll.u32 @!p0 s26, $0x4  }
0x25: {  	s31 =	simm.s32 @!p0 $0x0;
	s2 =	simm.s32 @!p0 $0x80;
	s30 =	sadd.s32 @!p0 s5, s0  }
0x26: {  	[tilespmem:s2], [sflag:$0x6] =	stream.linear.gather @!p0 [hbm4b:s30+s31], $0x80, $0x38;
	[tilespmem:$0x2A00] =	vst v63  }
0x27: {  	s30 =	simm.s32 @!p0 $0x6  }
0x28: {  	_ =	swait.ge @!p0 [sflag:s30], $0x80  }
0x29: {  	[sflag:s30] =	ssyncset.done @!p0 $0x0  }
0x2a: {  	s16 =	simm.s32 @!p0 $0x180;
	s0 =	sadd.s32 @!p0 s0, s9;
	[sflag:s30] =	ssyncadd.s32 @!p0 $0xFFFFFF80  }
0x2b: {  	[tilespmem:s16], [sflag:$0x6] =	stream.linear.gather @!p0 [hbm4b:s0+s31], $0x80, $0x38;
	[tilespmem:$0x2A00] =	vst v63  }
0x2c: {  	p1 =	sgt.u32 s29, $0x9C3;
	_ =	swait.ge @!p0 [sflag:s30], $0x80  }
.Ltmp4:
0x2d: {  	[sflag:s30] =	ssyncset.done @!p0 $0x0;
	(pc) =	sbr.rel @p1 .LBB2_6-.Ltmp4, $4  }
0x2e: {  	s0 =	simm.s32 @!p0 $0xA00;
	[sflag:s30] =	ssyncadd.s32 @!p0 $0xFFFFFF80  }
0x2f: {  	[tilespmem:s0], [sflag:$0x2] =	stream.indirect.gather @!p0 [hbm4b:s3+s2], $0x10, s2, s2, $0xb8;
	[tilespmem:$0x2A00] =	vst v63  }
0x30: {  	s0 =	simm.s32 @!p0 $0x1A00  }
0x31: {  	[tilespmem:s0], [sflag:$0x4] =	stream.indirect.gather @!p0 [hbm4b:s4+s2], $0x10, s16, s2, $0xb8;
	[tilespmem:$0x2A00] =	vst v63  }
0x32: {  	_ =	swait.ge [sflag:s18], $0x800  }
0x33: {  	[sflag:s18] =	ssyncset.done $0x0  }
0x34: {  	[sflag:s18] =	ssyncadd.s32 $0xFFFFF800  }
0x35: {  	_ =	swait.ge [sflag:s19], $0x800  }
0x36: {  	[sflag:s19] =	ssyncset.done $0x0  }
0x37: {  	s30 =	simm.s32 $0x0;
	[sflag:s19] =	ssyncadd.s32 $0xFFFFF800  }
0x38: {  	v0 =	vld [tilespmem:s30+$0x270]  }
0x39: {  	v1 =	vld [tilespmem:s30+$0x1270]  }
0x3a: {  	v2 =	vld [tilespmem:s30+$0x200]  }
0x3b: {  	v3 =	vld [tilespmem:s30+$0x1200]  }
0x3c: {  	v4 =	vld [tilespmem:s30+$0x210]  }
0x3d: {  	v5 =	vld [tilespmem:s30+$0x1210]  }
0x3e: {  	v6 =	vld [tilespmem:s30+$0x220]  }
0x3f: {  	v7 =	vld [tilespmem:s30+$0x230]  }
0x40: {  	v0 =	vadd.f32 v1, v0;
	v1 =	vld [tilespmem:s30+$0x1220]  }
0x41: {  	v8 =	vld [tilespmem:s30+$0x1230]  }
0x42: {  	v9 =	vld [tilespmem:s30+$0x1240];
	v2 =	vadd.f32 v3, v2  }
0x43: {  	[tilespmem:s30+$0x2270] =	vst v0;
	v0 =	vadd.f32 v5, v4;
	v5 =	vld [tilespmem:s30+$0x240]  }
0x44: {  	v3 =	vld [tilespmem:s30+$0x1250];
	[tilespmem:s30+$0x2200] =	vst v2  }
0x45: {  	v2 =	vld [tilespmem:s30+$0x250];
	[tilespmem:s30+$0x2210] =	vst v0;
	v0 =	vadd.f32 v1, v6  }
0x46: {  	v4 =	vld [tilespmem:s30+$0x1260];
	v6 =	vadd.f32 v8, v7  }
0x47: {  	s31 =	simm.s32 $0x80;
	[tilespmem:s30+$0x2220] =	vst v0;
	v0 =	vld [tilespmem:s30+$0x260]  }
0x48: {  	s0 =	simm.s32 $0x400;
	v5 =	vadd.f32 v9, v5;
	v1 =	vld [tilespmem:s31+$0x270];
	[tilespmem:s30+$0x2230] =	vst v6  }
.LBB2_4:
0x49: {  	p1 =	sne.s32 s0, $0x1E00;
	v6 =	vld [tilespmem:s31+$0x1270]  }
0x4a: {  	v7 =	vld [tilespmem:s31+$0x200];
	[tilespmem:s30+$0x2240] =	vst v5;
	v2 =	vadd.f32 v3, v2  }
0x4b: {  	v3 =	vld [tilespmem:s31+$0x1200]  }
0x4c: {  	v5 =	vld [tilespmem:s31+$0x210];
	[tilespmem:s30+$0x2250] =	vst v2;
	v0 =	vadd.f32 v4, v0  }
0x4d: {  	v2 =	vld [tilespmem:s31+$0x1210]  }
0x4e: {  	v4 =	vld [tilespmem:s31+$0x220];
	v1 =	vadd.f32 v6, v1;
	[tilespmem:s30+$0x2260] =	vst v0;
	s30 =	smov.u32 s31  }
0x4f: {  	v0 =	vld [tilespmem:s30+$0x1220]  }
0x50: {  	v3 =	vadd.f32 v3, v7;
	v6 =	vld [tilespmem:s30+$0x230];
	[tilespmem:s30+$0x2270] =	vst v1  }
0x51: {  	v1 =	vld [tilespmem:s30+$0x1230]  }
0x52: {  	[tilespmem:s30+$0x2200] =	vst v3;
	v2 =	vadd.f32 v2, v5;
	v5 =	vld [tilespmem:s30+$0x240]  }
0x53: {  	v7 =	vld [tilespmem:s30+$0x1240]  }
.Ltmp5:
0x54: {  	[tilespmem:s30+$0x2210] =	vst v2;
	v0 =	vadd.f32 v0, v4;
	v2 =	vld [tilespmem:s30+$0x250];
	(pc) =	sbr.rel @p1 .LBB2_4-.Ltmp5, $4  }
0x55: {  	v3 =	vld [tilespmem:s30+$0x1250]  }
0x56: {  	[tilespmem:s30+$0x2220] =	vst v0;
	v6 =	vadd.f32 v1, v6;
	v0 =	vld [tilespmem:s30+$0x260]  }
0x57: {  	s31 =	sshra.s32 s0, $0x2;
	v4 =	vld [tilespmem:s30+$0x1260]  }
0x58: {  	s0 =	sadd.s32 $0x200, s0;
	v1 =	vld [tilespmem:s31+$0x270];
	[tilespmem:s30+$0x2230] =	vst v6;
	v5 =	vadd.f32 v7, v5  }
0x59: {  	v6 =	vld [tilespmem:s31+$0x1270]  }
0x5a: {  	v7 =	vld [tilespmem:s31+$0x200];
	[tilespmem:s30+$0x2240] =	vst v5;
	v2 =	vadd.f32 v3, v2  }
0x5b: {  	v51 =	vld [tilespmem:s31+$0x1200]  }
0x5c: {  	v5 =	vld [tilespmem:s31+$0x210];
	[tilespmem:s30+$0x2250] =	vst v2;
	v0 =	vadd.f32 v4, v0  }
0x5d: {  	v2 =	vld [tilespmem:s31+$0x1210]  }
0x5e: {  	v52 =	vld [tilespmem:s31+$0x220];
	[tilespmem:s30+$0x2260] =	vst v0  }
0x5f: {  	v54 =	vld [tilespmem:s31+$0x1220]  }
0x60: {  	v55 =	vld [tilespmem:s31+$0x230]  }
0x61: {  	v56 =	vld [tilespmem:s31+$0x1230]  }
0x62: {  	v57 =	vld [tilespmem:s31+$0x240]  }
0x63: {  	v58 =	vld [tilespmem:s31+$0x1240]  }
0x64: {  	v59 =	vld [tilespmem:s31+$0x250]  }
0x65: {  	v53 =	vadd.f32 v6, v1;
	v60 =	vld [tilespmem:s31+$0x1250]  }
0x66: {  	v61 =	vld [tilespmem:s31+$0x260];
	v3 =	vadd.f32 v51, v7  }
0x67: {  	v62 =	vld [tilespmem:s31+$0x1260];
	[tilespmem:s31+$0x2270] =	vst v53;
	v2 =	vadd.f32 v2, v5  }
0x68: {  	[tilespmem:s31+$0x2200] =	vst v3;
	v1 =	vadd.f32 v54, v52  }
0x69: {  	[tilespmem:s31+$0x2210] =	vst v2;
	v0 =	vadd.f32 v56, v55  }
0x6a: {  	v3 =	vadd.f32 v58, v57;
	[tilespmem:s31+$0x2220] =	vst v1  }
0x6b: {  	v63 =	vadd.f32 v60, v59;
	[tilespmem:s31+$0x2230] =	vst v0  }
0x6c: {  	[tilespmem:s31+$0x2240] =	vst v3;
	v1 =	vadd.f32 v62, v61  }
0x6d: {  	s0 =	sshll.u32 s29, $0x8;
	[tilespmem:s31+$0x2250] =	vst v63  }
0x6e: {  	s0 =	sadd.s32 s7, s0;
	[tilespmem:s31+$0x2260] =	vst v1  }
0x6f: {  	[hbm4b:s0+s1] =	stream.linear.scatter [tilespmem:s20], [sflag:$0x6], $0x800, $0x38;
	[tilespmem:$0x2A00] =	vst v63  }
0x70: {  	_ =	swait.ge [sflag:s21], $0x800  }
0x71: {  	[sflag:s21] =	ssyncset.done $0x0  }
0x72: {  	[sflag:s21] =	ssyncadd.s32 $0xFFFFF800  }
.LBB2_6:
0x73: {  	s0 =	sadd.s32 s11, s28  }
0x74: {  	p1 =	sgt.u32 s0, $0x9C3  }
0x75: {  	s0 =	sshll.u32 @!p1 s0, $0x4  }
0x76: {  	s16 =	simm.s32 @!p1 $0x0;
	s2 =	sadd.s32 @!p1 s5, s0  }
0x77: {  	[tilespmem:s16], [sflag:$0x6] =	stream.linear.gather @!p1 [hbm4b:s2+s16], $0x80, $0x38;
	[tilespmem:$0x2A00] =	vst v63  }
0x78: {  	s2 =	simm.s32 @!p1 $0x6  }
0x79: {  	_ =	swait.ge @!p1 [sflag:s2], $0x80  }
0x7a: {  	[sflag:s2] =	ssyncset.done @!p1 $0x0  }
0x7b: {  	s28 =	simm.s32 @!p1 $0x100;
	s0 =	sadd.s32 @!p1 s0, s9;
	[sflag:s2] =	ssyncadd.s32 @!p1 $0xFFFFFF80  }
0x7c: {  	[tilespmem:s28], [sflag:$0x6] =	stream.linear.gather @!p1 [hbm4b:s0+s16], $0x80, $0x38;
	[tilespmem:$0x2A00] =	vst v63  }
0x7d: {  	_ =	swait.ge @!p1 [sflag:s2], $0x80  }
.Ltmp6:
0x7e: {  	[sflag:s2] =	ssyncset.done @!p1 $0x0;
	(pc) =	sbr.rel @p0 .LBB2_10-.Ltmp6, $4  }
0x7f: {  	s0 =	simm.s32 @!p1 $0x80;
	[sflag:s2] =	ssyncadd.s32 @!p1 $0xFFFFFF80;
	s2 =	simm.s32 @!p1 $0x200  }
0x80: {  	[tilespmem:s2], [sflag:$0x1] =	stream.indirect.gather @!p1 [hbm4b:s3+s0], $0x10, s16, s0, $0xb8;
	[tilespmem:$0x2A00] =	vst v63  }
0x81: {  	s2 =	simm.s32 @!p1 $0x1200  }
0x82: {  	[tilespmem:s2], [sflag:$0x3] =	stream.indirect.gather @!p1 [hbm4b:s4+s0], $0x10, s28, s0, $0xb8;
	[tilespmem:$0x2A00] =	vst v63  }
0x83: {  	_ =	swait.ge [sflag:s22], $0x800  }
0x84: {  	[sflag:s22] =	ssyncset.done $0x0  }
0x85: {  	[sflag:s22] =	ssyncadd.s32 $0xFFFFF800  }
0x86: {  	_ =	swait.ge [sflag:s23], $0x800  }
0x87: {  	[sflag:s23] =	ssyncset.done $0x0  }
0x88: {  	s28 =	simm.s32 $0x0;
	[sflag:s23] =	ssyncadd.s32 $0xFFFFF800  }
0x89: {  	v0 =	vld [tilespmem:s28+$0xA70]  }
0x8a: {  	v1 =	vld [tilespmem:s28+$0x1A70]  }
0x8b: {  	v2 =	vld [tilespmem:s28+$0xA00]  }
0x8c: {  	v3 =	vld [tilespmem:s28+$0x1A00]  }
0x8d: {  	v4 =	vld [tilespmem:s28+$0xA10]  }
0x8e: {  	v5 =	vld [tilespmem:s28+$0x1A10]  }
0x8f: {  	v6 =	vld [tilespmem:s28+$0xA20]  }
0x90: {  	v7 =	vld [tilespmem:s28+$0xA30]  }
0x91: {  	v0 =	vadd.f32 v1, v0;
	v1 =	vld [tilespmem:s28+$0x1A20]  }
0x92: {  	v8 =	vld [tilespmem:s28+$0x1A30]  }
0x93: {  	v9 =	vld [tilespmem:s28+$0x1A40];
	v2 =	vadd.f32 v3, v2  }
0x94: {  	[tilespmem:s28+$0x2270] =	vst v0;
	v0 =	vadd.f32 v5, v4;
	v5 =	vld [tilespmem:s28+$0xA40]  }
0x95: {  	v3 =	vld [tilespmem:s28+$0x1A50];
	[tilespmem:s28+$0x2200] =	vst v2  }
0x96: {  	v2 =	vld [tilespmem:s28+$0xA50];
	[tilespmem:s28+$0x2210] =	vst v0;
	v0 =	vadd.f32 v1, v6  }
0x97: {  	v4 =	vld [tilespmem:s28+$0x1A60];
	v6 =	vadd.f32 v8, v7  }
0x98: {  	s29 =	simm.s32 $0x80;
	[tilespmem:s28+$0x2220] =	vst v0;
	v0 =	vld [tilespmem:s28+$0xA60]  }
0x99: {  	s0 =	simm.s32 $0x400;
	v5 =	vadd.f32 v9, v5;
	v1 =	vld [tilespmem:s29+$0xA70];
	[tilespmem:s28+$0x2230] =	vst v6  }
.LBB2_8:
0x9a: {  	p0 =	sne.s32 s0, $0x1E00;
	v6 =	vld [tilespmem:s29+$0x1A70]  }
0x9b: {  	v7 =	vld [tilespmem:s29+$0xA00];
	[tilespmem:s28+$0x2240] =	vst v5;
	v2 =	vadd.f32 v3, v2  }
0x9c: {  	v3 =	vld [tilespmem:s29+$0x1A00]  }
0x9d: {  	v5 =	vld [tilespmem:s29+$0xA10];
	[tilespmem:s28+$0x2250] =	vst v2;
	v0 =	vadd.f32 v4, v0  }
0x9e: {  	v2 =	vld [tilespmem:s29+$0x1A10]  }
0x9f: {  	v4 =	vld [tilespmem:s29+$0xA20];
	v1 =	vadd.f32 v6, v1;
	[tilespmem:s28+$0x2260] =	vst v0;
	s28 =	smov.u32 s29  }
0xa0: {  	v0 =	vld [tilespmem:s28+$0x1A20]  }
0xa1: {  	v3 =	vadd.f32 v3, v7;
	v6 =	vld [tilespmem:s28+$0xA30];
	[tilespmem:s28+$0x2270] =	vst v1  }
0xa2: {  	v1 =	vld [tilespmem:s28+$0x1A30]  }
0xa3: {  	[tilespmem:s28+$0x2200] =	vst v3;
	v2 =	vadd.f32 v2, v5;
	v5 =	vld [tilespmem:s28+$0xA40]  }
0xa4: {  	v7 =	vld [tilespmem:s28+$0x1A40]  }
.Ltmp7:
0xa5: {  	[tilespmem:s28+$0x2210] =	vst v2;
	v0 =	vadd.f32 v0, v4;
	v2 =	vld [tilespmem:s28+$0xA50];
	(pc) =	sbr.rel @p0 .LBB2_8-.Ltmp7, $4  }
0xa6: {  	v3 =	vld [tilespmem:s28+$0x1A50]  }
0xa7: {  	[tilespmem:s28+$0x2220] =	vst v0;
	v6 =	vadd.f32 v1, v6;
	v0 =	vld [tilespmem:s28+$0xA60]  }
0xa8: {  	s29 =	sshra.s32 s0, $0x2;
	v4 =	vld [tilespmem:s28+$0x1A60]  }
0xa9: {  	s0 =	sadd.s32 $0x200, s0;
	v1 =	vld [tilespmem:s29+$0xA70];
	[tilespmem:s28+$0x2230] =	vst v6;
	v5 =	vadd.f32 v7, v5  }
0xaa: {  	v6 =	vld [tilespmem:s29+$0x1A70]  }
0xab: {  	v7 =	vld [tilespmem:s29+$0xA00];
	[tilespmem:s28+$0x2240] =	vst v5;
	v2 =	vadd.f32 v3, v2  }
0xac: {  	v51 =	vld [tilespmem:s29+$0x1A00]  }
0xad: {  	v5 =	vld [tilespmem:s29+$0xA10];
	[tilespmem:s28+$0x2250] =	vst v2;
	v0 =	vadd.f32 v4, v0  }
0xae: {  	v2 =	vld [tilespmem:s29+$0x1A10]  }
0xaf: {  	v52 =	vld [tilespmem:s29+$0xA20];
	[tilespmem:s28+$0x2260] =	vst v0  }
0xb0: {  	v54 =	vld [tilespmem:s29+$0x1A20]  }
0xb1: {  	v55 =	vld [tilespmem:s29+$0xA30]  }
0xb2: {  	v56 =	vld [tilespmem:s29+$0x1A30]  }
0xb3: {  	v57 =	vld [tilespmem:s29+$0xA40]  }
0xb4: {  	v58 =	vld [tilespmem:s29+$0x1A40]  }
0xb5: {  	v59 =	vld [tilespmem:s29+$0xA50]  }
0xb6: {  	v53 =	vadd.f32 v6, v1;
	v60 =	vld [tilespmem:s29+$0x1A50]  }
0xb7: {  	v61 =	vld [tilespmem:s29+$0xA60];
	v3 =	vadd.f32 v51, v7  }
0xb8: {  	v62 =	vld [tilespmem:s29+$0x1A60];
	[tilespmem:s29+$0x2270] =	vst v53;
	v2 =	vadd.f32 v2, v5  }
0xb9: {  	[tilespmem:s29+$0x2200] =	vst v3;
	v1 =	vadd.f32 v54, v52  }
0xba: {  	[tilespmem:s29+$0x2210] =	vst v2;
	v0 =	vadd.f32 v56, v55  }
0xbb: {  	v3 =	vadd.f32 v58, v57;
	[tilespmem:s29+$0x2220] =	vst v1  }
0xbc: {  	v63 =	vadd.f32 v60, v59;
	[tilespmem:s29+$0x2230] =	vst v0  }
0xbd: {  	[tilespmem:s29+$0x2240] =	vst v3;
	v1 =	vadd.f32 v62, v61  }
0xbe: {  	s0 =	sshll.u32 s26, $0x8;
	[tilespmem:s29+$0x2250] =	vst v63  }
.Ltmp8:
0xbf: {  	s0 =	sadd.s32 s7, s0;
	[tilespmem:s29+$0x2260] =	vst v1;
	(pc) =	sbr.rel .LBB2_10-.Ltmp8, $4  }
0xc0: {  	[hbm4b:s0+s1] =	stream.linear.scatter [tilespmem:s20], [sflag:$0x5], $0x800, $0x38;
	[tilespmem:$0x2A00] =	vst v63  }
0xc1: {  	_ =	swait.ge [sflag:s13], $0x800  }
0xc2: {  	[sflag:s13] =	ssyncset.done $0x0  }
0xc3: {  	[sflag:s13] =	ssyncadd.s32 $0xFFFFF800  }
.LBB2_12:
0xc4: {  	_ =	sfence.sel $0x180000  }
0xc5: {  	[bflag:$0x0] =	sbarrier.arrive $0xFFFF  }
0xc6: {  	_ =	strace $0x9000004A  }
0xc7: {  	s0 =	stileid.u32;
	[bflag:$0x2] =	sbarrier.arrive $0xFFFF  }
0xc8: {  	p0 =	sne.s32 s0, $0x0;
	s0 =	rddreg [dreg:$0x1]  }
0xc9: {  	s0 =	sadd.s32 @!p0 $0x100000, s0  }
0xca: {  	[sflag:s0] =	ssyncadd.tile.s32 @!p0 $0x1;
	_ =	shalt  }
.Lfunc_end2:
_tile_overlayer_lowered:
.L_overlay_start_2:
0xcb: {  	(tag) =	ssettag $0x2  }
0xcc: {  	s0 =	rddreg [dreg:$0x0];
	s2 =	stileid.u32  }
0xcd: {  	s1 =	rddreg [dreg:$0x1];
	p0 =	sne.s32 s2, $0x0  }
0xce: {  	s3 =	rddreg [dreg:$0x2];
	[bflag:$0x3] =	sbarrier.arrive $0xFFFF;
	s2 =	simm.s32 @!p0 $0x1C05  }
0xcf: {  	[timem:s3], [sflag:s2] =	dma.local @!p0 [hbm:s0], s1  }
0xd0: {  	s0 =	simm.s32 @!p0 $0x5  }
0xd1: {  	_ =	swait.ge @!p0 [sflag:s0], s1  }
0xd2: {  	s1 =	ssub.s32 @!p0 $0x0, s1;
	[sflag:s0] =	ssyncset.done @!p0 $0x0  }
0xd3: {  	[sflag:s0] =	ssyncadd.s32 @!p0 s1  }
0xd4: {  	[bflag:$0x3] =	sbarrier.arrive $0xFFFF  }
0xd5: {  	_ =	shalt  }

// kernel: _run.7.cloned.1.call-start
scs
__scs_entry_jumppad:
0x0: {  	(pc) =	sbr.rel $0x88, $3  }
0x1: {  	(tag) =	ssettag $0x0;
	lr =	simm.s32 $0x1  }
0x2: {  	[smem:$0x3F95] =	sst lr;
	_ =	strace $0xD0000000  }
0x3: {  	_ = 	snop  }
0x4: {  	_ = 	snop  }
0x5: {  	_ = 	snop  }
0x6: {  	_ = 	snop  }
0x7: {  	_ = 	snop  }
__scs_overlays_trampoline_lowered:
0x8: {  	[smem:$0x3FA4] =	sst s0  }
0x9: {  	[smem:$0x3FA5] =	sst s1  }
0xa: {  	[smem:$0x3FA6] =	sst s2  }
0xb: {  	[smem:$0x3FA7] =	sst s3  }
0xc: {  	[smem:$0x3FA8] =	sst s4  }
0xd: {  	[smem:$0x3FA9] =	sst s5  }
0xe: {  	[smem:$0x3FAA] =	sst s6  }
0xf: {  	[smem:$0x3FAB] =	sst s7  }
0x10: {  	[smem:$0x3FAC] =	sst s8  }
0x11: {  	[smem:$0x3FAD] =	sst s9;
	s0 =	simm.s32 @!p0 $0x0  }
0x12: {  	s1 =	sld [smem:$0x3F93];
	s0 =	simm.s32 @p0 $0x1  }
0x13: {  	[smem:$0x3FAE] =	sst s0;
	s0 =	simm.s32 @!p1 $0x0  }
0x14: {  	s2 =	sld [smem:$0x3F92];
	s0 =	simm.s32 @p1 $0x1  }
0x15: {  	[smem:$0x3FAF] =	sst s0;
	s0 =	simm.s32 @!p2 $0x0  }
0x16: {  	s3 =	sld [smem:$0x3FDB];
	s0 =	simm.s32 @p2 $0x1  }
0x17: {  	s4 =	simm.s32 $0x1BF5;
	[smem:$0x3FB1] =	sst s0  }
0x18: {  	s0 =	sld [smem:$0x3F94];
	_ =	swait.ge [sflag:s4], $0x0  }
0x19: {  	s7 =	sld [smem:$0x3F95]  }
0x1a: {  	s8 =	sadd.s32 $0xFFFFE003, lr  }
0x1b: {  	s9 =	sadd.s32 $0xFFFFFEF7, lr;
	s5 =	simm.s32 $0xFFFFFFFF;
	p2 =	slt.u32 s8, $0xFFFFF086  }
0x1c: {  	p1 =	slt.u32 s9, $0xF7A;
	s5 =	simm.s32 @!p2 $0x0  }
0x1d: {  	s5 =	simm.s32 @p1 $0x1;
	p0 =	seq.s32 s7, s2  }
0x1e: {  	s7 =	smul.u32 @!p0 $0xF7A, s2;
	p2 =	seq.s32 @!p0 s5, $0x0  }
0x1f: {  	s9 =	smul.u32 $0xF7A, s1;
	s8 =	simm.s32 @!p0 $0x1BF5;
	p2 =	por !p2, p0  }
0x20: {  	[sflag:s8] =	ssyncset.s32 @!p0 $0xFFFFF086;
	s6 =	sadd.s32 @!p0 s3, s7;
	s7 =	simm.s32 @!p0 $0x108  }
0x21: {  	s3 =	sadd.s32 s3, s9;
	s6 =	sadd.s32 @!p0 $0x88, s6;
	s7 =	simm.s32 @p2 $0x1082  }
0x22: {  	[simem:s7], [sflag:s8] =	dma.local @!p0 [hbm:s6], $0xF7A  }
0x23: {  	s9 =	sor.u32 $0xD0000000, s2;
	s6 =	simm.s32 $0x108;
	_ =	swait.ge @!p0 [sflag:s8], $0x0  }
0x24: {  	s3 =	sadd.s32 $0x88, s3;
	s6 =	simm.s32 @!p1 $0x1082;
	[sflag:s4] =	ssyncset.s32 $0xFFFFF086  }
0x25: {  	[simem:s6], [sflag:s4] =	dma.local [hbm:s3], $0xF7A  }
0x26: {  	[smem:$0x3F95] =	sst s1;
	(tag) =	ssettag s2;
	_ =	strace s9  }
0x27: {  	s1 =	sld [smem:$0x3FA5]  }
0x28: {  	s2 =	sld [smem:$0x3FA6]  }
0x29: {  	s4 =	sld [smem:$0x3FA8]  }
0x2a: {  	p0 =	seq.s32 s5, $0x0;
	s5 =	sld [smem:$0x3FA9]  }
0x2b: {  	s6 =	sld [smem:$0x3FAA]  }
0x2c: {  	s7 =	sld [smem:$0x3FAB]  }
0x2d: {  	s3 =	simm.s32 $0x108;
	s8 =	sld [smem:$0x3FAC]  }
0x2e: {  	s3 =	simm.s32 @!p0 $0x1082;
	s9 =	sld [smem:$0x3FAD]  }
0x2f: {  	lr =	sadd.s32 s0, s3;
	s0 =	sld [smem:$0x3FA4]  }
0x30: {  	s3 =	sld [smem:$0x3FA7]  }
0x31: {  	[smem:$0x3FB0] =	sst s10  }
0x32: {  	s10 =	sld [smem:$0x3FAE];
	_ =	sdelay $0x3  }
0x33: {  	p0 =	seq.s32 s10, $0x1;
	s10 =	sld [smem:$0x3FB0];
	_ =	sdelay $0x3  }
0x34: {  	[smem:$0x3FB0] =	sst s10  }
0x35: {  	s10 =	sld [smem:$0x3FAF];
	_ =	sdelay $0x3  }
0x36: {  	p1 =	seq.s32 s10, $0x1;
	s10 =	sld [smem:$0x3FB0];
	_ =	sdelay $0x3  }
0x37: {  	[smem:$0x3FB0] =	sst s10  }
0x38: {  	s10 =	sld [smem:$0x3FB1]  }
0x39: {  	_ = 	snop;
	(pc) =	sbr.ind lr, $3  }
0x3a: {  	_ = 	snop  }
0x3b: {  	_ = 	snop  }
0x3c: {  	p2 =	seq.s32 s10, $0x1;
	s10 =	sld [smem:$0x3FB0]  }
0x3d: {  	_ =	shalt  }
0x3e: {  	_ =	shalt  }
0x3f: {  	_ =	shalt  }
0x40: {  	_ =	shalt  }
0x41: {  	_ =	shalt  }
0x42: {  	_ =	shalt  }
0x43: {  	_ =	shalt  }
0x44: {  	_ =	shalt  }
0x45: {  	_ =	shalt  }
0x46: {  	_ =	shalt  }
0x47: {  	_ =	shalt  }
0x48: {  	_ =	shalt  }
0x49: {  	_ =	shalt  }
0x4a: {  	_ =	shalt  }
0x4b: {  	_ =	shalt  }
0x4c: {  	_ =	shalt  }
0x4d: {  	_ =	shalt  }
0x4e: {  	_ =	shalt  }
0x4f: {  	_ =	shalt  }
0x50: {  	_ =	shalt  }
0x51: {  	_ =	shalt  }
0x52: {  	_ =	shalt  }
0x53: {  	_ =	shalt  }
0x54: {  	_ =	shalt  }
0x55: {  	_ =	shalt  }
0x56: {  	_ =	shalt  }
0x57: {  	_ =	shalt  }
0x58: {  	_ =	shalt  }
0x59: {  	_ =	shalt  }
0x5a: {  	_ =	shalt  }
0x5b: {  	_ =	shalt  }
0x5c: {  	_ =	shalt  }
0x5d: {  	_ =	shalt  }
0x5e: {  	_ =	shalt  }
0x5f: {  	_ =	shalt  }
0x60: {  	_ =	shalt  }
0x61: {  	_ =	shalt  }
0x62: {  	_ =	shalt  }
0x63: {  	_ =	shalt  }
0x64: {  	_ =	shalt  }
0x65: {  	_ =	shalt  }
0x66: {  	_ =	shalt  }
0x67: {  	_ =	shalt  }
0x68: {  	_ =	shalt  }
0x69: {  	_ =	shalt  }
0x6a: {  	_ =	shalt  }
0x6b: {  	_ =	shalt  }
0x6c: {  	_ =	shalt  }
0x6d: {  	_ =	shalt  }
0x6e: {  	_ =	shalt  }
0x6f: {  	_ =	shalt  }
0x70: {  	_ =	shalt  }
0x71: {  	_ =	shalt  }
0x72: {  	_ =	shalt  }
0x73: {  	_ =	shalt  }
0x74: {  	_ =	shalt  }
0x75: {  	_ =	shalt  }
0x76: {  	_ =	shalt  }
0x77: {  	_ =	shalt  }
0x78: {  	_ =	shalt  }
0x79: {  	_ =	shalt  }
0x7a: {  	_ =	shalt  }
0x7b: {  	_ =	shalt  }
0x7c: {  	_ =	shalt  }
0x7d: {  	_ =	shalt  }
0x7e: {  	_ =	shalt  }
0x7f: {  	_ =	shalt  }
0x80: {  	_ =	shalt  }
0x81: {  	_ =	shalt  }
0x82: {  	_ =	shalt  }
0x83: {  	_ =	shalt  }
0x84: {  	_ =	shalt  }
0x85: {  	_ =	shalt  }
0x86: {  	_ =	shalt  }
0x87: {  	_ =	shalt  }
.Lfunc_end0:
.L_simem_size_0:
called_computation_lowered:
.L_overlay_start_0:
0x88: {  	s2 =	sld [smem:$0x3FD9]  }
0x89: {  	s3 =	sld [smem:$0x3FFE];
	_ =	sdelay $0x1  }
0x8a: {  	s1 =	srdreg.scid  }
0x8b: {  	s0 =	sand.u32 $0x1, s1  }
0x8c: {  	s14 =	sshll.u32 s0, $0xA;
	s2 =	sadd.s32 s3, s2  }
0x8d: {  	s2 =	sadd.s32 s2, s14  }
0x8e: {  	[smem:$0x3FBC] =	sst s2  }
0x8f: {  	_ = 	snop  }
0x90: {  	s2 =	sld [smem:$0x3FD0];
	_ =	sdelay $0x2  }
0x91: {  	s4 =	simm.s32 $0xB;
	s5 =	simm.s32 $0x10;
	s15 =	sld [smem:$0x3FC8]  }
0x92: {  	[smem:s5], [sflag:s4] =	dma.local [hbm:s2], $0x1  }
0x93: {  	_ =	swait.eq [sflag:s4], $0x1  }
0x94: {  	[sflag:s4] =	ssyncset.done $0x0  }
0x95: {  	s16 =	sld [smem:$0x10];
	[sflag:s4] =	ssyncadd.s32 $0xFFFFFFFF  }
0x96: {  	s17 =	sld [smem:$0x11];
	(tm) =	ssettm $0x1  }
0x97: {  	s18 =	sld [smem:$0x3FFB];
	_ =	sdelay $0x3  }
0x98: {  	_ =	strace s18  }
0x99: {  	s5 =	sld [smem:$0x3FFC];
	_ =	sdelay $0x3  }
0x9a: {  	_ =	strace s5  }
0x9b: {  	s5 =	sld [smem:$0x3FFD];
	_ =	sdelay $0x3  }
0x9c: {  	_ =	strace s5  }
0x9d: {  	_ =	strace $0x8FFFFFFF  }
0x9e: {  	s19 =	sld [smem:$0x3FDB];
	_ =	sdelay $0x1  }
0x9f: {  	s6 =	simm.s32 $_scs_section_size  }
0xa0: {  	s7 =	simm.s32 $_size__tile_overlayer_lowered;
	s8 =	simm.s32 $_tile_overlayer_lowered  }
0xa1: {  	s22 =	simm.s32 $0x1BFF;
	s21 =	sshll.u32 s8, $0x1;
	s5 =	sadd.s32 s6, s19  }
0xa2: {  	s9 =	simm.s32 $0x0;
	s20 =	sshll.u32 s7, $0x1;
	s7 =	sadd.s32 s21, s5  }
0xa3: {  	[timem:s9], [sflag:s22] =	dma.local [hbm:s7], s20  }
0xa4: {  	_ =	swait.ge [sflag:s22], s20  }
0xa5: {  	s6 =	ssub.s32 $0x0, s20;
	[sflag:s22] =	ssyncset.done $0x0  }
0xa6: {  	[sflag:s22] =	ssyncadd.s32 s6;
	_ =	sdelay $0x1  }
0xa7: {  	s23 =	simm.s32 $0x1B8B  }
0xa8: {  	_ =	swait.ge [sflag:s23], $0x1  }
0xa9: {  	[sflag:s23] =	ssyncset.done $0x0  }
0xaa: {  	s25 =	simm.s32 $0x1B8E;
	s24 =	sld [smem:$0x3FFE];
	[sflag:s23] =	ssyncadd.s32 $0xFFFFFFFF  }
0xab: {  	s26 =	simm.s32 $execute0_lowered;
	[smem:$0x3FD2] =	sst s25  }
0xac: {  	s7 =	sshll.u32 s26, $0x1;
	_ =	strace $0x80000046;
	[dreg:$0x1] =	wrdreg $0xFFFFFFFF  }
0xad: {  	s28 =	simm.s32 $_size_execute0_lowered;
	s5 =	sadd.s32 s5, s7;
	[dreg:$0x0] =	wrdreg $0x0  }
0xae: {  	s7 =	sshll.u32 s28, $0x1;
	[dreg:$0x2] =	wrdreg s5  }
0xaf: {  	[dreg:$0x3] =	wrdreg s7  }
0xb0: {  	[dreg:$0x4] =	wrdreg $0xC0  }
0xb1: {  	_ =	task [dreg:s9], $0x5FFFF  }
0xb2: {  	[dreg:$0x1] =	wrdreg $0xFFFFFFFF  }
0xb3: {  	[dreg:$0x0] =	wrdreg $0x60  }
0xb4: {  	[dreg:$0x2] =	wrdreg s15  }
0xb5: {  	[dreg:$0x3] =	wrdreg s17  }
0xb6: {  	[dreg:$0x4] =	wrdreg s24  }
0xb7: {  	[dreg:$0x5] =	wrdreg s16  }
0xb8: {  	[dreg:$0x6] =	wrdreg $0x0  }
0xb9: {  	[dreg:$0x7] =	wrdreg $0x9C400  }
0xba: {  	[dreg:$0x8] =	wrdreg $0xC3500  }
0xbb: {  	[dreg:$0x9] =	wrdreg $0x9  }
0xbc: {  	_ =	task.clear_ibuf [dreg:s9], $0xAFFFF;
	_ =	strace $0x90000046  }
0xbd: {  	s29 =	simm.s32 $0x9;
	_ =	strace $0x80000048  }
0xbe: {  	_ =	swait.ge [sflag:s29], $0x1  }
0xbf: {  	[sflag:s29] =	ssyncadd.s32 $0xFFFFFFFF  }
0xc0: {  	_ =	strace $0x90000048  }
0xc1: {  	_ =	sfence  }
0xc2: {  	s30 =	sld [smem:$0x0];
	_ =	sdelay $0x2  }
0xc3: {  	s31 =	sshll.u32 s1, $0xD;
	s1 =	sshrl.u32 s1, $0x2  }
0xc4: {  	s3 =	sand.u32 $0x4000, s31;
	s1 =	sadd.s32 s1, s30  }
0xc5: {  	s0 =	sor.u32 s3, s0;
	s1 =	sshll.u32 s1, $0x11  }
0xc6: {  	s0 =	sor.u32 s1, s0  }
0xc7: {  	s0 =	sadd.s32 $0x8F2B, s0  }
0xc8: {  	[sflag:s0] =	ssyncadd.remote.s32 $0x1  }
0xc9: {  	_ =	sfence.sel $0xFFFF  }
0xca: {  	[dreg:$0x0] =	wrdreg $0xFFFFFFFF;
	(pc) =	sbr.abs _section_cstart, $3  }
0xcb: {  	[dreg:$0x1] =	wrdreg $0xFFFFFFFF  }
0xcc: {  	_ =	task.clear_ibuf [dreg:s9], $0x2FFFF;
	_ =	strace $0x9FFFFFFF  }
0xcd: {  	(tm) =	ssettm $0x7FFFFFFF  }
tec
execute0_lowered:
.L_overlay_start_1:
0x0: {  	(tag) =	ssettag $0x1  }
0x1: {  	s0 =	rddreg [dreg:$0x0]  }
0x2: {  	s1 =	rddreg [dreg:$0x1]  }
0x3: {  	s5 =	rddreg [dreg:$0x2]  }
0x4: {  	s8 =	rddreg [dreg:$0x3]  }
0x5: {  	s2 =	rddreg [dreg:$0x4]  }
0x6: {  	s3 =	rddreg [dreg:$0x5]  }
0x7: {  	s4 =	rddreg [dreg:$0x6];
	s6 =	simm.s32 $0x0;
	s10 =	stileid.u32  }
0x8: {  	s9 =	srdreg.scid;
	[smem:$0x7FF] =	sst s6  }
0x9: {  	s19 =	sshll.u32 s10, $0x4;
	s20 =	sadd.s32 $0x4FA400, s5;
	s7 =	sadd.s32 $0x4FB800, s5  }
0xa: {  	s21 =	sadd.s32 $0x4FBE00, s5;
	s13 =	sadd.s32 $0x4FC000, s5;
	s14 =	smul.u32 $0x9C00, s10  }
0xb: {  	s9 =	sand.u32 $0x1, s9;
	s15 =	smul.u32 $0x2700, s10;
	s17 =	sshll.u32 s10, $0x6  }
0xc: {  	_ =	strace $0x80000047;
	s12 =	sadd.s32 s19, s5;
	[dreg:$0x8] =	wrdreg s20  }
0xd: {  	[dreg:$0x9] =	wrdreg s21;
	s5 =	sadd.s32 $0x505E00, s5;
	s18 =	smul.u32 $0x9C400, s9  }
0xe: {  	s11 =	ssub.s32 $0x2, s9;
	s19 =	smul.u32 $0x27100, s9;
	s22 =	sadd.s32 s14, s2  }
0xf: {  	s16 =	sshrl.u32 s11, $0x1;
	s23 =	sadd.s32 s15, s3;
	[dreg:$0xa] =	wrdreg s22  }
0x10: {  	s25 =	sadd.s32 s15, s4;
	s16 =	ssub.s32 s11, s16;
	[dreg:$0xb] =	wrdreg s23  }
0x11: {  	s11 =	sor.u32 $0x1C03, s17;
	s24 =	sadd.s32 s14, s18;
	[dreg:$0xc] =	wrdreg s25  }
0x12: {  	s15 =	sadd.s32 s15, s19;
	s22 =	sshll.u32 s10, $0x8;
	s23 =	sadd.s32 $0x4F0640, s12  }
0x13: {  	s29 =	sshrl.u32 s19, $0x3;
	[dreg:$0x12] =	wrdreg s23;
	s1 =	sadd.s32 s22, s1  }
0x14: {  	s17 =	sshrl.u32 s24, $0x3;
	s25 =	smax.u32 s16, $0x1;
	[dreg:$0x13] =	wrdreg s1  }
0x15: {  	s20 =	sadd.s32 $0x4E00, s29;
	s29 =	sadd.s32 $0x27000, s4;
	[dreg:$0x15] =	wrdreg s25  }
0x16: {  	s15 =	sshrl.u32 s15, $0x3;
	s26 =	sadd.s32 s8, s17;
	[dreg:$0x18] =	wrdreg s29  }
0x17: {  	s28 =	sshrl.u32 s18, $0x3;
	s18 =	sadd.s32 s13, s15;
	[dreg:$0xd] =	wrdreg s26  }
0x18: {  	s19 =	sadd.s32 s5, s15;
	[dreg:$0xe] =	wrdreg s18  }
0x19: {  	s30 =	simm.s32 $0x3;
	s21 =	sadd.s32 s13, s20;
	[dreg:$0xf] =	wrdreg s19  }
0x1a: {  	s31 =	simm.s32 $0x0;
	s5 =	sadd.s32 s5, s20;
	[dreg:$0x10] =	wrdreg s21  }
0x1b: {  	s8 =	sadd.s32 s8, s28;
	s28 =	sadd.s32 $0x27000, s3;
	[dreg:$0x11] =	wrdreg s5  }
0x1c: {  	p1 =	sne.s32 s10, $0x0;
	s24 =	sadd.s32 $0x13800, s8;
	[dreg:$0x17] =	wrdreg s28  }
0x1d: {  	s1 =	simm.s32 @!p1 $0x0;
	s26 =	sadd.s32 $0x9C000, s2;
	[dreg:$0x14] =	wrdreg s24  }
0x1e: {  	s14 =	sadd.s32 $0x4E6A00, s12;
	s1 =	simm.s32 @p1 $0x1;
	[dreg:$0x16] =	wrdreg s26  }
0x1f: {  	v0 =	vmov s9;
	s22 =	sand.u32 $0x1, s10;
	s23 =	sor.u32 $0x20, s10;
	[smem:$0x7FD] =	sst s1  }
.LBB2_1:
0x20: {  	s1 =	rddreg [dreg:$0xa]  }
0x21: {  	s5 =	rddreg [dreg:$0x8];
	s1 =	sshrl.u32 s1, $0x3  }
0x22: {  	[dreg:$0x19] =	wrdreg s1  }
0x23: {  	[spmem:s1], [sflag:s11] =	dma.local [hbm:s5], $0x1380  }
0x24: {  	_ =	swait.ge [sflag:s30], $0x1380  }
0x25: {  	s15 =	rddreg [dreg:$0xb]  }
0x26: {  	[sflag:s30] =	ssyncset.done $0x0;
	s1 =	sshrl.u32 s15, $0x3  }
0x27: {  	[sflag:s30] =	ssyncadd.s32 $0xFFFFEC80;
	[dreg:$0x1a] =	wrdreg s1  }
0x28: {  	[spmem:s1], [sflag:s11] =	dma.local [hbm:s7], $0x4E0  }
0x29: {  	_ =	swait.ge [sflag:s30], $0x4E0  }
0x2a: {  	s16 =	rddreg [dreg:$0xc]  }
0x2b: {  	[sflag:s30] =	ssyncset.done $0x0;
	s1 =	sshrl.u32 s16, $0x3  }
0x2c: {  	[sflag:s30] =	ssyncadd.s32 $0xFFFFFB20;
	[dreg:$0x1b] =	wrdreg s1  }
0x2d: {  	[spmem:s1], [sflag:s11] =	dma.local [hbm:s7], $0x4E0  }
0x2e: {  	_ =	swait.ge [sflag:s30], $0x4E0  }
0x2f: {  	s17 =	simm.s32 $0x0;
	[sflag:s30] =	ssyncset.done $0x0  }
0x30: {  	s8 =	simm.s32 $0x13560;
	s6 =	rddreg [dreg:$0x9];
	[sflag:s30] =	ssyncadd.s32 $0xFFFFFB20  }
0x31: {  	[tilespmem:s8], [sflag:$0x3] =	stream.linear.gather [hbm4b:s6+s17], $0x800, $0x38;
	[tilespmem:$0x13D60] =	vst v63  }
0x32: {  	_ =	swait.ge [sflag:s30], $0x800  }
0x33: {  	s6 =	rddreg [dreg:$0x16]  }
0x34: {  	[sflag:s30] =	ssyncset.done $0x0;
	s6 =	sshrl.u32 @!p1 s6, $0x3  }
0x35: {  	[sflag:s30] =	ssyncadd.s32 $0xFFFFF800;
	[dreg:$0x1c] =	wrdreg s6  }
0x36: {  	[spmem:s6], [sflag:s11] =	dma.local @!p1 [hbm:s5], $0x80  }
0x37: {  	s5 =	simm.s32 @!p1 $0x3  }
0x38: {  	_ =	swait.ge @!p1 [sflag:s5], $0x80  }
0x39: {  	s6 =	rddreg [dreg:$0x17]  }
0x3a: {  	[sflag:s5] =	ssyncset.done @!p1 $0x0;
	s6 =	sshrl.u32 @!p1 s6, $0x3  }
0x3b: {  	[sflag:s5] =	ssyncadd.s32 @!p1 $0xFFFFFF80;
	[dreg:$0x1d] =	wrdreg s6  }
0x3c: {  	[spmem:s6], [sflag:s11] =	dma.local @!p1 [hbm:s7], $0x20  }
0x3d: {  	_ =	swait.ge @!p1 [sflag:s5], $0x20  }
0x3e: {  	s6 =	rddreg [dreg:$0x18]  }
0x3f: {  	[sflag:s5] =	ssyncset.done @!p1 $0x0;
	s6 =	sshrl.u32 @!p1 s6, $0x3  }
0x40: {  	[sflag:s5] =	ssyncadd.s32 @!p1 $0xFFFFFFE0;
	[dreg:$0x1e] =	wrdreg s6  }
0x41: {  	[spmem:s6], [sflag:s11] =	dma.local @!p1 [hbm:s7], $0x20  }
0x42: {  	_ =	swait.ge @!p1 [sflag:s5], $0x20  }
0x43: {  	[sflag:s5] =	ssyncset.done @!p1 $0x0  }
0x44: {  	[sflag:s5] =	ssyncadd.s32 @!p1 $0xFFFFFFE0  }
0x45: {  	s18 =	simm.s32 $0xEA60;
	[bflag:$0x0] =	sbarrier.arrive $0xFFFF  }
0x46: {  	[tilespmem:s18], [sflag:$0x3] =	stream.linear.gather [hbm4b:s14+s17], $0x80, $0x38;
	[tilespmem:$0x13D60] =	vst v63  }
0x47: {  	_ =	swait.ge [sflag:s30], $0x80  }
0x48: {  	[sflag:s30] =	ssyncset.done $0x0  }
0x49: {  	s20 =	simm.s32 $0xEC60;
	s19 =	rddreg [dreg:$0x12];
	[sflag:s30] =	ssyncadd.s32 $0xFFFFFF80  }
0x4a: {  	[tilespmem:s20], [sflag:$0x3] =	stream.linear.gather [hbm4b:s19+s17], $0x80, $0x38;
	[tilespmem:$0x13D60] =	vst v63  }
0x4b: {  	_ =	swait.ge [sflag:s30], $0x80  }
0x4c: {  	[sflag:s30] =	ssyncset.done $0x0  }
0x4d: {  	[sflag:s30] =	ssyncadd.s32 $0xFFFFFF80  }
0x4e: {  	v1 =	vld [tilespmem:$0xEA60]  }
0x4f: {  	v2 =	vld [tilespmem:$0xEA70]  }
0x50: {  	v3 =	vld [tilespmem:$0xEA80]  }
0x51: {  	v4 =	vld [tilespmem:$0xEA90]  }
0x52: {  	v5 =	vld [tilespmem:$0xEAA0]  }
0x53: {  	v6 =	vld [tilespmem:$0xEAB0];
	v1 =	vshll.u32 v1, $0x1  }
0x54: {  	v7 =	vld [tilespmem:$0xEAC0];
	v2 =	vshll.u32 v2, $0x1;
	v1 =	vor.u32 v0, v1  }
0x55: {  	[tilespmem:$0xEB60] =	vst v1;
	v1 =	vor.u32 v0, v2;
	v2 =	vshll.u32 v3, $0x1;
	v3 =	vld [tilespmem:$0xEAD0]  }
0x56: {  	[tilespmem:$0xEB70] =	vst v1;
	v1 =	vor.u32 v0, v2;
	v2 =	vshll.u32 v4, $0x1  }
0x57: {  	[tilespmem:$0xEB80] =	vst v1;
	v1 =	vor.u32 v0, v2;
	v2 =	vshll.u32 v5, $0x1  }
0x58: {  	[tilespmem:$0xEB90] =	vst v1;
	v1 =	vor.u32 v0, v2;
	v2 =	vshll.u32 v6, $0x1  }
0x59: {  	[tilespmem:$0xEBA0] =	vst v1;
	v1 =	vor.u32 v0, v2;
	v2 =	vshll.u32 v7, $0x1  }
0x5a: {  	s26 =	sadd.s32 $0xFFFFFFF0, s23;
	[tilespmem:$0xEBB0] =	vst v1;
	v1 =	vor.u32 v0, v2;
	v2 =	vshll.u32 v3, $0x1  }
0x5b: {  	s21 =	simm.s32 $0x80;
	s24 =	simm.s32 $0xEB60;
	p2 =	sgt.u32 s26, $0x9C3;
	[tilespmem:$0xEBC0] =	vst v1;
	v1 =	vor.u32 v0, v2  }
0x5c: {  	s25 =	simm.s32 $0xED60;
	s16 =	simm.s32 @!p2 $0x4;
	s5 =	sadd.s32 @!p2 $0x0, s14;
	[tilespmem:$0xEBD0] =	vst v1  }
0x5d: {  	[tilespmem:s25], [sflag:$0x1] =	stream.indirect.gather [hbm4b:s0+s21], $0x40, s24, s21, $0xb8;
	[tilespmem:$0x13D60] =	vst v63  }
0x5e: {  	s18 =	sadd.s32 @!p2 $0x100, s5;
	s17 =	simm.s32 @!p2 $0xEAE0;
	s19 =	simm.s32 @!p2 $0x0  }
0x5f: {  	[tilespmem:s17], [sflag:$0x4] =	stream.linear.gather @!p2 [hbm4b:s18+s19], $0x80, $0x38;
	[tilespmem:$0x13D60] =	vst v63  }
0x60: {  	p1 =	por p2, p2;
	_ =	swait.ge @!p2 [sflag:s16], $0x80  }
0x61: {  	[sflag:s16] =	ssyncset.done @!p1 $0x0  }
0x62: {  	s5 =	sadd.s32 @!p2 $0x9D40, s5;
	s17 =	simm.s32 @!p1 $0xECE0;
	[sflag:s16] =	ssyncadd.s32 @!p1 $0xFFFFFF80  }
0x63: {  	[tilespmem:s17], [sflag:$0x4] =	stream.linear.gather @!p1 [hbm4b:s5+s19], $0x80, $0x38;
	[tilespmem:$0x13D60] =	vst v63  }
0x64: {  	_ =	swait.ge @!p1 [sflag:s16], $0x80  }
0x65: {  	[sflag:s16] =	ssyncset.done @!p1 $0x0  }
0x66: {  	[sflag:s16] =	ssyncadd.s32 @!p1 $0xFFFFFF80  }
0x67: {  	v1 =	vld @!p1 [tilespmem:$0xEB40]  }
0x68: {  	v2 =	vld @!p1 [tilespmem:$0xEB50]  }
0x69: {  	v3 =	vld @!p1 [tilespmem:$0xEB30]  }
0x6a: {  	v4 =	vld @!p1 [tilespmem:$0xEB10]  }
0x6b: {  	v5 =	vld @!p1 [tilespmem:$0xEAF0]  }
0x6c: {  	v6 =	vld @!p1 [tilespmem:$0xEB00];
	v1 =	vshll.u32 @!p1 v1, $0x1  }
0x6d: {  	v7 =	vld @!p1 [tilespmem:$0xEB20];
	v2 =	vshll.u32 @!p1 v2, $0x1;
	v1 =	vor.u32 @!p1 v0, v1  }
0x6e: {  	v8 =	vld @!p1 [tilespmem:$0xEAE0];
	v3 =	vshll.u32 @!p1 v3, $0x1;
	v2 =	vor.u32 @!p1 v0, v2;
	[tilespmem:$0xEC40] =	vst @!p1 v1  }
0x6f: {  	v3 =	vor.u32 @!p1 v0, v3;
	v1 =	vshll.u32 @!p1 v4, $0x1;
	[tilespmem:$0xEC50] =	vst @!p1 v2  }
0x70: {  	v2 =	vshll.u32 @!p1 v5, $0x1;
	[tilespmem:$0xEC30] =	vst @!p1 v3;
	v1 =	vor.u32 @!p1 v0, v1  }
0x71: {  	v3 =	vshll.u32 @!p1 v6, $0x1;
	v2 =	vor.u32 @!p1 v0, v2;
	[tilespmem:$0xEC10] =	vst @!p1 v1  }
0x72: {  	[tilespmem:$0xEBF0] =	vst @!p1 v2;
	v1 =	vor.u32 @!p1 v0, v3;
	v2 =	vshll.u32 @!p1 v7, $0x1  }
0x73: {  	s29 =	sadd.s32 $0xFFFFFFE0, s23;
	v3 =	vshll.u32 @!p1 v8, $0x1;
	[tilespmem:$0xEC00] =	vst @!p1 v1;
	v1 =	vor.u32 @!p1 v0, v2  }
0x74: {  	p0 =	sgt.u32 s29, $0x9C3;
	s26 =	simm.s32 @!p1 $0x80;
	v2 =	vor.u32 @!p1 v0, v3;
	[tilespmem:$0xEC20] =	vst @!p1 v1  }
0x75: {  	s28 =	simm.s32 @!p1 $0x10D60;
	s18 =	simm.s32 @!p1 $0xEBE0;
	s5 =	simm.s32 @!p0 $0x1;
	[tilespmem:$0xEBE0] =	vst @!p1 v2  }
0x76: {  	[tilespmem:s28], [sflag:$0x2] =	stream.indirect.gather @!p1 [hbm4b:s0+s26], $0x40, s18, s26, $0xb8;
	[tilespmem:$0x13D60] =	vst v63  }
0x77: {  	p3 =	sne.s32 @!p0 s22, s9;
	_ =	swait.ge @!p0 [sflag:s5], $0x2000  }
0x78: {  	s20 =	simm.s32 @!p0 $0x80;
	s21 =	simm.s32 @!p0 $0xEC60;
	[sflag:s5] =	ssyncset.done @!p0 $0x0  }
0x79: {  	s19 =	simm.s32 @!p0 $0x4;
	s18 =	simm.s32 @!p0 $0xED60;
	[sflag:s5] =	ssyncadd.s32 @!p0 $0xFFFFE000  }
0x7a: {  	[spmem:s2] =	stream.indirect.scatter.add.f32 @!p0 [tilespmem:s18], [sflag:$0x4], $0x40, s21, s20, $0xb8;
	[tilespmem:$0x13D60] =	vst v63  }
0x7b: {  	p4 =	por !p3, p0;
	p3 =	por p3, p0;
	_ =	swait.ge @!p0 [sflag:s19], $0x2000  }
0x7c: {  	s5 =	simm.s32 @!p4 $0x13560;
	s18 =	simm.s32 @!p4 $0x80;
	[sflag:s19] =	ssyncset.done @!p0 $0x0  }
0x7d: {  	s20 =	simm.s32 @!p4 $0xEC60;
	s1 =	rddreg [dreg:$0x13];
	[sflag:s19] =	ssyncadd.s32 @!p0 $0xFFFFE000  }
0x7e: {  	[spmem:s4] =	stream.indirect.scatter.add.f32 @!p4 [tilespmem:s5], [sflag:$0x4], $0x10, s20, s18, $0xb8;
	[tilespmem:$0x13D60] =	vst v63  }
0x7f: {  	s5 =	simm.s32 @!p3 $0x0;
	s18 =	simm.s32 @!p3 $0x12D60;
	s20 =	simm.s32 @!p3 $0x4  }
0x80: {  	[tilespmem:s18], [sflag:$0x4] =	stream.linear.gather @!p3 [hbm4b:s1+s5], $0x800, $0x38;
	[tilespmem:$0x13D60] =	vst v63  }
0x81: {  	_ =	swait.ge @!p3 [sflag:s20], $0x800  }
0x82: {  	[sflag:s20] =	ssyncset.done @!p3 $0x0  }
0x83: {  	s21 =	simm.s32 @!p3 $0xEC60;
	s5 =	simm.s32 @!p3 $0x80;
	[sflag:s20] =	ssyncadd.s32 @!p3 $0xFFFFF800  }
0x84: {  	[spmem:s3] =	stream.indirect.scatter.add.f32 @!p3 [tilespmem:s18], [sflag:$0x4], $0x10, s21, s5, $0xb8;
	[tilespmem:$0x13D60] =	vst v63  }
0x85: {  	p5 =	sgt.u32 s23, $0x9C3;
	_ =	swait.ge @!p0 [sflag:s19], $0x800  }
0x86: {  	s20 =	simm.s32 @!p5 $0xEA60;
	s5 =	sadd.s32 @!p5 $0x0, s14;
	[sflag:s19] =	ssyncset.done @!p0 $0x0  }
0x87: {  	s18 =	simm.s32 @!p5 $0x0;
	[sflag:s19] =	ssyncadd.s32 @!p0 $0xFFFFF800;
	s19 =	sadd.s32 @!p5 $0x200, s5  }
0x88: {  	[tilespmem:s20], [sflag:$0x4] =	stream.linear.gather @!p5 [hbm4b:s19+s18], $0x80, $0x38;
	[tilespmem:$0x13D60] =	vst v63  }
0x89: {  	s19 =	simm.s32 @!p5 $0x4  }
0x8a: {  	_ =	swait.ge @!p5 [sflag:s19], $0x80  }
0x8b: {  	[sflag:s19] =	ssyncset.done @!p5 $0x0  }
0x8c: {  	s5 =	sadd.s32 @!p5 $0x9E40, s5;
	s20 =	simm.s32 @!p5 $0xEC60;
	[sflag:s19] =	ssyncadd.s32 @!p5 $0xFFFFFF80  }
0x8d: {  	[tilespmem:s20], [sflag:$0x4] =	stream.linear.gather @!p5 [hbm4b:s5+s18], $0x80, $0x38;
	[tilespmem:$0x13D60] =	vst v63  }
0x8e: {  	_ =	swait.ge @!p5 [sflag:s19], $0x80  }
0x8f: {  	[sflag:s19] =	ssyncset.done @!p5 $0x0  }
0x90: {  	p3 =	sne.s32 @!p2 s22, s9;
	[sflag:s19] =	ssyncadd.s32 @!p5 $0xFFFFFF80  }
0x91: {  	s25 =	smov.u32 s23;
	s21 =	smov.u32 s1;
	p2 =	por !p3, p1;
	v2 =	vld @!p5 [tilespmem:$0xEA60]  }
0x92: {  	s20 =	simm.s32 $0x200;
	s18 =	simm.s32 @!p2 $0x3;
	s19 =	smov.u32 s1;
	v1 =	vld @!p5 [tilespmem:$0xEAC0]  }
.LBB2_2:
0x93: {  	s25 =	sadd.s32 $0x20, s25  }
0x94: {  	v3 =	vld @!p5 [tilespmem:$0xEAD0];
	s19 =	sadd.s32 $0x2000, s19;
	s29 =	smov.u32 s20;
	s20 =	sadd.s32 $0x200, s20  }
0x95: {  	p4 =	sne.s32 s20, $0x9E00;
	v4 =	vld @!p5 [tilespmem:$0xEA90]  }
0x96: {  	v5 =	vld @!p5 [tilespmem:$0xEAA0]  }
0x97: {  	v2 =	vshll.u32 @!p5 v2, $0x1;
	v6 =	vld @!p5 [tilespmem:$0xEAB0]  }
0x98: {  	v2 =	vor.u32 @!p5 v0, v2;
	v7 =	vld @!p5 [tilespmem:$0xEA70];
	v1 =	vshll.u32 @!p5 v1, $0x1  }
0x99: {  	[tilespmem:$0xEB60] =	vst @!p5 v2;
	v2 =	vld @!p5 [tilespmem:$0xEA80];
	v1 =	vor.u32 @!p5 v0, v1;
	v3 =	vshll.u32 @!p5 v3, $0x1  }
0x9a: {  	v4 =	vshll.u32 @!p5 v4, $0x1;
	[tilespmem:$0xEBC0] =	vst @!p5 v1;
	v1 =	vor.u32 @!p5 v0, v3  }
0x9b: {  	v3 =	vor.u32 @!p5 v0, v4;
	v4 =	vshll.u32 @!p5 v5, $0x1;
	[tilespmem:$0xEBD0] =	vst @!p5 v1  }
0x9c: {  	[tilespmem:$0xEB90] =	vst @!p5 v3;
	v1 =	vor.u32 @!p5 v0, v4;
	v3 =	vshll.u32 @!p5 v6, $0x1  }
0x9d: {  	v4 =	vshll.u32 @!p5 v7, $0x1;
	[tilespmem:$0xEBA0] =	vst @!p5 v1;
	v1 =	vor.u32 @!p5 v0, v3  }
0x9e: {  	v3 =	vor.u32 @!p5 v0, v4;
	v2 =	vshll.u32 @!p5 v2, $0x1;
	[tilespmem:$0xEBB0] =	vst @!p5 v1  }
0x9f: {  	s5 =	simm.s32 @!p1 $0x2;
	[tilespmem:$0xEB70] =	vst @!p5 v3;
	v1 =	vor.u32 @!p5 v0, v2  }
0xa0: {  	s6 =	simm.s32 @!p5 $0x80;
	s24 =	simm.s32 @!p5 $0xEB60;
	s1 =	simm.s32 @!p5 $0xED60;
	[tilespmem:$0xEB80] =	vst @!p5 v1  }
0xa1: {  	[tilespmem:s1], [sflag:$0x1] =	stream.indirect.gather @!p5 [hbm4b:s0+s6], $0x40, s24, s6, $0xb8;
	[tilespmem:$0x13D60] =	vst v63  }
0xa2: {  	_ =	swait.ge @!p1 [sflag:s5], $0x2000  }
0xa3: {  	[sflag:s5] =	ssyncset.done @!p1 $0x0  }
0xa4: {  	[sflag:s5] =	ssyncadd.s32 @!p1 $0xFFFFE000  }
0xa5: {  	[spmem:s2] =	stream.indirect.scatter.add.f32 @!p1 [tilespmem:s28], [sflag:$0x4], $0x40, s17, s26, $0xb8;
	[tilespmem:$0x13D60] =	vst v63  }
0xa6: {  	s1 =	simm.s32 @!p2 $0xECE0;
	_ =	swait.ge @!p1 [sflag:s16], $0x2000  }
0xa7: {  	p0 =	por p3, p1;
	s5 =	simm.s32 @!p2 $0x13560;
	[sflag:s16] =	ssyncset.done @!p1 $0x0  }
0xa8: {  	s6 =	simm.s32 @!p2 $0x80;
	[sflag:s16] =	ssyncadd.s32 @!p1 $0xFFFFE000;
	s16 =	simm.s32 @!p0 $0x4  }
0xa9: {  	[spmem:s4] =	stream.indirect.scatter.add.f32 @!p2 [tilespmem:s5], [sflag:$0x3], $0x10, s1, s6, $0xb8;
	[tilespmem:$0x13D60] =	vst v63  }
0xaa: {  	s1 =	sadd.s32 @!p0 $0x1000, s21;
	s5 =	simm.s32 @!p0 $0x0;
	s6 =	simm.s32 @!p0 $0x12D60  }
0xab: {  	[tilespmem:s6], [sflag:$0x4] =	stream.linear.gather @!p0 [hbm4b:s1+s5], $0x800, $0x38;
	[tilespmem:$0x13D60] =	vst v63  }
0xac: {  	s18 =	simm.s32 @p2 $0x4;
	s21 =	smov.u32 s19;
	_ =	swait.ge @!p0 [sflag:s16], $0x800  }
0xad: {  	s1 =	sadd.s32 $0xFFFFFFF0, s25;
	s5 =	simm.s32 @!p0 $0xECE0;
	[sflag:s16] =	ssyncset.done @!p0 $0x0  }
0xae: {  	p2 =	sgt.u32 s1, $0x9C3;
	s1 =	simm.s32 @!p0 $0x80;
	[sflag:s16] =	ssyncadd.s32 @!p0 $0xFFFFF800  }
0xaf: {  	[spmem:s3] =	stream.indirect.scatter.add.f32 @!p0 [tilespmem:s6], [sflag:$0x4], $0x10, s5, s1, $0xb8;
	[tilespmem:$0x13D60] =	vst v63  }
0xb0: {  	s1 =	sadd.s32 @!p2 s29, s14;
	s5 =	simm.s32 @!p2 $0xEAE0;
	_ =	swait.ge @!p1 [sflag:s18], $0x800  }
0xb1: {  	s24 =	simm.s32 @!p2 $0x0;
	s6 =	sadd.s32 @!p2 $0x100, s1;
	[sflag:s18] =	ssyncset.done @!p1 $0x0  }
0xb2: {  	s16 =	simm.s32 @!p2 $0x4;
	s1 =	sadd.s32 @!p2 $0x9D40, s1;
	[sflag:s18] =	ssyncadd.s32 @!p1 $0xFFFFF800  }
0xb3: {  	[tilespmem:s5], [sflag:$0x4] =	stream.linear.gather @!p2 [hbm4b:s6+s24], $0x80, $0x38;
	[tilespmem:$0x13D60] =	vst v63  }
0xb4: {  	p3 =	sne.s32 @!p2 s22, s9;
	p1 =	por p2, p2;
	_ =	swait.ge @!p2 [sflag:s16], $0x80  }
0xb5: {  	p2 =	por !p3, p1;
	[sflag:s16] =	ssyncset.done @!p1 $0x0  }
0xb6: {  	s17 =	simm.s32 @!p1 $0xECE0;
	s18 =	simm.s32 @!p2 $0x3;
	[sflag:s16] =	ssyncadd.s32 @!p1 $0xFFFFFF80  }
0xb7: {  	[tilespmem:s17], [sflag:$0x4] =	stream.linear.gather @!p1 [hbm4b:s1+s24], $0x80, $0x38;
	[tilespmem:$0x13D60] =	vst v63  }
0xb8: {  	_ =	swait.ge @!p1 [sflag:s16], $0x80  }
0xb9: {  	[sflag:s16] =	ssyncset.done @!p1 $0x0  }
0xba: {  	[sflag:s16] =	ssyncadd.s32 @!p1 $0xFFFFFF80  }
0xbb: {  	v1 =	vld @!p1 [tilespmem:$0xEB50]  }
0xbc: {  	s1 =	sadd.s32 $0xFFFFFFE0, s25;
	v2 =	vld @!p1 [tilespmem:$0xEB40]  }
0xbd: {  	p6 =	sgt.u32 s1, $0x9C3;
	v3 =	vld @!p1 [tilespmem:$0xEAF0]  }
0xbe: {  	s1 =	simm.s32 @!p6 $0x1;
	v4 =	vld @!p1 [tilespmem:$0xEB30]  }
0xbf: {  	v5 =	vld @!p1 [tilespmem:$0xEB10]  }
0xc0: {  	v6 =	vld @!p1 [tilespmem:$0xEAE0]  }
0xc1: {  	s6 =	simm.s32 @!p6 $0xED60;
	s5 =	simm.s32 @!p6 $0x4;
	v1 =	vshll.u32 @!p1 v1, $0x1;
	v7 =	vld @!p1 [tilespmem:$0xEB00];
	v2 =	vshll.u32 @!p1 v2, $0x1  }
0xc2: {  	s24 =	simm.s32 @!p6 $0x80;
	s8 =	simm.s32 @!p6 $0xEC60;
	v1 =	vor.u32 @!p1 v0, v1;
	v3 =	vshll.u32 @!p1 v3, $0x1;
	v8 =	vld @!p1 [tilespmem:$0xEB20];
	v2 =	vor.u32 @!p1 v0, v2  }
0xc3: {  	v3 =	vor.u32 @!p1 v0, v3;
	v4 =	vshll.u32 @!p1 v4, $0x1;
	[tilespmem:$0xEC40] =	vst @!p1 v2  }
0xc4: {  	p0 =	sne.s32 @!p6 s22, s9;
	v2 =	vshll.u32 @!p1 v5, $0x1;
	v4 =	vor.u32 @!p1 v0, v4;
	[tilespmem:$0xEC50] =	vst @!p1 v1  }
0xc5: {  	p5 =	por !p0, p6;
	v1 =	vshll.u32 @!p1 v6, $0x1;
	v2 =	vor.u32 @!p1 v0, v2;
	[tilespmem:$0xEC30] =	vst @!p1 v4  }
0xc6: {  	v1 =	vor.u32 @!p1 v0, v1;
	v4 =	vshll.u32 @!p1 v7, $0x1;
	[tilespmem:$0xEC10] =	vst @!p1 v2  }
0xc7: {  	[tilespmem:$0xEBF0] =	vst @!p1 v3;
	v2 =	vor.u32 @!p1 v0, v4;
	v3 =	vshll.u32 @!p1 v8, $0x1  }
0xc8: {  	p0 =	por p0, p6;
	[tilespmem:$0xEC00] =	vst @!p1 v2;
	v2 =	vor.u32 @!p1 v0, v3  }
0xc9: {  	s10 =	simm.s32 @!p0 $0x0;
	s12 =	simm.s32 @!p0 $0x12D60;
	[tilespmem:$0xEC20] =	vst @!p1 v2  }
0xca: {  	s26 =	simm.s32 @!p1 $0x80;
	s13 =	simm.s32 @!p1 $0xEBE0;
	s28 =	simm.s32 @!p1 $0x10D60;
	[tilespmem:$0xEBE0] =	vst @!p1 v1  }
0xcb: {  	[tilespmem:s28], [sflag:$0x2] =	stream.indirect.gather @!p1 [hbm4b:s0+s26], $0x40, s13, s26, $0xb8;
	[tilespmem:$0x13D60] =	vst v63  }
0xcc: {  	_ =	swait.ge @!p6 [sflag:s1], $0x2000  }
0xcd: {  	s15 =	simm.s32 @!p0 $0xEC60;
	s13 =	simm.s32 @!p0 $0x80;
	[sflag:s1] =	ssyncset.done @!p6 $0x0  }
0xce: {  	[sflag:s1] =	ssyncadd.s32 @!p6 $0xFFFFE000  }
0xcf: {  	[spmem:s2] =	stream.indirect.scatter.add.f32 @!p6 [tilespmem:s6], [sflag:$0x4], $0x40, s8, s24, $0xb8;
	[tilespmem:$0x13D60] =	vst v63  }
0xd0: {  	s1 =	simm.s32 @!p5 $0x13560;
	_ =	swait.ge @!p6 [sflag:s5], $0x2000  }
0xd1: {  	s6 =	simm.s32 @!p5 $0x80;
	s8 =	simm.s32 @!p5 $0xEC60;
	[sflag:s5] =	ssyncset.done @!p6 $0x0  }
0xd2: {  	[sflag:s5] =	ssyncadd.s32 @!p6 $0xFFFFE000  }
0xd3: {  	s24 =	simm.s32 @!p0 $0x4  }
0xd4: {  	[spmem:s4] =	stream.indirect.scatter.add.f32 @!p5 [tilespmem:s1], [sflag:$0x4], $0x10, s8, s6, $0xb8;
	[tilespmem:$0x13D60] =	vst v63  }
0xd5: {  	_ = 	snop  }
0xd6: {  	[tilespmem:s12], [sflag:$0x4] =	stream.linear.gather @!p0 [hbm4b:s19+s10], $0x800, $0x38;
	[tilespmem:$0x13D60] =	vst v63  }
0xd7: {  	_ =	swait.ge @!p0 [sflag:s24], $0x800  }
0xd8: {  	[sflag:s24] =	ssyncset.done @!p0 $0x0  }
0xd9: {  	[sflag:s24] =	ssyncadd.s32 @!p0 $0xFFFFF800  }
0xda: {  	[spmem:s3] =	stream.indirect.scatter.add.f32 @!p0 [tilespmem:s12], [sflag:$0x4], $0x10, s15, s13, $0xb8;
	[tilespmem:$0x13D60] =	vst v63  }
0xdb: {  	p5 =	sgt.u32 s25, $0x9C3;
	_ =	swait.ge @!p6 [sflag:s5], $0x800  }
0xdc: {  	s1 =	sadd.s32 @!p5 s29, s14;
	s6 =	simm.s32 @!p5 $0x0;
	[sflag:s5] =	ssyncset.done @!p6 $0x0  }
0xdd: {  	s8 =	simm.s32 @!p5 $0xEA60;
	[sflag:s5] =	ssyncadd.s32 @!p6 $0xFFFFF800;
	s5 =	sadd.s32 @!p5 $0x200, s1  }
0xde: {  	[tilespmem:s8], [sflag:$0x4] =	stream.linear.gather @!p5 [hbm4b:s5+s6], $0x80, $0x38;
	[tilespmem:$0x13D60] =	vst v63  }
0xdf: {  	s1 =	sadd.s32 @!p5 $0x9E40, s1;
	s5 =	simm.s32 @!p5 $0x4  }
0xe0: {  	_ =	swait.ge @!p5 [sflag:s5], $0x80  }
0xe1: {  	[sflag:s5] =	ssyncset.done @!p5 $0x0  }
0xe2: {  	s8 =	simm.s32 @!p5 $0xEC60;
	[sflag:s5] =	ssyncadd.s32 @!p5 $0xFFFFFF80  }
0xe3: {  	[tilespmem:s8], [sflag:$0x4] =	stream.linear.gather @!p5 [hbm4b:s1+s6], $0x80, $0x38;
	[tilespmem:$0x13D60] =	vst v63  }
.Ltmp0:
0xe4: {  	_ =	swait.ge @!p5 [sflag:s5], $0x80;
	(pc) =	sbr.rel @p4 .LBB2_2-.Ltmp0, $4  }
0xe5: {  	[sflag:s5] =	ssyncset.done @!p5 $0x0  }
0xe6: {  	[sflag:s5] =	ssyncadd.s32 @!p5 $0xFFFFFF80  }
0xe7: {  	v2 =	vld @!p5 [tilespmem:$0xEA60]  }
0xe8: {  	v1 =	vld @!p5 [tilespmem:$0xEAC0]  }
0xe9: {  	v3 =	vld @!p5 [tilespmem:$0xEAD0]  }
0xea: {  	v4 =	vld @!p5 [tilespmem:$0xEA90]  }
0xeb: {  	v5 =	vld @!p5 [tilespmem:$0xEAA0]  }
0xec: {  	v6 =	vld @!p5 [tilespmem:$0xEAB0];
	v2 =	vshll.u32 @!p5 v2, $0x1  }
0xed: {  	v7 =	vld @!p5 [tilespmem:$0xEA70];
	v2 =	vor.u32 @!p5 v0, v2;
	v1 =	vshll.u32 @!p5 v1, $0x1  }
0xee: {  	[tilespmem:$0xEB60] =	vst @!p5 v2;
	v2 =	vld @!p5 [tilespmem:$0xEA80];
	v1 =	vor.u32 @!p5 v0, v1;
	v3 =	vshll.u32 @!p5 v3, $0x1  }
0xef: {  	v4 =	vshll.u32 @!p5 v4, $0x1;
	[tilespmem:$0xEBC0] =	vst @!p5 v1;
	v1 =	vor.u32 @!p5 v0, v3  }
0xf0: {  	v3 =	vor.u32 @!p5 v0, v4;
	v4 =	vshll.u32 @!p5 v5, $0x1;
	[tilespmem:$0xEBD0] =	vst @!p5 v1  }
0xf1: {  	[tilespmem:$0xEB90] =	vst @!p5 v3;
	v1 =	vor.u32 @!p5 v0, v4;
	v3 =	vshll.u32 @!p5 v6, $0x1  }
0xf2: {  	v4 =	vshll.u32 @!p5 v7, $0x1;
	[tilespmem:$0xEBA0] =	vst @!p5 v1;
	v1 =	vor.u32 @!p5 v0, v3  }
0xf3: {  	v3 =	vor.u32 @!p5 v0, v4;
	[tilespmem:$0xEBB0] =	vst @!p5 v1;
	v2 =	vshll.u32 @!p5 v2, $0x1  }
0xf4: {  	[tilespmem:$0xEB70] =	vst @!p5 v3;
	v1 =	vor.u32 @!p5 v0, v2  }
0xf5: {  	s1 =	simm.s32 @!p5 $0x80;
	s5 =	simm.s32 @!p5 $0xEB60;
	s6 =	simm.s32 @!p5 $0xED60;
	[tilespmem:$0xEB80] =	vst @!p5 v1  }
0xf6: {  	[tilespmem:s6], [sflag:$0x1] =	stream.indirect.gather @!p5 [hbm4b:s0+s1], $0x40, s5, s1, $0xb8;
	[tilespmem:$0x13D60] =	vst v63  }
0xf7: {  	s1 =	simm.s32 @!p1 $0x2  }
0xf8: {  	_ =	swait.ge @!p1 [sflag:s1], $0x2000  }
0xf9: {  	[sflag:s1] =	ssyncset.done @!p1 $0x0  }
0xfa: {  	[sflag:s1] =	ssyncadd.s32 @!p1 $0xFFFFE000  }
0xfb: {  	[spmem:s2] =	stream.indirect.scatter.add.f32 @!p1 [tilespmem:s28], [sflag:$0x4], $0x40, s17, s26, $0xb8;
	[tilespmem:$0x13D60] =	vst v63  }
0xfc: {  	_ =	swait.ge @!p1 [sflag:s16], $0x2000  }
0xfd: {  	p0 =	por p3, p1;
	s5 =	simm.s32 @!p2 $0x13560;
	[sflag:s16] =	ssyncset.done @!p1 $0x0  }
0xfe: {  	s6 =	simm.s32 @!p2 $0x80;
	s1 =	simm.s32 @!p2 $0xECE0;
	[sflag:s16] =	ssyncadd.s32 @!p1 $0xFFFFE000  }
0xff: {  	[spmem:s4] =	stream.indirect.scatter.add.f32 @!p2 [tilespmem:s5], [sflag:$0x3], $0x10, s1, s6, $0xb8;
	[tilespmem:$0x13D60] =	vst v63  }
0x100: {  	s1 =	sadd.s32 @!p0 $0x1000, s21;
	s5 =	simm.s32 @!p0 $0x0;
	s6 =	simm.s32 @!p0 $0x12D60  }
0x101: {  	[tilespmem:s6], [sflag:$0x4] =	stream.linear.gather @!p0 [hbm4b:s1+s5], $0x800, $0x38;
	[tilespmem:$0x13D60] =	vst v63  }
0x102: {  	s1 =	simm.s32 @!p0 $0x4  }
0x103: {  	_ =	swait.ge @!p0 [sflag:s1], $0x800  }
0x104: {  	s18 =	simm.s32 @p2 $0x4;
	[sflag:s1] =	ssyncset.done @!p0 $0x0  }
0x105: {  	s5 =	simm.s32 @!p0 $0xECE0;
	[sflag:s1] =	ssyncadd.s32 @!p0 $0xFFFFF800;
	s1 =	simm.s32 @!p0 $0x80  }
0x106: {  	[spmem:s3] =	stream.indirect.scatter.add.f32 @!p0 [tilespmem:s6], [sflag:$0x4], $0x10, s5, s1, $0xb8;
	[tilespmem:$0x13D60] =	vst v63  }
0x107: {  	_ =	swait.ge @!p1 [sflag:s18], $0x800  }
0x108: {  	[sflag:s18] =	ssyncset.done @!p1 $0x0  }
0x109: {  	[sflag:s18] =	ssyncadd.s32 @!p1 $0xFFFFF800  }
0x10a: {  	[bflag:$0x0] =	sbarrier.arrive $0xFFFF  }
0x10b: {  	s19 =	rddreg [dreg:$0xd]  }
0x10c: {  	s20 =	rddreg [dreg:$0x19]  }
0x10d: {  	[hbm:s19], [sflag:s11] =	dma.local [spmem:s20], $0x1380  }
0x10e: {  	_ =	swait.ge [sflag:s30], $0x1380  }
0x10f: {  	[sflag:s30] =	ssyncset.done $0x0;
	s21 =	rddreg [dreg:$0xe]  }
0x110: {  	s24 =	rddreg [dreg:$0x1a];
	[sflag:s30] =	ssyncadd.s32 $0xFFFFEC80  }
0x111: {  	[hbm:s21], [sflag:s11] =	dma.local [spmem:s24], $0x4E0  }
0x112: {  	_ =	swait.ge [sflag:s30], $0x4E0  }
0x113: {  	[sflag:s30] =	ssyncset.done $0x0;
	s25 =	rddreg [dreg:$0xf]  }
0x114: {  	s26 =	rddreg [dreg:$0x1b];
	[sflag:s30] =	ssyncadd.s32 $0xFFFFFB20  }
0x115: {  	[hbm:s25], [sflag:s11] =	dma.local [spmem:s26], $0x4E0  }
0x116: {  	_ =	swait.ge [sflag:s30], $0x4E0  }
0x117: {  	s28 =	sld [smem:$0x7FD];
	_ =	sdelay $0x1  }
0x118: {  	[sflag:s30] =	ssyncset.done $0x0;
	s1 =	rddreg [dreg:$0x14]  }
0x119: {  	s5 =	rddreg [dreg:$0x1c];
	[sflag:s30] =	ssyncadd.s32 $0xFFFFFB20;
	p1 =	seq.s32 s28, $0x1  }
0x11a: {  	[hbm:s1], [sflag:s11] =	dma.local @!p1 [spmem:s5], $0x80  }
0x11b: {  	s1 =	simm.s32 @!p1 $0x3  }
0x11c: {  	_ =	swait.ge @!p1 [sflag:s1], $0x80  }
0x11d: {  	[sflag:s1] =	ssyncset.done @!p1 $0x0;
	s5 =	rddreg [dreg:$0x10]  }
0x11e: {  	s6 =	rddreg [dreg:$0x1d];
	[sflag:s1] =	ssyncadd.s32 @!p1 $0xFFFFFF80  }
0x11f: {  	[hbm:s5], [sflag:s11] =	dma.local @!p1 [spmem:s6], $0x20  }
0x120: {  	_ =	swait.ge @!p1 [sflag:s1], $0x20  }
0x121: {  	[sflag:s1] =	ssyncset.done @!p1 $0x0;
	s5 =	rddreg [dreg:$0x11]  }
0x122: {  	s6 =	rddreg [dreg:$0x1e];
	[sflag:s1] =	ssyncadd.s32 @!p1 $0xFFFFFFE0  }
0x123: {  	[hbm:s5], [sflag:s11] =	dma.local @!p1 [spmem:s6], $0x20  }
0x124: {  	_ =	swait.ge @!p1 [sflag:s1], $0x20  }
0x125: {  	s31 =	sadd.s32 $0x1, s31;
	s29 =	rddreg [dreg:$0x15]  }
0x126: {  	p0 =	sne.s32 s31, s29  }
.Ltmp1:
0x127: {  	_ = 	snop;
	(pc) =	sbr.rel @p0 .LBB2_1-.Ltmp1, $3  }
0x128: {  	_ =	sdelay $0x1  }
0x129: {  	[sflag:s1] =	ssyncset.done @!p1 $0x0  }
0x12a: {  	[sflag:s1] =	ssyncadd.s32 @!p1 $0xFFFFFFE0  }
0x12b: {  	_ =	sfence.sel $0x180000  }
0x12c: {  	[bflag:$0x0] =	sbarrier.arrive $0xFFFF  }
0x12d: {  	_ =	strace $0x90000047  }
0x12e: {  	[bflag:$0x2] =	sbarrier.arrive $0xFFFF  }
0x12f: {  	s0 =	rddreg [dreg:$0x7]  }
0x130: {  	s0 =	sadd.s32 @!p1 $0x100000, s0  }
0x131: {  	[sflag:s0] =	ssyncadd.tile.s32 @!p1 $0x1;
	_ =	shalt  }
.Lfunc_end2:
_tile_overlayer_lowered:
.L_overlay_start_2:
0x132: {  	(tag) =	ssettag $0x2  }
0x133: {  	s0 =	rddreg [dreg:$0x0];
	s2 =	stileid.u32  }
0x134: {  	s1 =	rddreg [dreg:$0x1];
	p0 =	sne.s32 s2, $0x0  }
0x135: {  	s3 =	rddreg [dreg:$0x2];
	[bflag:$0x3] =	sbarrier.arrive $0xFFFF;
	s2 =	simm.s32 @!p0 $0x1C03  }
0x136: {  	[timem:s3], [sflag:s2] =	dma.local @!p0 [hbm:s0], s1  }
0x137: {  	s0 =	simm.s32 @!p0 $0x3  }
0x138: {  	_ =	swait.ge @!p0 [sflag:s0], s1  }
0x139: {  	s1 =	ssub.s32 @!p0 $0x0, s1;
	[sflag:s0] =	ssyncset.done @!p0 $0x0  }
0x13a: {  	[sflag:s0] =	ssyncadd.s32 @!p0 s1  }
0x13b: {  	[bflag:$0x3] =	sbarrier.arrive $0xFFFF  }
0x13c: {  	_ =	shalt  }

</sc_bundles>
